<compile_context>
chip_gen: v7x
topology: tpu7x:2x2x1
jax: 0.10.2.dev20260603
libtpu: 0.0.44.dev20260713+nightly
codegen_flags: <defaults>
</compile_context>

<pallas_src>
import functools
import math

import jax
import jax.numpy as jnp
from jax import lax
from jax.experimental import pallas as pl
from jax.experimental.pallas import tpu as pltpu
from jax.experimental.pallas import tpu_sc as plsc

D_MODEL = 64
SCALE = math.sqrt(D_MODEL)

_info = plsc.get_sparse_core_info()
_NC, _NS, _L = _info.num_cores, _info.num_subcores, _info.num_lanes
_NW = _NC * _NS

IDX_W = 128
CHUNK = 2
ROWS_PER_CHUNK = CHUNK * IDX_W
NBUF = 4
LOOKAHEAD = 2


def _sc_embed(table, idx2d):
  n_idx_rows = idx2d.shape[0]
  rows_per_worker = n_idx_rows // _NW
  chunks = rows_per_worker // CHUNK
  assert chunks % NBUF == 0
  total_rows = n_idx_rows * IDX_W

  mesh = plsc.VectorSubcoreMesh(core_axis_name="c", subcore_axis_name="s")

  @functools.partial(
      pl.kernel,
      mesh=mesh,
      out_type=jax.ShapeDtypeStruct((total_rows, D_MODEL), jnp.float32),
      scratch_types=[
          pltpu.VMEM((rows_per_worker, IDX_W), jnp.int32),
      ] + [pltpu.VMEM((ROWS_PER_CHUNK, D_MODEL), jnp.float32)] * NBUF
        + [pltpu.SemaphoreType.DMA] * (2 * NBUF),
      compiler_params=pltpu.CompilerParams(use_tc_tiling_on_sc=False),
  )
  def k(table_hbm, idx_hbm, out_hbm, idx_all, *bufs_and_sems):
    rows_v = bufs_and_sems[:NBUF]
    gsem = bufs_and_sems[NBUF:2 * NBUF]
    ssem = bufs_and_sems[2 * NBUF:]

    wid = lax.axis_index("s") * _NC + lax.axis_index("c")
    out_base0 = wid * rows_per_worker * IDX_W

    pltpu.sync_copy(idx_hbm.at[pl.ds(wid * rows_per_worker, rows_per_worker)],
                    idx_all)

    def fire_gathers(m, b):
      for j in range(CHUNK):
        pltpu.async_copy(
            table_hbm.at[idx_all.at[m * CHUNK + j]],
            rows_v[b].at[pl.ds(j * IDX_W, IDX_W)],
            gsem[b],
        )

    def drain_store(b):
      pltpu.make_async_copy(
          rows_v[b], out_hbm.at[pl.ds(0, ROWS_PER_CHUNK)], ssem[b]).wait()

    def process(ci, b):
      for j in range(CHUNK):
        pltpu.make_async_copy(
            table_hbm.at[idx_all.at[ci * CHUNK + j]],
            rows_v[b].at[pl.ds(j * IDX_W, IDX_W)],
            gsem[b],
        ).wait()

      def scale_body(r, c2):
        for j in range(D_MODEL // _L):
          v = rows_v[b][r, pl.ds(j * _L, _L)]
          rows_v[b][r, pl.ds(j * _L, _L)] = v * SCALE
        return c2

      lax.fori_loop(0, ROWS_PER_CHUNK, scale_body, 0, unroll=8)
      pltpu.async_copy(
          rows_v[b],
          out_hbm.at[pl.ds(out_base0 + ci * ROWS_PER_CHUNK, ROWS_PER_CHUNK)],
          ssem[b],
      )

    for m in range(LOOKAHEAD):
      fire_gathers(m, m % NBUF)

    def group_body(g, carry):
      for b in range(NBUF):
        ci = g * NBUF + b
        m = ci + LOOKAHEAD
        bm = (b + LOOKAHEAD) % NBUF

        @pl.when(m < chunks)
        def _():
          @pl.when(m >= NBUF)
          def _():
            drain_store(bm)
          fire_gathers(m, bm)

        process(ci, b)
      return carry

    lax.fori_loop(0, chunks // NBUF, group_body, 0)

    for b in range(NBUF):
      drain_store(b)

  return k(table, idx2d)


def kernel(x, table):
  b, s = x.shape
  idx2d = x.reshape(-1, IDX_W).astype(jnp.int32)
  out = _sc_embed(table, idx2d)
  return out.reshape(b, s, D_MODEL)

# --- scband reference (transcript-rebuilt; emitter-appended) ---
"""Pipeline reference for scband-input-embeddings-6193342841652 (READ-ONLY COPY).

The authoritative reference and input builder live on the scoring server;
editing this copy changes nothing except your own understanding.
"""

import jax, jax.numpy as jnp
import numpy as np
import math

D_MODEL = 64
VOCAB_SIZE = 1000000

def setup_inputs(seed: int = 0) -> dict:
    key = jax.random.key(seed)
    k1, k2 = jax.random.split(key)
    x = jax.random.randint(k1, (4096, 200), 0, VOCAB_SIZE, dtype=jnp.int64 if jax.config.jax_enable_x64 else jnp.int32)
    table = jax.random.normal(k2, (VOCAB_SIZE, D_MODEL), dtype=jnp.float32)
    return {"x": x, "table": table}

def reference(x, table):
    scale = math.sqrt(D_MODEL)
    return jnp.take(table, x, axis=0) * scale

if __name__ == "__main__":
    import jax
    _d = setup_inputs()
    print(jax.jit(kernel)(*tuple(_d.values())))

</pallas_src>

<mosaic_0001>
#map = affine_map<(d0, d1) -> (0, 0)>
module attributes {stable_mosaic.version = 14 : i64} {
  func.func @k(%arg0: i32, %arg1: i32, %arg2: memref<1000000x64xf32, #tpu.memory_space<hbm>>, %arg3: memref<6400x128xi32, #tpu.memory_space<hbm>>, %arg4: memref<819200x64xf32, #tpu.memory_space<hbm>>, %arg5: memref<200x128xi32, #tpu.memory_space<vmem>>, %arg6: memref<256x64xf32, #tpu.memory_space<vmem>>, %arg7: memref<256x64xf32, #tpu.memory_space<vmem>>, %arg8: memref<256x64xf32, #tpu.memory_space<vmem>>, %arg9: memref<256x64xf32, #tpu.memory_space<vmem>>, %arg10: memref<!tpu.dma_semaphore, #tpu.memory_space<semaphore_mem>>, %arg11: memref<!tpu.dma_semaphore, #tpu.memory_space<semaphore_mem>>, %arg12: memref<!tpu.dma_semaphore, #tpu.memory_space<semaphore_mem>>, %arg13: memref<!tpu.dma_semaphore, #tpu.memory_space<semaphore_mem>>, %arg14: memref<!tpu.dma_semaphore, #tpu.memory_space<semaphore_mem>>, %arg15: memref<!tpu.dma_semaphore, #tpu.memory_space<semaphore_mem>>, %arg16: memref<!tpu.dma_semaphore, #tpu.memory_space<semaphore_mem>>, %arg17: memref<!tpu.dma_semaphore, #tpu.memory_space<semaphore_mem>>) attributes {dimension_semantics = [#tpu.dimension_semantics<core_parallel>, #tpu.dimension_semantics<subcore_parallel>], iteration_bounds = array<i64: 2, 16>, scalar_prefetch = 0 : i64, scratch_operands = 13 : i64, tpu.core_type = #tpu.core_type<sc_vector_subcore>, window_params = [{transform_indices = #map}, {transform_indices = #map}, {transform_indices = #map}]} {
    %mul3A = arith.constant 2 : i32
    %mul3A_0 = arith.muli %arg1, %mul3A : i32
    %add3A = arith.addi %mul3A_0, %arg0 : i32
    %mul3A_1 = arith.constant 200 : i32
    %mul3A_2 = arith.muli %add3A, %mul3A_1 : i32
    %mul3A_3 = arith.constant 128 : i32
    %mul3A_4 = arith.muli %mul3A_2, %mul3A_3 : i32
    %mul3A_5 = arith.constant 200 : i32
    %mul3A_6 = arith.muli %add3A, %mul3A_5 : i32
    "tpu.region"() ({
      %run_scoped3A = tpu.sem_alloc : memref<!tpu.dma_semaphore, #tpu.memory_space<semaphore_mem>>
      %dma_start3A_74 = arith.constant 0 : i32
      %dma_start3A_75 = tpu.memref_slice %arg3[%mul3A_6, %dma_start3A_74] : memref<6400x128xi32, #tpu.memory_space<hbm>> -> memref<200x128xi32, #tpu.memory_space<hbm>>
      %dma_start3A_76 = arith.constant 0 : i32
      %dma_start3A_77 = tpu.memref_slice %arg3[%mul3A_6, %dma_start3A_76] : memref<6400x128xi32, #tpu.memory_space<hbm>> -> memref<200x128xi32, #tpu.memory_space<hbm>>
      tpu.enqueue_dma source(%dma_start3A_77 : memref<200x128xi32, #tpu.memory_space<hbm>>) target(%arg5 : memref<200x128xi32, #tpu.memory_space<vmem>>) target_semaphore(%run_scoped3A : memref<!tpu.dma_semaphore, #tpu.memory_space<semaphore_mem>>)
      %dma_wait3A_78 = arith.constant 0 : i32
      %dma_wait3A_79 = tpu.memref_slice %arg3[%mul3A_6, %dma_wait3A_78] : memref<6400x128xi32, #tpu.memory_space<hbm>> -> memref<200x128xi32, #tpu.memory_space<hbm>>
      %dma_wait3A_80 = arith.constant 0 : i32
      %dma_wait3A_81 = tpu.memref_slice %arg3[%mul3A_6, %dma_wait3A_80] : memref<6400x128xi32, #tpu.memory_space<hbm>> -> memref<200x128xi32, #tpu.memory_space<hbm>>
      tpu.wait_dma2 semaphore(%run_scoped3A : memref<!tpu.dma_semaphore, #tpu.memory_space<semaphore_mem>>) src(%dma_wait3A_81 : memref<200x128xi32, #tpu.memory_space<hbm>>) dst(%arg5 : memref<200x128xi32, #tpu.memory_space<vmem>>)
      tpu.yield
    }) : () -> ()
    %dma_start3A = arith.constant 0 : i32
    %dma_start3A_7 = arith.constant 0 : i32
    %dma_start3A_8 = arith.constant 0 : i32
    %dma_start3A_9 = tpu.memref_slice %arg6[%dma_start3A_7, %dma_start3A_8] : memref<256x64xf32, #tpu.memory_space<vmem>> -> memref<128x64xf32, #tpu.memory_space<vmem>>
    %dma_start3A_10 = arith.constant 0 : i32
    %dma_start3A_11 = tpu.memref_slice %arg5[%dma_start3A, %dma_start3A_10] : memref<200x128xi32, #tpu.memory_space<vmem>> -> memref<1x128xi32, #tpu.memory_space<vmem>>
    %dma_start3A_12 = tpu.memref_squeeze %dma_start3A_11 : memref<1x128xi32, #tpu.memory_space<vmem>> -> memref<128xi32, #tpu.memory_space<vmem>>
    %dma_start3A_13 = arith.constant 0 : i32
    %dma_start3A_14 = arith.constant 0 : i32
    %dma_start3A_15 = tpu.memref_slice %arg2[%dma_start3A_13, %dma_start3A_14] : memref<1000000x64xf32, #tpu.memory_space<hbm>> -> memref<1000000x64xf32, #tpu.memory_space<hbm>>
    tpu.enqueue_indirect_dma source(%dma_start3A_15 : memref<1000000x64xf32, #tpu.memory_space<hbm>>) target(%dma_start3A_9 : memref<128x64xf32, #tpu.memory_space<vmem>>) offsets(%dma_start3A_12 : memref<128xi32, #tpu.memory_space<vmem>>) semaphore(%arg10 : memref<!tpu.dma_semaphore, #tpu.memory_space<semaphore_mem>>)
    %dma_start3A_16 = arith.constant 1 : i32
    %dma_start3A_17 = arith.constant 128 : i32
    %dma_start3A_18 = arith.constant 0 : i32
    %dma_start3A_19 = tpu.memref_slice %arg6[%dma_start3A_17, %dma_start3A_18] : memref<256x64xf32, #tpu.memory_space<vmem>> -> memref<128x64xf32, #tpu.memory_space<vmem>>
    %dma_start3A_20 = arith.constant 0 : i32
    %dma_start3A_21 = tpu.memref_slice %arg5[%dma_start3A_16, %dma_start3A_20] : memref<200x128xi32, #tpu.memory_space<vmem>> -> memref<1x128xi32, #tpu.memory_space<vmem>>
    %dma_start3A_22 = tpu.memref_squeeze %dma_start3A_21 : memref<1x128xi32, #tpu.memory_space<vmem>> -> memref<128xi32, #tpu.memory_space<vmem>>
    %dma_start3A_23 = arith.constant 0 : i32
    %dma_start3A_24 = arith.constant 0 : i32
    %dma_start3A_25 = tpu.memref_slice %arg2[%dma_start3A_23, %dma_start3A_24] : memref<1000000x64xf32, #tpu.memory_space<hbm>> -> memref<1000000x64xf32, #tpu.memory_space<hbm>>
    tpu.enqueue_indirect_dma source(%dma_start3A_25 : memref<1000000x64xf32, #tpu.memory_space<hbm>>) target(%dma_start3A_19 : memref<128x64xf32, #tpu.memory_space<vmem>>) offsets(%dma_start3A_22 : memref<128xi32, #tpu.memory_space<vmem>>) semaphore(%arg10 : memref<!tpu.dma_semaphore, #tpu.memory_space<semaphore_mem>>)
    %dma_start3A_26 = arith.constant 2 : i32
    %dma_start3A_27 = arith.constant 0 : i32
    %dma_start3A_28 = arith.constant 0 : i32
    %dma_start3A_29 = tpu.memref_slice %arg7[%dma_start3A_27, %dma_start3A_28] : memref<256x64xf32, #tpu.memory_space<vmem>> -> memref<128x64xf32, #tpu.memory_space<vmem>>
    %dma_start3A_30 = arith.constant 0 : i32
    %dma_start3A_31 = tpu.memref_slice %arg5[%dma_start3A_26, %dma_start3A_30] : memref<200x128xi32, #tpu.memory_space<vmem>> -> memref<1x128xi32, #tpu.memory_space<vmem>>
    %dma_start3A_32 = tpu.memref_squeeze %dma_start3A_31 : memref<1x128xi32, #tpu.memory_space<vmem>> -> memref<128xi32, #tpu.memory_space<vmem>>
    %dma_start3A_33 = arith.constant 0 : i32
    %dma_start3A_34 = arith.constant 0 : i32
    %dma_start3A_35 = tpu.memref_slice %arg2[%dma_start3A_33, %dma_start3A_34] : memref<1000000x64xf32, #tpu.memory_space<hbm>> -> memref<1000000x64xf32, #tpu.memory_space<hbm>>
    tpu.enqueue_indirect_dma source(%dma_start3A_35 : memref<1000000x64xf32, #tpu.memory_space<hbm>>) target(%dma_start3A_29 : memref<128x64xf32, #tpu.memory_space<vmem>>) offsets(%dma_start3A_32 : memref<128xi32, #tpu.memory_space<vmem>>) semaphore(%arg11 : memref<!tpu.dma_semaphore, #tpu.memory_space<semaphore_mem>>)
    %dma_start3A_36 = arith.constant 3 : i32
    %dma_start3A_37 = arith.constant 128 : i32
    %dma_start3A_38 = arith.constant 0 : i32
    %dma_start3A_39 = tpu.memref_slice %arg7[%dma_start3A_37, %dma_start3A_38] : memref<256x64xf32, #tpu.memory_space<vmem>> -> memref<128x64xf32, #tpu.memory_space<vmem>>
    %dma_start3A_40 = arith.constant 0 : i32
    %dma_start3A_41 = tpu.memref_slice %arg5[%dma_start3A_36, %dma_start3A_40] : memref<200x128xi32, #tpu.memory_space<vmem>> -> memref<1x128xi32, #tpu.memory_space<vmem>>
    %dma_start3A_42 = tpu.memref_squeeze %dma_start3A_41 : memref<1x128xi32, #tpu.memory_space<vmem>> -> memref<128xi32, #tpu.memory_space<vmem>>
    %dma_start3A_43 = arith.constant 0 : i32
    %dma_start3A_44 = arith.constant 0 : i32
    %dma_start3A_45 = tpu.memref_slice %arg2[%dma_start3A_43, %dma_start3A_44] : memref<1000000x64xf32, #tpu.memory_space<hbm>> -> memref<1000000x64xf32, #tpu.memory_space<hbm>>
    tpu.enqueue_indirect_dma source(%dma_start3A_45 : memref<1000000x64xf32, #tpu.memory_space<hbm>>) target(%dma_start3A_39 : memref<128x64xf32, #tpu.memory_space<vmem>>) offsets(%dma_start3A_42 : memref<128xi32, #tpu.memory_space<vmem>>) semaphore(%arg11 : memref<!tpu.dma_semaphore, #tpu.memory_space<semaphore_mem>>)
    %scan3A = arith.constant 0 : i32
    %scan3A_46 = arith.constant 0 : i32
    %scan3A_47 = arith.constant 25 : i32
    %scan3A_48 = arith.addi %scan3A_46, %scan3A_47 : i32
    %scan3A_49 = arith.constant 1 : i32
    scf.for %scan3A_74 = %scan3A_46 to %scan3A_48 step %scan3A_49  : i32 {
      %mul3A_75 = arith.constant 4 : i32
      %mul3A_76 = arith.muli %scan3A_74, %mul3A_75 : i32
      %add3A_77 = arith.constant 0 : i32
      %add3A_78 = arith.addi %mul3A_76, %add3A_77 : i32
      %add3A_79 = arith.constant 2 : i32
      %add3A_80 = arith.addi %add3A_78, %add3A_79 : i32
      %lt3A = arith.constant 100 : i32
      %lt3A_81 = arith.cmpi slt, %add3A_80, %lt3A : i32
      %convert_element_type3A = arith.extui %lt3A_81 : i1 to i32
      %cond3A = arith.constant 0 : i32
      %cond3A_82 = arith.cmpi ne, %convert_element_type3A, %cond3A : i32
      scf.if %cond3A_82 {
        %ge3A = arith.constant 4 : i32
        %ge3A_272 = arith.cmpi sge, %add3A_80, %ge3A : i32
        %convert_element_type3A_273 = arith.extui %ge3A_272 : i1 to i32
        %cond3A_274 = arith.constant 0 : i32
        %cond3A_275 = arith.cmpi ne, %convert_element_type3A_273, %cond3A_274 : i32
        scf.if %cond3A_275 {
          %dma_wait3A_302 = arith.constant 0 : i32
          %dma_wait3A_303 = arith.constant 0 : i32
          %dma_wait3A_304 = tpu.memref_slice %arg4[%dma_wait3A_302, %dma_wait3A_303] : memref<819200x64xf32, #tpu.memory_space<hbm>> -> memref<256x64xf32, #tpu.memory_space<hbm>>
          %dma_wait3A_305 = arith.constant 0 : i32
          %dma_wait3A_306 = arith.constant 0 : i32
          %dma_wait3A_307 = tpu.memref_slice %arg4[%dma_wait3A_305, %dma_wait3A_306] : memref<819200x64xf32, #tpu.memory_space<hbm>> -> memref<256x64xf32, #tpu.memory_space<hbm>>
          tpu.wait_dma2 semaphore(%arg16 : memref<!tpu.dma_semaphore, #tpu.memory_space<semaphore_mem>>) src(%arg8 : memref<256x64xf32, #tpu.memory_space<vmem>>) dst(%dma_wait3A_307 : memref<256x64xf32, #tpu.memory_space<hbm>>)
        } else {
        }
        %mul3A_276 = arith.constant 2 : i32
        %mul3A_277 = arith.muli %add3A_80, %mul3A_276 : i32
        %add3A_278 = arith.constant 0 : i32
        %add3A_279 = arith.addi %mul3A_277, %add3A_278 : i32
        %dma_start3A_280 = arith.constant 0 : i32
        %dma_start3A_281 = arith.constant 0 : i32
        %dma_start3A_282 = tpu.memref_slice %arg8[%dma_start3A_280, %dma_start3A_281] : memref<256x64xf32, #tpu.memory_space<vmem>> -> memref<128x64xf32, #tpu.memory_space<vmem>>
        %dma_start3A_283 = arith.constant 0 : i32
        %dma_start3A_284 = tpu.memref_slice %arg5[%add3A_279, %dma_start3A_283] : memref<200x128xi32, #tpu.memory_space<vmem>> -> memref<1x128xi32, #tpu.memory_space<vmem>>
        %dma_start3A_285 = tpu.memref_squeeze %dma_start3A_284 : memref<1x128xi32, #tpu.memory_space<vmem>> -> memref<128xi32, #tpu.memory_space<vmem>>
        %dma_start3A_286 = arith.constant 0 : i32
        %dma_start3A_287 = arith.constant 0 : i32
        %dma_start3A_288 = tpu.memref_slice %arg2[%dma_start3A_286, %dma_start3A_287] : memref<1000000x64xf32, #tpu.memory_space<hbm>> -> memref<1000000x64xf32, #tpu.memory_space<hbm>>
        tpu.enqueue_indirect_dma source(%dma_start3A_288 : memref<1000000x64xf32, #tpu.memory_space<hbm>>) target(%dma_start3A_282 : memref<128x64xf32, #tpu.memory_space<vmem>>) offsets(%dma_start3A_285 : memref<128xi32, #tpu.memory_space<vmem>>) semaphore(%arg12 : memref<!tpu.dma_semaphore, #tpu.memory_space<semaphore_mem>>)
        %mul3A_289 = arith.constant 2 : i32
        %mul3A_290 = arith.muli %add3A_80, %mul3A_289 : i32
        %add3A_291 = arith.constant 1 : i32
        %add3A_292 = arith.addi %mul3A_290, %add3A_291 : i32
        %dma_start3A_293 = arith.constant 128 : i32
        %dma_start3A_294 = arith.constant 0 : i32
        %dma_start3A_295 = tpu.memref_slice %arg8[%dma_start3A_293, %dma_start3A_294] : memref<256x64xf32, #tpu.memory_space<vmem>> -> memref<128x64xf32, #tpu.memory_space<vmem>>
        %dma_start3A_296 = arith.constant 0 : i32
        %dma_start3A_297 = tpu.memref_slice %arg5[%add3A_292, %dma_start3A_296] : memref<200x128xi32, #tpu.memory_space<vmem>> -> memref<1x128xi32, #tpu.memory_space<vmem>>
        %dma_start3A_298 = tpu.memref_squeeze %dma_start3A_297 : memref<1x128xi32, #tpu.memory_space<vmem>> -> memref<128xi32, #tpu.memory_space<vmem>>
        %dma_start3A_299 = arith.constant 0 : i32
        %dma_start3A_300 = arith.constant 0 : i32
        %dma_start3A_301 = tpu.memref_slice %arg2[%dma_start3A_299, %dma_start3A_300] : memref<1000000x64xf32, #tpu.memory_space<hbm>> -> memref<1000000x64xf32, #tpu.memory_space<hbm>>
        tpu.enqueue_indirect_dma source(%dma_start3A_301 : memref<1000000x64xf32, #tpu.memory_space<hbm>>) target(%dma_start3A_295 : memref<128x64xf32, #tpu.memory_space<vmem>>) offsets(%dma_start3A_298 : memref<128xi32, #tpu.memory_space<vmem>>) semaphore(%arg12 : memref<!tpu.dma_semaphore, #tpu.memory_space<semaphore_mem>>)
      } else {
      }
      %mul3A_83 = arith.constant 2 : i32
      %mul3A_84 = arith.muli %add3A_78, %mul3A_83 : i32
      %add3A_85 = arith.constant 0 : i32
      %add3A_86 = arith.addi %mul3A_84, %add3A_85 : i32
      %dma_wait3A_87 = arith.constant 0 : i32
      %dma_wait3A_88 = arith.constant 0 : i32
      %dma_wait3A_89 = tpu.memref_slice %arg6[%dma_wait3A_87, %dma_wait3A_88] : memref<256x64xf32, #tpu.memory_space<vmem>> -> memref<128x64xf32, #tpu.memory_space<vmem>>
      %dma_wait3A_90 = arith.constant 0 : i32
      %dma_wait3A_91 = tpu.memref_slice %arg5[%add3A_86, %dma_wait3A_90] : memref<200x128xi32, #tpu.memory_space<vmem>> -> memref<1x128xi32, #tpu.memory_space<vmem>>
      %dma_wait3A_92 = tpu.memref_squeeze %dma_wait3A_91 : memref<1x128xi32, #tpu.memory_space<vmem>> -> memref<128xi32, #tpu.memory_space<vmem>>
      %dma_wait3A_93 = arith.constant 0 : i32
      %dma_wait3A_94 = arith.constant 0 : i32
      %dma_wait3A_95 = tpu.memref_slice %arg2[%dma_wait3A_93, %dma_wait3A_94] : memref<1000000x64xf32, #tpu.memory_space<hbm>> -> memref<1000000x64xf32, #tpu.memory_space<hbm>>
      tpu.wait_indirect_dma semaphore(%arg10 : memref<!tpu.dma_semaphore, #tpu.memory_space<semaphore_mem>>) src(%dma_wait3A_95 : memref<1000000x64xf32, #tpu.memory_space<hbm>>) dst(%dma_wait3A_89 : memref<128x64xf32, #tpu.memory_space<vmem>>)
      %mul3A_96 = arith.constant 2 : i32
      %mul3A_97 = arith.muli %add3A_78, %mul3A_96 : i32
      %add3A_98 = arith.constant 1 : i32
      %add3A_99 = arith.addi %mul3A_97, %add3A_98 : i32
      %dma_wait3A_100 = arith.constant 128 : i32
      %dma_wait3A_101 = arith.constant 0 : i32
      %dma_wait3A_102 = tpu.memref_slice %arg6[%dma_wait3A_100, %dma_wait3A_101] : memref<256x64xf32, #tpu.memory_space<vmem>> -> memref<128x64xf32, #tpu.memory_space<vmem>>
      %dma_wait3A_103 = arith.constant 0 : i32
      %dma_wait3A_104 = tpu.memref_slice %arg5[%add3A_99, %dma_wait3A_103] : memref<200x128xi32, #tpu.memory_space<vmem>> -> memref<1x128xi32, #tpu.memory_space<vmem>>
      %dma_wait3A_105 = tpu.memref_squeeze %dma_wait3A_104 : memref<1x128xi32, #tpu.memory_space<vmem>> -> memref<128xi32, #tpu.memory_space<vmem>>
      %dma_wait3A_106 = arith.constant 0 : i32
      %dma_wait3A_107 = arith.constant 0 : i32
      %dma_wait3A_108 = tpu.memref_slice %arg2[%dma_wait3A_106, %dma_wait3A_107] : memref<1000000x64xf32, #tpu.memory_space<hbm>> -> memref<1000000x64xf32, #tpu.memory_space<hbm>>
      tpu.wait_indirect_dma semaphore(%arg10 : memref<!tpu.dma_semaphore, #tpu.memory_space<semaphore_mem>>) src(%dma_wait3A_108 : memref<1000000x64xf32, #tpu.memory_space<hbm>>) dst(%dma_wait3A_102 : memref<128x64xf32, #tpu.memory_space<vmem>>)
      %scan3A_109 = arith.constant 0 : i32
      %scan3A_110 = arith.constant 0 : i32
      %scan3A_111 = arith.constant 256 : i32
      %scan3A_112 = arith.addi %scan3A_110, %scan3A_111 : i32
      %scan3A_113 = arith.constant 8 : i32
      scf.for %scan3A_272 = %scan3A_110 to %scan3A_112 step %scan3A_113  : i32 {
        %get3A = arith.index_cast %scan3A_272 : i32 to index
        %get3A_273 = arith.constant 0 : index
        %get3A_274 = tpu.vector_load %arg6[%get3A, %get3A_273] {strides = array<i32>} : memref<256x64xf32, #tpu.memory_space<vmem>>, vector<1x16xf32>,
        %get3A_275 = vector.shape_cast %get3A_274 : vector<1x16xf32> to vector<16xf32>
        %mul3A_276 = arith.constant 8.000000e+00 : f32
        %mul3A_277 = vector.broadcast %mul3A_276 : f32 to vector<16xf32>
        %mul3A_278 = arith.mulf %get3A_275, %mul3A_277 : vector<16xf32>
        %swap3A = arith.index_cast %scan3A_272 : i32 to index
        %swap3A_279 = arith.constant 0 : index
        %swap3A_280 = tpu.vector_load %arg6[%swap3A, %swap3A_279] {strides = array<i32>} : memref<256x64xf32, #tpu.memory_space<vmem>>, vector<1x16xf32>,
        %swap3A_281 = vector.shape_cast %swap3A_280 : vector<1x16xf32> to vector<16xf32>
        %swap3A_282 = vector.shape_cast %mul3A_278 : vector<16xf32> to vector<1x16xf32>
        tpu.vector_store %arg6[%swap3A, %swap3A_279], %swap3A_282 {strides = array<i32>} : memref<256x64xf32, #tpu.memory_space<vmem>>, vector<1x16xf32>,
        %get3A_283 = arith.index_cast %scan3A_272 : i32 to index
        %get3A_284 = arith.constant 16 : index
        %get3A_285 = tpu.vector_load %arg6[%get3A_283, %get3A_284] {strides = array<i32>} : memref<256x64xf32, #tpu.memory_space<vmem>>, vector<1x16xf32>,
        %get3A_286 = vector.shape_cast %get3A_285 : vector<1x16xf32> to vector<16xf32>
        %mul3A_287 = arith.constant 8.000000e+00 : f32
        %mul3A_288 = vector.broadcast %mul3A_287 : f32 to vector<16xf32>
        %mul3A_289 = arith.mulf %get3A_286, %mul3A_288 : vector<16xf32>
        %swap3A_290 = arith.index_cast %scan3A_272 : i32 to index
        %swap3A_291 = arith.constant 16 : index
        %swap3A_292 = tpu.vector_load %arg6[%swap3A_290, %swap3A_291] {strides = array<i32>} : memref<256x64xf32, #tpu.memory_space<vmem>>, vector<1x16xf32>,
        %swap3A_293 = vector.shape_cast %swap3A_292 : vector<1x16xf32> to vector<16xf32>
        %swap3A_294 = vector.shape_cast %mul3A_289 : vector<16xf32> to vector<1x16xf32>
        tpu.vector_store %arg6[%swap3A_290, %swap3A_291], %swap3A_294 {strides = array<i32>} : memref<256x64xf32, #tpu.memory_space<vmem>>, vector<1x16xf32>,
        %get3A_295 = arith.index_cast %scan3A_272 : i32 to index
        %get3A_296 = arith.constant 32 : index
        %get3A_297 = tpu.vector_load %arg6[%get3A_295, %get3A_296] {strides = array<i32>} : memref<256x64xf32, #tpu.memory_space<vmem>>, vector<1x16xf32>,
        %get3A_298 = vector.shape_cast %get3A_297 : vector<1x16xf32> to vector<16xf32>
        %mul3A_299 = arith.constant 8.000000e+00 : f32
        %mul3A_300 = vector.broadcast %mul3A_299 : f32 to vector<16xf32>
        %mul3A_301 = arith.mulf %get3A_298, %mul3A_300 : vector<16xf32>
        %swap3A_302 = arith.index_cast %scan3A_272 : i32 to index
        %swap3A_303 = arith.constant 32 : index
        %swap3A_304 = tpu.vector_load %arg6[%swap3A_302, %swap3A_303] {strides = array<i32>} : memref<256x64xf32, #tpu.memory_space<vmem>>, vector<1x16xf32>,
        %swap3A_305 = vector.shape_cast %swap3A_304 : vector<1x16xf32> to vector<16xf32>
        %swap3A_306 = vector.shape_cast %mul3A_301 : vector<16xf32> to vector<1x16xf32>
        tpu.vector_store %arg6[%swap3A_302, %swap3A_303], %swap3A_306 {strides = array<i32>} : memref<256x64xf32, #tpu.memory_space<vmem>>, vector<1x16xf32>,
        %get3A_307 = arith.index_cast %scan3A_272 : i32 to index
        %get3A_308 = arith.constant 48 : index
        %get3A_309 = tpu.vector_load %arg6[%get3A_307, %get3A_308] {strides = array<i32>} : memref<256x64xf32, #tpu.memory_space<vmem>>, vector<1x16xf32>,
        %get3A_310 = vector.shape_cast %get3A_309 : vector<1x16xf32> to vector<16xf32>
        %mul3A_311 = arith.constant 8.000000e+00 : f32
        %mul3A_312 = vector.broadcast %mul3A_311 : f32 to vector<16xf32>
        %mul3A_313 = arith.mulf %get3A_310, %mul3A_312 : vector<16xf32>
        %swap3A_314 = arith.index_cast %scan3A_272 : i32 to index
        %swap3A_315 = arith.constant 48 : index
        %swap3A_316 = tpu.vector_load %arg6[%swap3A_314, %swap3A_315] {strides = array<i32>} : memref<256x64xf32, #tpu.memory_space<vmem>>, vector<1x16xf32>,
        %swap3A_317 = vector.shape_cast %swap3A_316 : vector<1x16xf32> to vector<16xf32>
        %swap3A_318 = vector.shape_cast %mul3A_313 : vector<16xf32> to vector<1x16xf32>
        tpu.vector_store %arg6[%swap3A_314, %swap3A_315], %swap3A_318 {strides = array<i32>} : memref<256x64xf32, #tpu.memory_space<vmem>>, vector<1x16xf32>,
        %scan3A_319 = arith.constant 1 : i32
        %scan3A_320 = arith.addi %scan3A_272, %scan3A_319 : i32
        %get3A_321 = arith.index_cast %scan3A_320 : i32 to index
        %get3A_322 = arith.constant 0 : index
        %get3A_323 = tpu.vector_load %arg6[%get3A_321, %get3A_322] {strides = array<i32>} : memref<256x64xf32, #tpu.memory_space<vmem>>, vector<1x16xf32>,
        %get3A_324 = vector.shape_cast %get3A_323 : vector<1x16xf32> to vector<16xf32>
        %mul3A_325 = arith.constant 8.000000e+00 : f32
        %mul3A_326 = vector.broadcast %mul3A_325 : f32 to vector<16xf32>
        %mul3A_327 = arith.mulf %get3A_324, %mul3A_326 : vector<16xf32>
        %swap3A_328 = arith.index_cast %scan3A_320 : i32 to index
        %swap3A_329 = arith.constant 0 : index
        %swap3A_330 = tpu.vector_load %arg6[%swap3A_328, %swap3A_329] {strides = array<i32>} : memref<256x64xf32, #tpu.memory_space<vmem>>, vector<1x16xf32>,
        %swap3A_331 = vector.shape_cast %swap3A_330 : vector<1x16xf32> to vector<16xf32>
        %swap3A_332 = vector.shape_cast %mul3A_327 : vector<16xf32> to vector<1x16xf32>
        tpu.vector_store %arg6[%swap3A_328, %swap3A_329], %swap3A_332 {strides = array<i32>} : memref<256x64xf32, #tpu.memory_space<vmem>>, vector<1x16xf32>,
        %get3A_333 = arith.index_cast %scan3A_320 : i32 to index
        %get3A_334 = arith.constant 16 : index
        %get3A_335 = tpu.vector_load %arg6[%get3A_333, %get3A_334] {strides = array<i32>} : memref<256x64xf32, #tpu.memory_space<vmem>>, vector<1x16xf32>,
        %get3A_336 = vector.shape_cast %get3A_335 : vector<1x16xf32> to vector<16xf32>
        %mul3A_337 = arith.constant 8.000000e+00 : f32
        %mul3A_338 = vector.broadcast %mul3A_337 : f32 to vector<16xf32>
        %mul3A_339 = arith.mulf %get3A_336, %mul3A_338 : vector<16xf32>
        %swap3A_340 = arith.index_cast %scan3A_320 : i32 to index
        %swap3A_341 = arith.constant 16 : index
        %swap3A_342 = tpu.vector_load %arg6[%swap3A_340, %swap3A_341] {strides = array<i32>} : memref<256x64xf32, #tpu.memory_space<vmem>>, vector<1x16xf32>,
        %swap3A_343 = vector.shape_cast %swap3A_342 : vector<1x16xf32> to vector<16xf32>
        %swap3A_344 = vector.shape_cast %mul3A_339 : vector<16xf32> to vector<1x16xf32>
        tpu.vector_store %arg6[%swap3A_340, %swap3A_341], %swap3A_344 {strides = array<i32>} : memref<256x64xf32, #tpu.memory_space<vmem>>, vector<1x16xf32>,
        %get3A_345 = arith.index_cast %scan3A_320 : i32 to index
        %get3A_346 = arith.constant 32 : index
        %get3A_347 = tpu.vector_load %arg6[%get3A_345, %get3A_346] {strides = array<i32>} : memref<256x64xf32, #tpu.memory_space<vmem>>, vector<1x16xf32>,
        %get3A_348 = vector.shape_cast %get3A_347 : vector<1x16xf32> to vector<16xf32>
        %mul3A_349 = arith.constant 8.000000e+00 : f32
        %mul3A_350 = vector.broadcast %mul3A_349 : f32 to vector<16xf32>
        %mul3A_351 = arith.mulf %get3A_348, %mul3A_350 : vector<16xf32>
        %swap3A_352 = arith.index_cast %scan3A_320 : i32 to index
        %swap3A_353 = arith.constant 32 : index
        %swap3A_354 = tpu.vector_load %arg6[%swap3A_352, %swap3A_353] {strides = array<i32>} : memref<256x64xf32, #tpu.memory_space<vmem>>, vector<1x16xf32>,
        %swap3A_355 = vector.shape_cast %swap3A_354 : vector<1x16xf32> to vector<16xf32>
        %swap3A_356 = vector.shape_cast %mul3A_351 : vector<16xf32> to vector<1x16xf32>
        tpu.vector_store %arg6[%swap3A_352, %swap3A_353], %swap3A_356 {strides = array<i32>} : memref<256x64xf32, #tpu.memory_space<vmem>>, vector<1x16xf32>,
        %get3A_357 = arith.index_cast %scan3A_320 : i32 to index
        %get3A_358 = arith.constant 48 : index
        %get3A_359 = tpu.vector_load %arg6[%get3A_357, %get3A_358] {strides = array<i32>} : memref<256x64xf32, #tpu.memory_space<vmem>>, vector<1x16xf32>,
        %get3A_360 = vector.shape_cast %get3A_359 : vector<1x16xf32> to vector<16xf32>
        %mul3A_361 = arith.constant 8.000000e+00 : f32
        %mul3A_362 = vector.broadcast %mul3A_361 : f32 to vector<16xf32>
        %mul3A_363 = arith.mulf %get3A_360, %mul3A_362 : vector<16xf32>
        %swap3A_364 = arith.index_cast %scan3A_320 : i32 to index
        %swap3A_365 = arith.constant 48 : index
        %swap3A_366 = tpu.vector_load %arg6[%swap3A_364, %swap3A_365] {strides = array<i32>} : memref<256x64xf32, #tpu.memory_space<vmem>>, vector<1x16xf32>,
        %swap3A_367 = vector.shape_cast %swap3A_366 : vector<1x16xf32> to vector<16xf32>
        %swap3A_368 = vector.shape_cast %mul3A_363 : vector<16xf32> to vector<1x16xf32>
        tpu.vector_store %arg6[%swap3A_364, %swap3A_365], %swap3A_368 {strides = array<i32>} : memref<256x64xf32, #tpu.memory_space<vmem>>, vector<1x16xf32>,
        %scan3A_369 = arith.constant 2 : i32
        %scan3A_370 = arith.addi %scan3A_272, %scan3A_369 : i32
        %get3A_371 = arith.index_cast %scan3A_370 : i32 to index
        %get3A_372 = arith.constant 0 : index
        %get3A_373 = tpu.vector_load %arg6[%get3A_371, %get3A_372] {strides = array<i32>} : memref<256x64xf32, #tpu.memory_space<vmem>>, vector<1x16xf32>,
        %get3A_374 = vector.shape_cast %get3A_373 : vector<1x16xf32> to vector<16xf32>
        %mul3A_375 = arith.constant 8.000000e+00 : f32
        %mul3A_376 = vector.broadcast %mul3A_375 : f32 to vector<16xf32>
        %mul3A_377 = arith.mulf %get3A_374, %mul3A_376 : vector<16xf32>
        %swap3A_378 = arith.index_cast %scan3A_370 : i32 to index
        %swap3A_379 = arith.constant 0 : index
        %swap3A_380 = tpu.vector_load %arg6[%swap3A_378, %swap3A_379] {strides = array<i32>} : memref<256x64xf32, #tpu.memory_space<vmem>>, vector<1x16xf32>,
        %swap3A_381 = vector.shape_cast %swap3A_380 : vector<1x16xf32> to vector<16xf32>
        %swap3A_382 = vector.shape_cast %mul3A_377 : vector<16xf32> to vector<1x16xf32>
        tpu.vector_store %arg6[%swap3A_378, %swap3A_379], %swap3A_382 {strides = array<i32>} : memref<256x64xf32, #tpu.memory_space<vmem>>, vector<1x16xf32>,
        %get3A_383 = arith.index_cast %scan3A_370 : i32 to index
        %get3A_384 = arith.constant 16 : index
        %get3A_385 = tpu.vector_load %arg6[%get3A_383, %get3A_384] {strides = array<i32>} : memref<256x64xf32, #tpu.memory_space<vmem>>, vector<1x16xf32>,
        %get3A_386 = vector.shape_cast %get3A_385 : vector<1x16xf32> to vector<16xf32>
        %mul3A_387 = arith.constant 8.000000e+00 : f32
        %mul3A_388 = vector.broadcast %mul3A_387 : f32 to vector<16xf32>
        %mul3A_389 = arith.mulf %get3A_386, %mul3A_388 : vector<16xf32>
        %swap3A_390 = arith.index_cast %scan3A_370 : i32 to index
        %swap3A_391 = arith.constant 16 : index
        %swap3A_392 = tpu.vector_load %arg6[%swap3A_390, %swap3A_391] {strides = array<i32>} : memref<256x64xf32, #tpu.memory_space<vmem>>, vector<1x16xf32>,
        %swap3A_393 = vector.shape_cast %swap3A_392 : vector<1x16xf32> to vector<16xf32>
        %swap3A_394 = vector.shape_cast %mul3A_389 : vector<16xf32> to vector<1x16xf32>
        tpu.vector_store %arg6[%swap3A_390, %swap3A_391], %swap3A_394 {strides = array<i32>} : memref<256x64xf32, #tpu.memory_space<vmem>>, vector<1x16xf32>,
        %get3A_395 = arith.index_cast %scan3A_370 : i32 to index
        %get3A_396 = arith.constant 32 : index
        %get3A_397 = tpu.vector_load %arg6[%get3A_395, %get3A_396] {strides = array<i32>} : memref<256x64xf32, #tpu.memory_space<vmem>>, vector<1x16xf32>,
        %get3A_398 = vector.shape_cast %get3A_397 : vector<1x16xf32> to vector<16xf32>
        %mul3A_399 = arith.constant 8.000000e+00 : f32
        %mul3A_400 = vector.broadcast %mul3A_399 : f32 to vector<16xf32>
        %mul3A_401 = arith.mulf %get3A_398, %mul3A_400 : vector<16xf32>
        %swap3A_402 = arith.index_cast %scan3A_370 : i32 to index
        %swap3A_403 = arith.constant 32 : index
        %swap3A_404 = tpu.vector_load %arg6[%swap3A_402, %swap3A_403] {strides = array<i32>} : memref<256x64xf32, #tpu.memory_space<vmem>>, vector<1x16xf32>,
        %swap3A_405 = vector.shape_cast %swap3A_404 : vector<1x16xf32> to vector<16xf32>
        %swap3A_406 = vector.shape_cast %mul3A_401 : vector<16xf32> to vector<1x16xf32>
        tpu.vector_store %arg6[%swap3A_402, %swap3A_403], %swap3A_406 {strides = array<i32>} : memref<256x64xf32, #tpu.memory_space<vmem>>, vector<1x16xf32>,
        %get3A_407 = arith.index_cast %scan3A_370 : i32 to index
        %get3A_408 = arith.constant 48 : index
        %get3A_409 = tpu.vector_load %arg6[%get3A_407, %get3A_408] {strides = array<i32>} : memref<256x64xf32, #tpu.memory_space<vmem>>, vector<1x16xf32>,
        %get3A_410 = vector.shape_cast %get3A_409 : vector<1x16xf32> to vector<16xf32>
        %mul3A_411 = arith.constant 8.000000e+00 : f32
        %mul3A_412 = vector.broadcast %mul3A_411 : f32 to vector<16xf32>
        %mul3A_413 = arith.mulf %get3A_410, %mul3A_412 : vector<16xf32>
        %swap3A_414 = arith.index_cast %scan3A_370 : i32 to index
        %swap3A_415 = arith.constant 48 : index
        %swap3A_416 = tpu.vector_load %arg6[%swap3A_414, %swap3A_415] {strides = array<i32>} : memref<256x64xf32, #tpu.memory_space<vmem>>, vector<1x16xf32>,
        %swap3A_417 = vector.shape_cast %swap3A_416 : vector<1x16xf32> to vector<16xf32>
        %swap3A_418 = vector.shape_cast %mul3A_413 : vector<16xf32> to vector<1x16xf32>
        tpu.vector_store %arg6[%swap3A_414, %swap3A_415], %swap3A_418 {strides = array<i32>} : memref<256x64xf32, #tpu.memory_space<vmem>>, vector<1x16xf32>,
        %scan3A_419 = arith.constant 3 : i32
        %scan3A_420 = arith.addi %scan3A_272, %scan3A_419 : i32
        %get3A_421 = arith.index_cast %scan3A_420 : i32 to index
        %get3A_422 = arith.constant 0 : index
        %get3A_423 = tpu.vector_load %arg6[%get3A_421, %get3A_422] {strides = array<i32>} : memref<256x64xf32, #tpu.memory_space<vmem>>, vector<1x16xf32>,
        %get3A_424 = vector.shape_cast %get3A_423 : vector<1x16xf32> to vector<16xf32>
        %mul3A_425 = arith.constant 8.000000e+00 : f32
        %mul3A_426 = vector.broadcast %mul3A_425 : f32 to vector<16xf32>
        %mul3A_427 = arith.mulf %get3A_424, %mul3A_426 : vector<16xf32>
        %swap3A_428 = arith.index_cast %scan3A_420 : i32 to index
        %swap3A_429 = arith.constant 0 : index
        %swap3A_430 = tpu.vector_load %arg6[%swap3A_428, %swap3A_429] {strides = array<i32>} : memref<256x64xf32, #tpu.memory_space<vmem>>, vector<1x16xf32>,
        %swap3A_431 = vector.shape_cast %swap3A_430 : vector<1x16xf32> to vector<16xf32>
        %swap3A_432 = vector.shape_cast %mul3A_427 : vector<16xf32> to vector<1x16xf32>
        tpu.vector_store %arg6[%swap3A_428, %swap3A_429], %swap3A_432 {strides = array<i32>} : memref<256x64xf32, #tpu.memory_space<vmem>>, vector<1x16xf32>,
        %get3A_433 = arith.index_cast %scan3A_420 : i32 to index
        %get3A_434 = arith.constant 16 : index
        %get3A_435 = tpu.vector_load %arg6[%get3A_433, %get3A_434] {strides = array<i32>} : memref<256x64xf32, #tpu.memory_space<vmem>>, vector<1x16xf32>,
        %get3A_436 = vector.shape_cast %get3A_435 : vector<1x16xf32> to vector<16xf32>
        %mul3A_437 = arith.constant 8.000000e+00 : f32
        %mul3A_438 = vector.broadcast %mul3A_437 : f32 to vector<16xf32>
        %mul3A_439 = arith.mulf %get3A_436, %mul3A_438 : vector<16xf32>
        %swap3A_440 = arith.index_cast %scan3A_420 : i32 to index
        %swap3A_441 = arith.constant 16 : index
        %swap3A_442 = tpu.vector_load %arg6[%swap3A_440, %swap3A_441] {strides = array<i32>} : memref<256x64xf32, #tpu.memory_space<vmem>>, vector<1x16xf32>,
        %swap3A_443 = vector.shape_cast %swap3A_442 : vector<1x16xf32> to vector<16xf32>
        %swap3A_444 = vector.shape_cast %mul3A_439 : vector<16xf32> to vector<1x16xf32>
        tpu.vector_store %arg6[%swap3A_440, %swap3A_441], %swap3A_444 {strides = array<i32>} : memref<256x64xf32, #tpu.memory_space<vmem>>, vector<1x16xf32>,
        %get3A_445 = arith.index_cast %scan3A_420 : i32 to index
        %get3A_446 = arith.constant 32 : index
        %get3A_447 = tpu.vector_load %arg6[%get3A_445, %get3A_446] {strides = array<i32>} : memref<256x64xf32, #tpu.memory_space<vmem>>, vector<1x16xf32>,
        %get3A_448 = vector.shape_cast %get3A_447 : vector<1x16xf32> to vector<16xf32>
        %mul3A_449 = arith.constant 8.000000e+00 : f32
        %mul3A_450 = vector.broadcast %mul3A_449 : f32 to vector<16xf32>
        %mul3A_451 = arith.mulf %get3A_448, %mul3A_450 : vector<16xf32>
        %swap3A_452 = arith.index_cast %scan3A_420 : i32 to index
        %swap3A_453 = arith.constant 32 : index
        %swap3A_454 = tpu.vector_load %arg6[%swap3A_452, %swap3A_453] {strides = array<i32>} : memref<256x64xf32, #tpu.memory_space<vmem>>, vector<1x16xf32>,
        %swap3A_455 = vector.shape_cast %swap3A_454 : vector<1x16xf32> to vector<16xf32>
        %swap3A_456 = vector.shape_cast %mul3A_451 : vector<16xf32> to vector<1x16xf32>
        tpu.vector_store %arg6[%swap3A_452, %swap3A_453], %swap3A_456 {strides = array<i32>} : memref<256x64xf32, #tpu.memory_space<vmem>>, vector<1x16xf32>,
        %get3A_457 = arith.index_cast %scan3A_420 : i32 to index
        %get3A_458 = arith.constant 48 : index
        %get3A_459 = tpu.vector_load %arg6[%get3A_457, %get3A_458] {strides = array<i32>} : memref<256x64xf32, #tpu.memory_space<vmem>>, vector<1x16xf32>,
        %get3A_460 = vector.shape_cast %get3A_459 : vector<1x16xf32> to vector<16xf32>
        %mul3A_461 = arith.constant 8.000000e+00 : f32
        %mul3A_462 = vector.broadcast %mul3A_461 : f32 to vector<16xf32>
        %mul3A_463 = arith.mulf %get3A_460, %mul3A_462 : vector<16xf32>
        %swap3A_464 = arith.index_cast %scan3A_420 : i32 to index
        %swap3A_465 = arith.constant 48 : index
        %swap3A_466 = tpu.vector_load %arg6[%swap3A_464, %swap3A_465] {strides = array<i32>} : memref<256x64xf32, #tpu.memory_space<vmem>>, vector<1x16xf32>,
        %swap3A_467 = vector.shape_cast %swap3A_466 : vector<1x16xf32> to vector<16xf32>
        %swap3A_468 = vector.shape_cast %mul3A_463 : vector<16xf32> to vector<1x16xf32>
        tpu.vector_store %arg6[%swap3A_464, %swap3A_465], %swap3A_468 {strides = array<i32>} : memref<256x64xf32, #tpu.memory_space<vmem>>, vector<1x16xf32>,
        %scan3A_469 = arith.constant 4 : i32
        %scan3A_470 = arith.addi %scan3A_272, %scan3A_469 : i32
        %get3A_471 = arith.index_cast %scan3A_470 : i32 to index
        %get3A_472 = arith.constant 0 : index
        %get3A_473 = tpu.vector_load %arg6[%get3A_471, %get3A_472] {strides = array<i32>} : memref<256x64xf32, #tpu.memory_space<vmem>>, vector<1x16xf32>,
        %get3A_474 = vector.shape_cast %get3A_473 : vector<1x16xf32> to vector<16xf32>
        %mul3A_475 = arith.constant 8.000000e+00 : f32
        %mul3A_476 = vector.broadcast %mul3A_475 : f32 to vector<16xf32>
        %mul3A_477 = arith.mulf %get3A_474, %mul3A_476 : vector<16xf32>
        %swap3A_478 = arith.index_cast %scan3A_470 : i32 to index
        %swap3A_479 = arith.constant 0 : index
        %swap3A_480 = tpu.vector_load %arg6[%swap3A_478, %swap3A_479] {strides = array<i32>} : memref<256x64xf32, #tpu.memory_space<vmem>>, vector<1x16xf32>,
        %swap3A_481 = vector.shape_cast %swap3A_480 : vector<1x16xf32> to vector<16xf32>
        %swap3A_482 = vector.shape_cast %mul3A_477 : vector<16xf32> to vector<1x16xf32>
        tpu.vector_store %arg6[%swap3A_478, %swap3A_479], %swap3A_482 {strides = array<i32>} : memref<256x64xf32, #tpu.memory_space<vmem>>, vector<1x16xf32>,
        %get3A_483 = arith.index_cast %scan3A_470 : i32 to index
        %get3A_484 = arith.constant 16 : index
        %get3A_485 = tpu.vector_load %arg6[%get3A_483, %get3A_484] {strides = array<i32>} : memref<256x64xf32, #tpu.memory_space<vmem>>, vector<1x16xf32>,
        %get3A_486 = vector.shape_cast %get3A_485 : vector<1x16xf32> to vector<16xf32>
        %mul3A_487 = arith.constant 8.000000e+00 : f32
        %mul3A_488 = vector.broadcast %mul3A_487 : f32 to vector<16xf32>
        %mul3A_489 = arith.mulf %get3A_486, %mul3A_488 : vector<16xf32>
        %swap3A_490 = arith.index_cast %scan3A_470 : i32 to index
        %swap3A_491 = arith.constant 16 : index
        %swap3A_492 = tpu.vector_load %arg6[%swap3A_490, %swap3A_491] {strides = array<i32>} : memref<256x64xf32, #tpu.memory_space<vmem>>, vector<1x16xf32>,
        %swap3A_493 = vector.shape_cast %swap3A_492 : vector<1x16xf32> to vector<16xf32>
        %swap3A_494 = vector.shape_cast %mul3A_489 : vector<16xf32> to vector<1x16xf32>
        tpu.vector_store %arg6[%swap3A_490, %swap3A_491], %swap3A_494 {strides = array<i32>} : memref<256x64xf32, #tpu.memory_space<vmem>>, vector<1x16xf32>,
        %get3A_495 = arith.index_cast %scan3A_470 : i32 to index
        %get3A_496 = arith.constant 32 : index
        %get3A_497 = tpu.vector_load %arg6[%get3A_495, %get3A_496] {strides = array<i32>} : memref<256x64xf32, #tpu.memory_space<vmem>>, vector<1x16xf32>,
        %get3A_498 = vector.shape_cast %get3A_497 : vector<1x16xf32> to vector<16xf32>
        %mul3A_499 = arith.constant 8.000000e+00 : f32
        %mul3A_500 = vector.broadcast %mul3A_499 : f32 to vector<16xf32>
        %mul3A_501 = arith.mulf %get3A_498, %mul3A_500 : vector<16xf32>
        %swap3A_502 = arith.index_cast %scan3A_470 : i32 to index
        %swap3A_503 = arith.constant 32 : index
        %swap3A_504 = tpu.vector_load %arg6[%swap3A_502, %swap3A_503] {strides = array<i32>} : memref<256x64xf32, #tpu.memory_space<vmem>>, vector<1x16xf32>,
        %swap3A_505 = vector.shape_cast %swap3A_504 : vector<1x16xf32> to vector<16xf32>
        %swap3A_506 = vector.shape_cast %mul3A_501 : vector<16xf32> to vector<1x16xf32>
        tpu.vector_store %arg6[%swap3A_502, %swap3A_503], %swap3A_506 {strides = array<i32>} : memref<256x64xf32, #tpu.memory_space<vmem>>, vector<1x16xf32>,
        %get3A_507 = arith.index_cast %scan3A_470 : i32 to index
        %get3A_508 = arith.constant 48 : index
        %get3A_509 = tpu.vector_load %arg6[%get3A_507, %get3A_508] {strides = array<i32>} : memref<256x64xf32, #tpu.memory_space<vmem>>, vector<1x16xf32>,
        %get3A_510 = vector.shape_cast %get3A_509 : vector<1x16xf32> to vector<16xf32>
        %mul3A_511 = arith.constant 8.000000e+00 : f32
        %mul3A_512 = vector.broadcast %mul3A_511 : f32 to vector<16xf32>
        %mul3A_513 = arith.mulf %get3A_510, %mul3A_512 : vector<16xf32>
        %swap3A_514 = arith.index_cast %scan3A_470 : i32 to index
        %swap3A_515 = arith.constant 48 : index
        %swap3A_516 = tpu.vector_load %arg6[%swap3A_514, %swap3A_515] {strides = array<i32>} : memref<256x64xf32, #tpu.memory_space<vmem>>, vector<1x16xf32>,
        %swap3A_517 = vector.shape_cast %swap3A_516 : vector<1x16xf32> to vector<16xf32>
        %swap3A_518 = vector.shape_cast %mul3A_513 : vector<16xf32> to vector<1x16xf32>
        tpu.vector_store %arg6[%swap3A_514, %swap3A_515], %swap3A_518 {strides = array<i32>} : memref<256x64xf32, #tpu.memory_space<vmem>>, vector<1x16xf32>,
        %scan3A_519 = arith.constant 5 : i32
        %scan3A_520 = arith.addi %scan3A_272, %scan3A_519 : i32
        %get3A_521 = arith.index_cast %scan3A_520 : i32 to index
        %get3A_522 = arith.constant 0 : index
        %get3A_523 = tpu.vector_load %arg6[%get3A_521, %get3A_522] {strides = array<i32>} : memref<256x64xf32, #tpu.memory_space<vmem>>, vector<1x16xf32>,
        %get3A_524 = vector.shape_cast %get3A_523 : vector<1x16xf32> to vector<16xf32>
        %mul3A_525 = arith.constant 8.000000e+00 : f32
        %mul3A_526 = vector.broadcast %mul3A_525 : f32 to vector<16xf32>
        %mul3A_527 = arith.mulf %get3A_524, %mul3A_526 : vector<16xf32>
        %swap3A_528 = arith.index_cast %scan3A_520 : i32 to index
        %swap3A_529 = arith.constant 0 : index
        %swap3A_530 = tpu.vector_load %arg6[%swap3A_528, %swap3A_529] {strides = array<i32>} : memref<256x64xf32, #tpu.memory_space<vmem>>, vector<1x16xf32>,
        %swap3A_531 = vector.shape_cast %swap3A_530 : vector<1x16xf32> to vector<16xf32>
        %swap3A_532 = vector.shape_cast %mul3A_527 : vector<16xf32> to vector<1x16xf32>
        tpu.vector_store %arg6[%swap3A_528, %swap3A_529], %swap3A_532 {strides = array<i32>} : memref<256x64xf32, #tpu.memory_space<vmem>>, vector<1x16xf32>,
        %get3A_533 = arith.index_cast %scan3A_520 : i32 to index
        %get3A_534 = arith.constant 16 : index
        %get3A_535 = tpu.vector_load %arg6[%get3A_533, %get3A_534] {strides = array<i32>} : memref<256x64xf32, #tpu.memory_space<vmem>>, vector<1x16xf32>,
        %get3A_536 = vector.shape_cast %get3A_535 : vector<1x16xf32> to vector<16xf32>
        %mul3A_537 = arith.constant 8.000000e+00 : f32
        %mul3A_538 = vector.broadcast %mul3A_537 : f32 to vector<16xf32>
        %mul3A_539 = arith.mulf %get3A_536, %mul3A_538 : vector<16xf32>
        %swap3A_540 = arith.index_cast %scan3A_520 : i32 to index
        %swap3A_541 = arith.constant 16 : index
        %swap3A_542 = tpu.vector_load %arg6[%swap3A_540, %swap3A_541] {strides = array<i32>} : memref<256x64xf32, #tpu.memory_space<vmem>>, vector<1x16xf32>,
        %swap3A_543 = vector.shape_cast %swap3A_542 : vector<1x16xf32> to vector<16xf32>
        %swap3A_544 = vector.shape_cast %mul3A_539 : vector<16xf32> to vector<1x16xf32>
        tpu.vector_store %arg6[%swap3A_540, %swap3A_541], %swap3A_544 {strides = array<i32>} : memref<256x64xf32, #tpu.memory_space<vmem>>, vector<1x16xf32>,
        %get3A_545 = arith.index_cast %scan3A_520 : i32 to index
        %get3A_546 = arith.constant 32 : index
        %get3A_547 = tpu.vector_load %arg6[%get3A_545, %get3A_546] {strides = array<i32>} : memref<256x64xf32, #tpu.memory_space<vmem>>, vector<1x16xf32>,
        %get3A_548 = vector.shape_cast %get3A_547 : vector<1x16xf32> to vector<16xf32>
        %mul3A_549 = arith.constant 8.000000e+00 : f32
        %mul3A_550 = vector.broadcast %mul3A_549 : f32 to vector<16xf32>
        %mul3A_551 = arith.mulf %get3A_548, %mul3A_550 : vector<16xf32>
        %swap3A_552 = arith.index_cast %scan3A_520 : i32 to index
        %swap3A_553 = arith.constant 32 : index
        %swap3A_554 = tpu.vector_load %arg6[%swap3A_552, %swap3A_553] {strides = array<i32>} : memref<256x64xf32, #tpu.memory_space<vmem>>, vector<1x16xf32>,
        %swap3A_555 = vector.shape_cast %swap3A_554 : vector<1x16xf32> to vector<16xf32>
        %swap3A_556 = vector.shape_cast %mul3A_551 : vector<16xf32> to vector<1x16xf32>
        tpu.vector_store %arg6[%swap3A_552, %swap3A_553], %swap3A_556 {strides = array<i32>} : memref<256x64xf32, #tpu.memory_space<vmem>>, vector<1x16xf32>,
        %get3A_557 = arith.index_cast %scan3A_520 : i32 to index
        %get3A_558 = arith.constant 48 : index
        %get3A_559 = tpu.vector_load %arg6[%get3A_557, %get3A_558] {strides = array<i32>} : memref<256x64xf32, #tpu.memory_space<vmem>>, vector<1x16xf32>,
        %get3A_560 = vector.shape_cast %get3A_559 : vector<1x16xf32> to vector<16xf32>
        %mul3A_561 = arith.constant 8.000000e+00 : f32
        %mul3A_562 = vector.broadcast %mul3A_561 : f32 to vector<16xf32>
        %mul3A_563 = arith.mulf %get3A_560, %mul3A_562 : vector<16xf32>
        %swap3A_564 = arith.index_cast %scan3A_520 : i32 to index
        %swap3A_565 = arith.constant 48 : index
        %swap3A_566 = tpu.vector_load %arg6[%swap3A_564, %swap3A_565] {strides = array<i32>} : memref<256x64xf32, #tpu.memory_space<vmem>>, vector<1x16xf32>,
        %swap3A_567 = vector.shape_cast %swap3A_566 : vector<1x16xf32> to vector<16xf32>
        %swap3A_568 = vector.shape_cast %mul3A_563 : vector<16xf32> to vector<1x16xf32>
        tpu.vector_store %arg6[%swap3A_564, %swap3A_565], %swap3A_568 {strides = array<i32>} : memref<256x64xf32, #tpu.memory_space<vmem>>, vector<1x16xf32>,
        %scan3A_569 = arith.constant 6 : i32
        %scan3A_570 = arith.addi %scan3A_272, %scan3A_569 : i32
        %get3A_571 = arith.index_cast %scan3A_570 : i32 to index
        %get3A_572 = arith.constant 0 : index
        %get3A_573 = tpu.vector_load %arg6[%get3A_571, %get3A_572] {strides = array<i32>} : memref<256x64xf32, #tpu.memory_space<vmem>>, vector<1x16xf32>,
        %get3A_574 = vector.shape_cast %get3A_573 : vector<1x16xf32> to vector<16xf32>
        %mul3A_575 = arith.constant 8.000000e+00 : f32
        %mul3A_576 = vector.broadcast %mul3A_575 : f32 to vector<16xf32>
        %mul3A_577 = arith.mulf %get3A_574, %mul3A_576 : vector<16xf32>
        %swap3A_578 = arith.index_cast %scan3A_570 : i32 to index
        %swap3A_579 = arith.constant 0 : index
        %swap3A_580 = tpu.vector_load %arg6[%swap3A_578, %swap3A_579] {strides = array<i32>} : memref<256x64xf32, #tpu.memory_space<vmem>>, vector<1x16xf32>,
        %swap3A_581 = vector.shape_cast %swap3A_580 : vector<1x16xf32> to vector<16xf32>
        %swap3A_582 = vector.shape_cast %mul3A_577 : vector<16xf32> to vector<1x16xf32>
        tpu.vector_store %arg6[%swap3A_578, %swap3A_579], %swap3A_582 {strides = array<i32>} : memref<256x64xf32, #tpu.memory_space<vmem>>, vector<1x16xf32>,
        %get3A_583 = arith.index_cast %scan3A_570 : i32 to index
        %get3A_584 = arith.constant 16 : index
        %get3A_585 = tpu.vector_load %arg6[%get3A_583, %get3A_584] {strides = array<i32>} : memref<256x64xf32, #tpu.memory_space<vmem>>, vector<1x16xf32>,
        %get3A_586 = vector.shape_cast %get3A_585 : vector<1x16xf32> to vector<16xf32>
        %mul3A_587 = arith.constant 8.000000e+00 : f32
        %mul3A_588 = vector.broadcast %mul3A_587 : f32 to vector<16xf32>
        %mul3A_589 = arith.mulf %get3A_586, %mul3A_588 : vector<16xf32>
        %swap3A_590 = arith.index_cast %scan3A_570 : i32 to index
        %swap3A_591 = arith.constant 16 : index
        %swap3A_592 = tpu.vector_load %arg6[%swap3A_590, %swap3A_591] {strides = array<i32>} : memref<256x64xf32, #tpu.memory_space<vmem>>, vector<1x16xf32>,
        %swap3A_593 = vector.shape_cast %swap3A_592 : vector<1x16xf32> to vector<16xf32>
        %swap3A_594 = vector.shape_cast %mul3A_589 : vector<16xf32> to vector<1x16xf32>
        tpu.vector_store %arg6[%swap3A_590, %swap3A_591], %swap3A_594 {strides = array<i32>} : memref<256x64xf32, #tpu.memory_space<vmem>>, vector<1x16xf32>,
        %get3A_595 = arith.index_cast %scan3A_570 : i32 to index
        %get3A_596 = arith.constant 32 : index
        %get3A_597 = tpu.vector_load %arg6[%get3A_595, %get3A_596] {strides = array<i32>} : memref<256x64xf32, #tpu.memory_space<vmem>>, vector<1x16xf32>,
        %get3A_598 = vector.shape_cast %get3A_597 : vector<1x16xf32> to vector<16xf32>
        %mul3A_599 = arith.constant 8.000000e+00 : f32
        %mul3A_600 = vector.broadcast %mul3A_599 : f32 to vector<16xf32>
        %mul3A_601 = arith.mulf %get3A_598, %mul3A_600 : vector<16xf32>
        %swap3A_602 = arith.index_cast %scan3A_570 : i32 to index
        %swap3A_603 = arith.constant 32 : index
        %swap3A_604 = tpu.vector_load %arg6[%swap3A_602, %swap3A_603] {strides = array<i32>} : memref<256x64xf32, #tpu.memory_space<vmem>>, vector<1x16xf32>,
        %swap3A_605 = vector.shape_cast %swap3A_604 : vector<1x16xf32> to vector<16xf32>
        %swap3A_606 = vector.shape_cast %mul3A_601 : vector<16xf32> to vector<1x16xf32>
        tpu.vector_store %arg6[%swap3A_602, %swap3A_603], %swap3A_606 {strides = array<i32>} : memref<256x64xf32, #tpu.memory_space<vmem>>, vector<1x16xf32>,
        %get3A_607 = arith.index_cast %scan3A_570 : i32 to index
        %get3A_608 = arith.constant 48 : index
        %get3A_609 = tpu.vector_load %arg6[%get3A_607, %get3A_608] {strides = array<i32>} : memref<256x64xf32, #tpu.memory_space<vmem>>, vector<1x16xf32>,
        %get3A_610 = vector.shape_cast %get3A_609 : vector<1x16xf32> to vector<16xf32>
        %mul3A_611 = arith.constant 8.000000e+00 : f32
        %mul3A_612 = vector.broadcast %mul3A_611 : f32 to vector<16xf32>
        %mul3A_613 = arith.mulf %get3A_610, %mul3A_612 : vector<16xf32>
        %swap3A_614 = arith.index_cast %scan3A_570 : i32 to index
        %swap3A_615 = arith.constant 48 : index
        %swap3A_616 = tpu.vector_load %arg6[%swap3A_614, %swap3A_615] {strides = array<i32>} : memref<256x64xf32, #tpu.memory_space<vmem>>, vector<1x16xf32>,
        %swap3A_617 = vector.shape_cast %swap3A_616 : vector<1x16xf32> to vector<16xf32>
        %swap3A_618 = vector.shape_cast %mul3A_613 : vector<16xf32> to vector<1x16xf32>
        tpu.vector_store %arg6[%swap3A_614, %swap3A_615], %swap3A_618 {strides = array<i32>} : memref<256x64xf32, #tpu.memory_space<vmem>>, vector<1x16xf32>,
        %scan3A_619 = arith.constant 7 : i32
        %scan3A_620 = arith.addi %scan3A_272, %scan3A_619 : i32
        %get3A_621 = arith.index_cast %scan3A_620 : i32 to index
        %get3A_622 = arith.constant 0 : index
        %get3A_623 = tpu.vector_load %arg6[%get3A_621, %get3A_622] {strides = array<i32>} : memref<256x64xf32, #tpu.memory_space<vmem>>, vector<1x16xf32>,
        %get3A_624 = vector.shape_cast %get3A_623 : vector<1x16xf32> to vector<16xf32>
        %mul3A_625 = arith.constant 8.000000e+00 : f32
        %mul3A_626 = vector.broadcast %mul3A_625 : f32 to vector<16xf32>
        %mul3A_627 = arith.mulf %get3A_624, %mul3A_626 : vector<16xf32>
        %swap3A_628 = arith.index_cast %scan3A_620 : i32 to index
        %swap3A_629 = arith.constant 0 : index
        %swap3A_630 = tpu.vector_load %arg6[%swap3A_628, %swap3A_629] {strides = array<i32>} : memref<256x64xf32, #tpu.memory_space<vmem>>, vector<1x16xf32>,
        %swap3A_631 = vector.shape_cast %swap3A_630 : vector<1x16xf32> to vector<16xf32>
        %swap3A_632 = vector.shape_cast %mul3A_627 : vector<16xf32> to vector<1x16xf32>
        tpu.vector_store %arg6[%swap3A_628, %swap3A_629], %swap3A_632 {strides = array<i32>} : memref<256x64xf32, #tpu.memory_space<vmem>>, vector<1x16xf32>,
        %get3A_633 = arith.index_cast %scan3A_620 : i32 to index
        %get3A_634 = arith.constant 16 : index
        %get3A_635 = tpu.vector_load %arg6[%get3A_633, %get3A_634] {strides = array<i32>} : memref<256x64xf32, #tpu.memory_space<vmem>>, vector<1x16xf32>,
        %get3A_636 = vector.shape_cast %get3A_635 : vector<1x16xf32> to vector<16xf32>
        %mul3A_637 = arith.constant 8.000000e+00 : f32
        %mul3A_638 = vector.broadcast %mul3A_637 : f32 to vector<16xf32>
        %mul3A_639 = arith.mulf %get3A_636, %mul3A_638 : vector<16xf32>
        %swap3A_640 = arith.index_cast %scan3A_620 : i32 to index
        %swap3A_641 = arith.constant 16 : index
        %swap3A_642 = tpu.vector_load %arg6[%swap3A_640, %swap3A_641] {strides = array<i32>} : memref<256x64xf32, #tpu.memory_space<vmem>>, vector<1x16xf32>,
        %swap3A_643 = vector.shape_cast %swap3A_642 : vector<1x16xf32> to vector<16xf32>
        %swap3A_644 = vector.shape_cast %mul3A_639 : vector<16xf32> to vector<1x16xf32>
        tpu.vector_store %arg6[%swap3A_640, %swap3A_641], %swap3A_644 {strides = array<i32>} : memref<256x64xf32, #tpu.memory_space<vmem>>, vector<1x16xf32>,
        %get3A_645 = arith.index_cast %scan3A_620 : i32 to index
        %get3A_646 = arith.constant 32 : index
        %get3A_647 = tpu.vector_load %arg6[%get3A_645, %get3A_646] {strides = array<i32>} : memref<256x64xf32, #tpu.memory_space<vmem>>, vector<1x16xf32>,
        %get3A_648 = vector.shape_cast %get3A_647 : vector<1x16xf32> to vector<16xf32>
        %mul3A_649 = arith.constant 8.000000e+00 : f32
        %mul3A_650 = vector.broadcast %mul3A_649 : f32 to vector<16xf32>
        %mul3A_651 = arith.mulf %get3A_648, %mul3A_650 : vector<16xf32>
        %swap3A_652 = arith.index_cast %scan3A_620 : i32 to index
        %swap3A_653 = arith.constant 32 : index
        %swap3A_654 = tpu.vector_load %arg6[%swap3A_652, %swap3A_653] {strides = array<i32>} : memref<256x64xf32, #tpu.memory_space<vmem>>, vector<1x16xf32>,
        %swap3A_655 = vector.shape_cast %swap3A_654 : vector<1x16xf32> to vector<16xf32>
        %swap3A_656 = vector.shape_cast %mul3A_651 : vector<16xf32> to vector<1x16xf32>
        tpu.vector_store %arg6[%swap3A_652, %swap3A_653], %swap3A_656 {strides = array<i32>} : memref<256x64xf32, #tpu.memory_space<vmem>>, vector<1x16xf32>,
        %get3A_657 = arith.index_cast %scan3A_620 : i32 to index
        %get3A_658 = arith.constant 48 : index
        %get3A_659 = tpu.vector_load %arg6[%get3A_657, %get3A_658] {strides = array<i32>} : memref<256x64xf32, #tpu.memory_space<vmem>>, vector<1x16xf32>,
        %get3A_660 = vector.shape_cast %get3A_659 : vector<1x16xf32> to vector<16xf32>
        %mul3A_661 = arith.constant 8.000000e+00 : f32
        %mul3A_662 = vector.broadcast %mul3A_661 : f32 to vector<16xf32>
        %mul3A_663 = arith.mulf %get3A_660, %mul3A_662 : vector<16xf32>
        %swap3A_664 = arith.index_cast %scan3A_620 : i32 to index
        %swap3A_665 = arith.constant 48 : index
        %swap3A_666 = tpu.vector_load %arg6[%swap3A_664, %swap3A_665] {strides = array<i32>} : memref<256x64xf32, #tpu.memory_space<vmem>>, vector<1x16xf32>,
        %swap3A_667 = vector.shape_cast %swap3A_666 : vector<1x16xf32> to vector<16xf32>
        %swap3A_668 = vector.shape_cast %mul3A_663 : vector<16xf32> to vector<1x16xf32>
        tpu.vector_store %arg6[%swap3A_664, %swap3A_665], %swap3A_668 {strides = array<i32>} : memref<256x64xf32, #tpu.memory_space<vmem>>, vector<1x16xf32>,
      }
      %scan3A_114 = arith.constant 256 : i32
      %mul3A_115 = arith.constant 256 : i32
      %mul3A_116 = arith.muli %add3A_78, %mul3A_115 : i32
      %add3A_117 = arith.addi %mul3A_4, %mul3A_116 : i32
      %dma_start3A_118 = arith.constant 0 : i32
      %dma_start3A_119 = tpu.memref_slice %arg4[%add3A_117, %dma_start3A_118] : memref<819200x64xf32, #tpu.memory_space<hbm>> -> memref<256x64xf32, #tpu.memory_space<hbm>>
      %dma_start3A_120 = arith.constant 0 : i32
      %dma_start3A_121 = tpu.memref_slice %arg4[%add3A_117, %dma_start3A_120] : memref<819200x64xf32, #tpu.memory_space<hbm>> -> memref<256x64xf32, #tpu.memory_space<hbm>>
      tpu.enqueue_dma source(%arg6 : memref<256x64xf32, #tpu.memory_space<vmem>>) target(%dma_start3A_121 : memref<256x64xf32, #tpu.memory_space<hbm>>) target_semaphore(%arg14 : memref<!tpu.dma_semaphore, #tpu.memory_space<semaphore_mem>>)
      %mul3A_122 = arith.constant 4 : i32
      %mul3A_123 = arith.muli %scan3A_74, %mul3A_122 : i32
      %add3A_124 = arith.constant 1 : i32
      %add3A_125 = arith.addi %mul3A_123, %add3A_124 : i32
      %add3A_126 = arith.constant 2 : i32
      %add3A_127 = arith.addi %add3A_125, %add3A_126 : i32
      %lt3A_128 = arith.constant 100 : i32
      %lt3A_129 = arith.cmpi slt, %add3A_127, %lt3A_128 : i32
      %convert_element_type3A_130 = arith.extui %lt3A_129 : i1 to i32
      %cond3A_131 = arith.constant 0 : i32
      %cond3A_132 = arith.cmpi ne, %convert_element_type3A_130, %cond3A_131 : i32
      scf.if %cond3A_132 {
        %ge3A = arith.constant 4 : i32
        %ge3A_272 = arith.cmpi sge, %add3A_127, %ge3A : i32
        %convert_element_type3A_273 = arith.extui %ge3A_272 : i1 to i32
        %cond3A_274 = arith.constant 0 : i32
        %cond3A_275 = arith.cmpi ne, %convert_element_type3A_273, %cond3A_274 : i32
        scf.if %cond3A_275 {
          %dma_wait3A_302 = arith.constant 0 : i32
          %dma_wait3A_303 = arith.constant 0 : i32
          %dma_wait3A_304 = tpu.memref_slice %arg4[%dma_wait3A_302, %dma_wait3A_303] : memref<819200x64xf32, #tpu.memory_space<hbm>> -> memref<256x64xf32, #tpu.memory_space<hbm>>
          %dma_wait3A_305 = arith.constant 0 : i32
          %dma_wait3A_306 = arith.constant 0 : i32
          %dma_wait3A_307 = tpu.memref_slice %arg4[%dma_wait3A_305, %dma_wait3A_306] : memref<819200x64xf32, #tpu.memory_space<hbm>> -> memref<256x64xf32, #tpu.memory_space<hbm>>
          tpu.wait_dma2 semaphore(%arg17 : memref<!tpu.dma_semaphore, #tpu.memory_space<semaphore_mem>>) src(%arg9 : memref<256x64xf32, #tpu.memory_space<vmem>>) dst(%dma_wait3A_307 : memref<256x64xf32, #tpu.memory_space<hbm>>)
        } else {
        }
        %mul3A_276 = arith.constant 2 : i32
        %mul3A_277 = arith.muli %add3A_127, %mul3A_276 : i32
        %add3A_278 = arith.constant 0 : i32
        %add3A_279 = arith.addi %mul3A_277, %add3A_278 : i32
        %dma_start3A_280 = arith.constant 0 : i32
        %dma_start3A_281 = arith.constant 0 : i32
        %dma_start3A_282 = tpu.memref_slice %arg9[%dma_start3A_280, %dma_start3A_281] : memref<256x64xf32, #tpu.memory_space<vmem>> -> memref<128x64xf32, #tpu.memory_space<vmem>>
        %dma_start3A_283 = arith.constant 0 : i32
        %dma_start3A_284 = tpu.memref_slice %arg5[%add3A_279, %dma_start3A_283] : memref<200x128xi32, #tpu.memory_space<vmem>> -> memref<1x128xi32, #tpu.memory_space<vmem>>
        %dma_start3A_285 = tpu.memref_squeeze %dma_start3A_284 : memref<1x128xi32, #tpu.memory_space<vmem>> -> memref<128xi32, #tpu.memory_space<vmem>>
        %dma_start3A_286 = arith.constant 0 : i32
        %dma_start3A_287 = arith.constant 0 : i32
        %dma_start3A_288 = tpu.memref_slice %arg2[%dma_start3A_286, %dma_start3A_287] : memref<1000000x64xf32, #tpu.memory_space<hbm>> -> memref<1000000x64xf32, #tpu.memory_space<hbm>>
        tpu.enqueue_indirect_dma source(%dma_start3A_288 : memref<1000000x64xf32, #tpu.memory_space<hbm>>) target(%dma_start3A_282 : memref<128x64xf32, #tpu.memory_space<vmem>>) offsets(%dma_start3A_285 : memref<128xi32, #tpu.memory_space<vmem>>) semaphore(%arg13 : memref<!tpu.dma_semaphore, #tpu.memory_space<semaphore_mem>>)
        %mul3A_289 = arith.constant 2 : i32
        %mul3A_290 = arith.muli %add3A_127, %mul3A_289 : i32
        %add3A_291 = arith.constant 1 : i32
        %add3A_292 = arith.addi %mul3A_290, %add3A_291 : i32
        %dma_start3A_293 = arith.constant 128 : i32
        %dma_start3A_294 = arith.constant 0 : i32
        %dma_start3A_295 = tpu.memref_slice %arg9[%dma_start3A_293, %dma_start3A_294] : memref<256x64xf32, #tpu.memory_space<vmem>> -> memref<128x64xf32, #tpu.memory_space<vmem>>
        %dma_start3A_296 = arith.constant 0 : i32
        %dma_start3A_297 = tpu.memref_slice %arg5[%add3A_292, %dma_start3A_296] : memref<200x128xi32, #tpu.memory_space<vmem>> -> memref<1x128xi32, #tpu.memory_space<vmem>>
        %dma_start3A_298 = tpu.memref_squeeze %dma_start3A_297 : memref<1x128xi32, #tpu.memory_space<vmem>> -> memref<128xi32, #tpu.memory_space<vmem>>
        %dma_start3A_299 = arith.constant 0 : i32
        %dma_start3A_300 = arith.constant 0 : i32
        %dma_start3A_301 = tpu.memref_slice %arg2[%dma_start3A_299, %dma_start3A_300] : memref<1000000x64xf32, #tpu.memory_space<hbm>> -> memref<1000000x64xf32, #tpu.memory_space<hbm>>
        tpu.enqueue_indirect_dma source(%dma_start3A_301 : memref<1000000x64xf32, #tpu.memory_space<hbm>>) target(%dma_start3A_295 : memref<128x64xf32, #tpu.memory_space<vmem>>) offsets(%dma_start3A_298 : memref<128xi32, #tpu.memory_space<vmem>>) semaphore(%arg13 : memref<!tpu.dma_semaphore, #tpu.memory_space<semaphore_mem>>)
      } else {
      }
      %mul3A_133 = arith.constant 2 : i32
      %mul3A_134 = arith.muli %add3A_125, %mul3A_133 : i32
      %add3A_135 = arith.constant 0 : i32
      %add3A_136 = arith.addi %mul3A_134, %add3A_135 : i32
      %dma_wait3A_137 = arith.constant 0 : i32
      %dma_wait3A_138 = arith.constant 0 : i32
      %dma_wait3A_139 = tpu.memref_slice %arg7[%dma_wait3A_137, %dma_wait3A_138] : memref<256x64xf32, #tpu.memory_space<vmem>> -> memref<128x64xf32, #tpu.memory_space<vmem>>
      %dma_wait3A_140 = arith.constant 0 : i32
      %dma_wait3A_141 = tpu.memref_slice %arg5[%add3A_136, %dma_wait3A_140] : memref<200x128xi32, #tpu.memory_space<vmem>> -> memref<1x128xi32, #tpu.memory_space<vmem>>
      %dma_wait3A_142 = tpu.memref_squeeze %dma_wait3A_141 : memref<1x128xi32, #tpu.memory_space<vmem>> -> memref<128xi32, #tpu.memory_space<vmem>>
      %dma_wait3A_143 = arith.constant 0 : i32
      %dma_wait3A_144 = arith.constant 0 : i32
      %dma_wait3A_145 = tpu.memref_slice %arg2[%dma_wait3A_143, %dma_wait3A_144] : memref<1000000x64xf32, #tpu.memory_space<hbm>> -> memref<1000000x64xf32, #tpu.memory_space<hbm>>
      tpu.wait_indirect_dma semaphore(%arg11 : memref<!tpu.dma_semaphore, #tpu.memory_space<semaphore_mem>>) src(%dma_wait3A_145 : memref<1000000x64xf32, #tpu.memory_space<hbm>>) dst(%dma_wait3A_139 : memref<128x64xf32, #tpu.memory_space<vmem>>)
      %mul3A_146 = arith.constant 2 : i32
      %mul3A_147 = arith.muli %add3A_125, %mul3A_146 : i32
      %add3A_148 = arith.constant 1 : i32
      %add3A_149 = arith.addi %mul3A_147, %add3A_148 : i32
      %dma_wait3A_150 = arith.constant 128 : i32
      %dma_wait3A_151 = arith.constant 0 : i32
      %dma_wait3A_152 = tpu.memref_slice %arg7[%dma_wait3A_150, %dma_wait3A_151] : memref<256x64xf32, #tpu.memory_space<vmem>> -> memref<128x64xf32, #tpu.memory_space<vmem>>
      %dma_wait3A_153 = arith.constant 0 : i32
      %dma_wait3A_154 = tpu.memref_slice %arg5[%add3A_149, %dma_wait3A_153] : memref<200x128xi32, #tpu.memory_space<vmem>> -> memref<1x128xi32, #tpu.memory_space<vmem>>
      %dma_wait3A_155 = tpu.memref_squeeze %dma_wait3A_154 : memref<1x128xi32, #tpu.memory_space<vmem>> -> memref<128xi32, #tpu.memory_space<vmem>>
      %dma_wait3A_156 = arith.constant 0 : i32
      %dma_wait3A_157 = arith.constant 0 : i32
      %dma_wait3A_158 = tpu.memref_slice %arg2[%dma_wait3A_156, %dma_wait3A_157] : memref<1000000x64xf32, #tpu.memory_space<hbm>> -> memref<1000000x64xf32, #tpu.memory_space<hbm>>
      tpu.wait_indirect_dma semaphore(%arg11 : memref<!tpu.dma_semaphore, #tpu.memory_space<semaphore_mem>>) src(%dma_wait3A_158 : memref<1000000x64xf32, #tpu.memory_space<hbm>>) dst(%dma_wait3A_152 : memref<128x64xf32, #tpu.memory_space<vmem>>)
      %scan3A_159 = arith.constant 0 : i32
      %scan3A_160 = arith.constant 0 : i32
      %scan3A_161 = arith.constant 256 : i32
      %scan3A_162 = arith.addi %scan3A_160, %scan3A_161 : i32
      %scan3A_163 = arith.constant 8 : i32
      scf.for %scan3A_272 = %scan3A_160 to %scan3A_162 step %scan3A_163  : i32 {
        %get3A = arith.index_cast %scan3A_272 : i32 to index
        %get3A_273 = arith.constant 0 : index
        %get3A_274 = tpu.vector_load %arg7[%get3A, %get3A_273] {strides = array<i32>} : memref<256x64xf32, #tpu.memory_space<vmem>>, vector<1x16xf32>,
        %get3A_275 = vector.shape_cast %get3A_274 : vector<1x16xf32> to vector<16xf32>
        %mul3A_276 = arith.constant 8.000000e+00 : f32
        %mul3A_277 = vector.broadcast %mul3A_276 : f32 to vector<16xf32>
        %mul3A_278 = arith.mulf %get3A_275, %mul3A_277 : vector<16xf32>
        %swap3A = arith.index_cast %scan3A_272 : i32 to index
        %swap3A_279 = arith.constant 0 : index
        %swap3A_280 = tpu.vector_load %arg7[%swap3A, %swap3A_279] {strides = array<i32>} : memref<256x64xf32, #tpu.memory_space<vmem>>, vector<1x16xf32>,
        %swap3A_281 = vector.shape_cast %swap3A_280 : vector<1x16xf32> to vector<16xf32>
        %swap3A_282 = vector.shape_cast %mul3A_278 : vector<16xf32> to vector<1x16xf32>
        tpu.vector_store %arg7[%swap3A, %swap3A_279], %swap3A_282 {strides = array<i32>} : memref<256x64xf32, #tpu.memory_space<vmem>>, vector<1x16xf32>,
        %get3A_283 = arith.index_cast %scan3A_272 : i32 to index
        %get3A_284 = arith.constant 16 : index
        %get3A_285 = tpu.vector_load %arg7[%get3A_283, %get3A_284] {strides = array<i32>} : memref<256x64xf32, #tpu.memory_space<vmem>>, vector<1x16xf32>,
        %get3A_286 = vector.shape_cast %get3A_285 : vector<1x16xf32> to vector<16xf32>
        %mul3A_287 = arith.constant 8.000000e+00 : f32
        %mul3A_288 = vector.broadcast %mul3A_287 : f32 to vector<16xf32>
        %mul3A_289 = arith.mulf %get3A_286, %mul3A_288 : vector<16xf32>
        %swap3A_290 = arith.index_cast %scan3A_272 : i32 to index
        %swap3A_291 = arith.constant 16 : index
        %swap3A_292 = tpu.vector_load %arg7[%swap3A_290, %swap3A_291] {strides = array<i32>} : memref<256x64xf32, #tpu.memory_space<vmem>>, vector<1x16xf32>,
        %swap3A_293 = vector.shape_cast %swap3A_292 : vector<1x16xf32> to vector<16xf32>
        %swap3A_294 = vector.shape_cast %mul3A_289 : vector<16xf32> to vector<1x16xf32>
        tpu.vector_store %arg7[%swap3A_290, %swap3A_291], %swap3A_294 {strides = array<i32>} : memref<256x64xf32, #tpu.memory_space<vmem>>, vector<1x16xf32>,
        %get3A_295 = arith.index_cast %scan3A_272 : i32 to index
        %get3A_296 = arith.constant 32 : index
        %get3A_297 = tpu.vector_load %arg7[%get3A_295, %get3A_296] {strides = array<i32>} : memref<256x64xf32, #tpu.memory_space<vmem>>, vector<1x16xf32>,
        %get3A_298 = vector.shape_cast %get3A_297 : vector<1x16xf32> to vector<16xf32>
        %mul3A_299 = arith.constant 8.000000e+00 : f32
        %mul3A_300 = vector.broadcast %mul3A_299 : f32 to vector<16xf32>
        %mul3A_301 = arith.mulf %get3A_298, %mul3A_300 : vector<16xf32>
        %swap3A_302 = arith.index_cast %scan3A_272 : i32 to index
        %swap3A_303 = arith.constant 32 : index
        %swap3A_304 = tpu.vector_load %arg7[%swap3A_302, %swap3A_303] {strides = array<i32>} : memref<256x64xf32, #tpu.memory_space<vmem>>, vector<1x16xf32>,
        %swap3A_305 = vector.shape_cast %swap3A_304 : vector<1x16xf32> to vector<16xf32>
        %swap3A_306 = vector.shape_cast %mul3A_301 : vector<16xf32> to vector<1x16xf32>
        tpu.vector_store %arg7[%swap3A_302, %swap3A_303], %swap3A_306 {strides = array<i32>} : memref<256x64xf32, #tpu.memory_space<vmem>>, vector<1x16xf32>,
        %get3A_307 = arith.index_cast %scan3A_272 : i32 to index
        %get3A_308 = arith.constant 48 : index
        %get3A_309 = tpu.vector_load %arg7[%get3A_307, %get3A_308] {strides = array<i32>} : memref<256x64xf32, #tpu.memory_space<vmem>>, vector<1x16xf32>,
        %get3A_310 = vector.shape_cast %get3A_309 : vector<1x16xf32> to vector<16xf32>
        %mul3A_311 = arith.constant 8.000000e+00 : f32
        %mul3A_312 = vector.broadcast %mul3A_311 : f32 to vector<16xf32>
        %mul3A_313 = arith.mulf %get3A_310, %mul3A_312 : vector<16xf32>
        %swap3A_314 = arith.index_cast %scan3A_272 : i32 to index
        %swap3A_315 = arith.constant 48 : index
        %swap3A_316 = tpu.vector_load %arg7[%swap3A_314, %swap3A_315] {strides = array<i32>} : memref<256x64xf32, #tpu.memory_space<vmem>>, vector<1x16xf32>,
        %swap3A_317 = vector.shape_cast %swap3A_316 : vector<1x16xf32> to vector<16xf32>
        %swap3A_318 = vector.shape_cast %mul3A_313 : vector<16xf32> to vector<1x16xf32>
        tpu.vector_store %arg7[%swap3A_314, %swap3A_315], %swap3A_318 {strides = array<i32>} : memref<256x64xf32, #tpu.memory_space<vmem>>, vector<1x16xf32>,
        %scan3A_319 = arith.constant 1 : i32
        %scan3A_320 = arith.addi %scan3A_272, %scan3A_319 : i32
        %get3A_321 = arith.index_cast %scan3A_320 : i32 to index
        %get3A_322 = arith.constant 0 : index
        %get3A_323 = tpu.vector_load %arg7[%get3A_321, %get3A_322] {strides = array<i32>} : memref<256x64xf32, #tpu.memory_space<vmem>>, vector<1x16xf32>,
        %get3A_324 = vector.shape_cast %get3A_323 : vector<1x16xf32> to vector<16xf32>
        %mul3A_325 = arith.constant 8.000000e+00 : f32
        %mul3A_326 = vector.broadcast %mul3A_325 : f32 to vector<16xf32>
        %mul3A_327 = arith.mulf %get3A_324, %mul3A_326 : vector<16xf32>
        %swap3A_328 = arith.index_cast %scan3A_320 : i32 to index
        %swap3A_329 = arith.constant 0 : index
        %swap3A_330 = tpu.vector_load %arg7[%swap3A_328, %swap3A_329] {strides = array<i32>} : memref<256x64xf32, #tpu.memory_space<vmem>>, vector<1x16xf32>,
        %swap3A_331 = vector.shape_cast %swap3A_330 : vector<1x16xf32> to vector<16xf32>
        %swap3A_332 = vector.shape_cast %mul3A_327 : vector<16xf32> to vector<1x16xf32>
        tpu.vector_store %arg7[%swap3A_328, %swap3A_329], %swap3A_332 {strides = array<i32>} : memref<256x64xf32, #tpu.memory_space<vmem>>, vector<1x16xf32>,
        %get3A_333 = arith.index_cast %scan3A_320 : i32 to index
        %get3A_334 = arith.constant 16 : index
        %get3A_335 = tpu.vector_load %arg7[%get3A_333, %get3A_334] {strides = array<i32>} : memref<256x64xf32, #tpu.memory_space<vmem>>, vector<1x16xf32>,
        %get3A_336 = vector.shape_cast %get3A_335 : vector<1x16xf32> to vector<16xf32>
        %mul3A_337 = arith.constant 8.000000e+00 : f32
        %mul3A_338 = vector.broadcast %mul3A_337 : f32 to vector<16xf32>
        %mul3A_339 = arith.mulf %get3A_336, %mul3A_338 : vector<16xf32>
        %swap3A_340 = arith.index_cast %scan3A_320 : i32 to index
        %swap3A_341 = arith.constant 16 : index
        %swap3A_342 = tpu.vector_load %arg7[%swap3A_340, %swap3A_341] {strides = array<i32>} : memref<256x64xf32, #tpu.memory_space<vmem>>, vector<1x16xf32>,
        %swap3A_343 = vector.shape_cast %swap3A_342 : vector<1x16xf32> to vector<16xf32>
        %swap3A_344 = vector.shape_cast %mul3A_339 : vector<16xf32> to vector<1x16xf32>
        tpu.vector_store %arg7[%swap3A_340, %swap3A_341], %swap3A_344 {strides = array<i32>} : memref<256x64xf32, #tpu.memory_space<vmem>>, vector<1x16xf32>,
        %get3A_345 = arith.index_cast %scan3A_320 : i32 to index
        %get3A_346 = arith.constant 32 : index
        %get3A_347 = tpu.vector_load %arg7[%get3A_345, %get3A_346] {strides = array<i32>} : memref<256x64xf32, #tpu.memory_space<vmem>>, vector<1x16xf32>,
        %get3A_348 = vector.shape_cast %get3A_347 : vector<1x16xf32> to vector<16xf32>
        %mul3A_349 = arith.constant 8.000000e+00 : f32
        %mul3A_350 = vector.broadcast %mul3A_349 : f32 to vector<16xf32>
        %mul3A_351 = arith.mulf %get3A_348, %mul3A_350 : vector<16xf32>
        %swap3A_352 = arith.index_cast %scan3A_320 : i32 to index
        %swap3A_353 = arith.constant 32 : index
        %swap3A_354 = tpu.vector_load %arg7[%swap3A_352, %swap3A_353] {strides = array<i32>} : memref<256x64xf32, #tpu.memory_space<vmem>>, vector<1x16xf32>,
        %swap3A_355 = vector.shape_cast %swap3A_354 : vector<1x16xf32> to vector<16xf32>
        %swap3A_356 = vector.shape_cast %mul3A_351 : vector<16xf32> to vector<1x16xf32>
        tpu.vector_store %arg7[%swap3A_352, %swap3A_353], %swap3A_356 {strides = array<i32>} : memref<256x64xf32, #tpu.memory_space<vmem>>, vector<1x16xf32>,
        %get3A_357 = arith.index_cast %scan3A_320 : i32 to index
        %get3A_358 = arith.constant 48 : index
        %get3A_359 = tpu.vector_load %arg7[%get3A_357, %get3A_358] {strides = array<i32>} : memref<256x64xf32, #tpu.memory_space<vmem>>, vector<1x16xf32>,
        %get3A_360 = vector.shape_cast %get3A_359 : vector<1x16xf32> to vector<16xf32>
        %mul3A_361 = arith.constant 8.000000e+00 : f32
        %mul3A_362 = vector.broadcast %mul3A_361 : f32 to vector<16xf32>
        %mul3A_363 = arith.mulf %get3A_360, %mul3A_362 : vector<16xf32>
        %swap3A_364 = arith.index_cast %scan3A_320 : i32 to index
        %swap3A_365 = arith.constant 48 : index
        %swap3A_366 = tpu.vector_load %arg7[%swap3A_364, %swap3A_365] {strides = array<i32>} : memref<256x64xf32, #tpu.memory_space<vmem>>, vector<1x16xf32>,
        %swap3A_367 = vector.shape_cast %swap3A_366 : vector<1x16xf32> to vector<16xf32>
        %swap3A_368 = vector.shape_cast %mul3A_363 : vector<16xf32> to vector<1x16xf32>
        tpu.vector_store %arg7[%swap3A_364, %swap3A_365], %swap3A_368 {strides = array<i32>} : memref<256x64xf32, #tpu.memory_space<vmem>>, vector<1x16xf32>,
        %scan3A_369 = arith.constant 2 : i32
        %scan3A_370 = arith.addi %scan3A_272, %scan3A_369 : i32
        %get3A_371 = arith.index_cast %scan3A_370 : i32 to index
        %get3A_372 = arith.constant 0 : index
        %get3A_373 = tpu.vector_load %arg7[%get3A_371, %get3A_372] {strides = array<i32>} : memref<256x64xf32, #tpu.memory_space<vmem>>, vector<1x16xf32>,
        %get3A_374 = vector.shape_cast %get3A_373 : vector<1x16xf32> to vector<16xf32>
        %mul3A_375 = arith.constant 8.000000e+00 : f32
        %mul3A_376 = vector.broadcast %mul3A_375 : f32 to vector<16xf32>
        %mul3A_377 = arith.mulf %get3A_374, %mul3A_376 : vector<16xf32>
        %swap3A_378 = arith.index_cast %scan3A_370 : i32 to index
        %swap3A_379 = arith.constant 0 : index
        %swap3A_380 = tpu.vector_load %arg7[%swap3A_378, %swap3A_379] {strides = array<i32>} : memref<256x64xf32, #tpu.memory_space<vmem>>, vector<1x16xf32>,
        %swap3A_381 = vector.shape_cast %swap3A_380 : vector<1x16xf32> to vector<16xf32>
        %swap3A_382 = vector.shape_cast %mul3A_377 : vector<16xf32> to vector<1x16xf32>
        tpu.vector_store %arg7[%swap3A_378, %swap3A_379], %swap3A_382 {strides = array<i32>} : memref<256x64xf32, #tpu.memory_space<vmem>>, vector<1x16xf32>,
        %get3A_383 = arith.index_cast %scan3A_370 : i32 to index
        %get3A_384 = arith.constant 16 : index
        %get3A_385 = tpu.vector_load %arg7[%get3A_383, %get3A_384] {strides = array<i32>} : memref<256x64xf32, #tpu.memory_space<vmem>>, vector<1x16xf32>,
        %get3A_386 = vector.shape_cast %get3A_385 : vector<1x16xf32> to vector<16xf32>
        %mul3A_387 = arith.constant 8.000000e+00 : f32
        %mul3A_388 = vector.broadcast %mul3A_387 : f32 to vector<16xf32>
        %mul3A_389 = arith.mulf %get3A_386, %mul3A_388 : vector<16xf32>
        %swap3A_390 = arith.index_cast %scan3A_370 : i32 to index
        %swap3A_391 = arith.constant 16 : index
        %swap3A_392 = tpu.vector_load %arg7[%swap3A_390, %swap3A_391] {strides = array<i32>} : memref<256x64xf32, #tpu.memory_space<vmem>>, vector<1x16xf32>,
        %swap3A_393 = vector.shape_cast %swap3A_392 : vector<1x16xf32> to vector<16xf32>
        %swap3A_394 = vector.shape_cast %mul3A_389 : vector<16xf32> to vector<1x16xf32>
        tpu.vector_store %arg7[%swap3A_390, %swap3A_391], %swap3A_394 {strides = array<i32>} : memref<256x64xf32, #tpu.memory_space<vmem>>, vector<1x16xf32>,
        %get3A_395 = arith.index_cast %scan3A_370 : i32 to index
        %get3A_396 = arith.constant 32 : index
        %get3A_397 = tpu.vector_load %arg7[%get3A_395, %get3A_396] {strides = array<i32>} : memref<256x64xf32, #tpu.memory_space<vmem>>, vector<1x16xf32>,
        %get3A_398 = vector.shape_cast %get3A_397 : vector<1x16xf32> to vector<16xf32>
        %mul3A_399 = arith.constant 8.000000e+00 : f32
        %mul3A_400 = vector.broadcast %mul3A_399 : f32 to vector<16xf32>
        %mul3A_401 = arith.mulf %get3A_398, %mul3A_400 : vector<16xf32>
        %swap3A_402 = arith.index_cast %scan3A_370 : i32 to index
        %swap3A_403 = arith.constant 32 : index
        %swap3A_404 = tpu.vector_load %arg7[%swap3A_402, %swap3A_403] {strides = array<i32>} : memref<256x64xf32, #tpu.memory_space<vmem>>, vector<1x16xf32>,
        %swap3A_405 = vector.shape_cast %swap3A_404 : vector<1x16xf32> to vector<16xf32>
        %swap3A_406 = vector.shape_cast %mul3A_401 : vector<16xf32> to vector<1x16xf32>
        tpu.vector_store %arg7[%swap3A_402, %swap3A_403], %swap3A_406 {strides = array<i32>} : memref<256x64xf32, #tpu.memory_space<vmem>>, vector<1x16xf32>,
        %get3A_407 = arith.index_cast %scan3A_370 : i32 to index
        %get3A_408 = arith.constant 48 : index
        %get3A_409 = tpu.vector_load %arg7[%get3A_407, %get3A_408] {strides = array<i32>} : memref<256x64xf32, #tpu.memory_space<vmem>>, vector<1x16xf32>,
        %get3A_410 = vector.shape_cast %get3A_409 : vector<1x16xf32> to vector<16xf32>
        %mul3A_411 = arith.constant 8.000000e+00 : f32
        %mul3A_412 = vector.broadcast %mul3A_411 : f32 to vector<16xf32>
        %mul3A_413 = arith.mulf %get3A_410, %mul3A_412 : vector<16xf32>
        %swap3A_414 = arith.index_cast %scan3A_370 : i32 to index
        %swap3A_415 = arith.constant 48 : index
        %swap3A_416 = tpu.vector_load %arg7[%swap3A_414, %swap3A_415] {strides = array<i32>} : memref<256x64xf32, #tpu.memory_space<vmem>>, vector<1x16xf32>,
        %swap3A_417 = vector.shape_cast %swap3A_416 : vector<1x16xf32> to vector<16xf32>
        %swap3A_418 = vector.shape_cast %mul3A_413 : vector<16xf32> to vector<1x16xf32>
        tpu.vector_store %arg7[%swap3A_414, %swap3A_415], %swap3A_418 {strides = array<i32>} : memref<256x64xf32, #tpu.memory_space<vmem>>, vector<1x16xf32>,
        %scan3A_419 = arith.constant 3 : i32
        %scan3A_420 = arith.addi %scan3A_272, %scan3A_419 : i32
        %get3A_421 = arith.index_cast %scan3A_420 : i32 to index
        %get3A_422 = arith.constant 0 : index
        %get3A_423 = tpu.vector_load %arg7[%get3A_421, %get3A_422] {strides = array<i32>} : memref<256x64xf32, #tpu.memory_space<vmem>>, vector<1x16xf32>,
        %get3A_424 = vector.shape_cast %get3A_423 : vector<1x16xf32> to vector<16xf32>
        %mul3A_425 = arith.constant 8.000000e+00 : f32
        %mul3A_426 = vector.broadcast %mul3A_425 : f32 to vector<16xf32>
        %mul3A_427 = arith.mulf %get3A_424, %mul3A_426 : vector<16xf32>
        %swap3A_428 = arith.index_cast %scan3A_420 : i32 to index
        %swap3A_429 = arith.constant 0 : index
        %swap3A_430 = tpu.vector_load %arg7[%swap3A_428, %swap3A_429] {strides = array<i32>} : memref<256x64xf32, #tpu.memory_space<vmem>>, vector<1x16xf32>,
        %swap3A_431 = vector.shape_cast %swap3A_430 : vector<1x16xf32> to vector<16xf32>
        %swap3A_432 = vector.shape_cast %mul3A_427 : vector<16xf32> to vector<1x16xf32>
        tpu.vector_store %arg7[%swap3A_428, %swap3A_429], %swap3A_432 {strides = array<i32>} : memref<256x64xf32, #tpu.memory_space<vmem>>, vector<1x16xf32>,
        %get3A_433 = arith.index_cast %scan3A_420 : i32 to index
        %get3A_434 = arith.constant 16 : index
        %get3A_435 = tpu.vector_load %arg7[%get3A_433, %get3A_434] {strides = array<i32>} : memref<256x64xf32, #tpu.memory_space<vmem>>, vector<1x16xf32>,
        %get3A_436 = vector.shape_cast %get3A_435 : vector<1x16xf32> to vector<16xf32>
        %mul3A_437 = arith.constant 8.000000e+00 : f32
        %mul3A_438 = vector.broadcast %mul3A_437 : f32 to vector<16xf32>
        %mul3A_439 = arith.mulf %get3A_436, %mul3A_438 : vector<16xf32>
        %swap3A_440 = arith.index_cast %scan3A_420 : i32 to index
        %swap3A_441 = arith.constant 16 : index
        %swap3A_442 = tpu.vector_load %arg7[%swap3A_440, %swap3A_441] {strides = array<i32>} : memref<256x64xf32, #tpu.memory_space<vmem>>, vector<1x16xf32>,
        %swap3A_443 = vector.shape_cast %swap3A_442 : vector<1x16xf32> to vector<16xf32>
        %swap3A_444 = vector.shape_cast %mul3A_439 : vector<16xf32> to vector<1x16xf32>
        tpu.vector_store %arg7[%swap3A_440, %swap3A_441], %swap3A_444 {strides = array<i32>} : memref<256x64xf32, #tpu.memory_space<vmem>>, vector<1x16xf32>,
        %get3A_445 = arith.index_cast %scan3A_420 : i32 to index
        %get3A_446 = arith.constant 32 : index
        %get3A_447 = tpu.vector_load %arg7[%get3A_445, %get3A_446] {strides = array<i32>} : memref<256x64xf32, #tpu.memory_space<vmem>>, vector<1x16xf32>,
        %get3A_448 = vector.shape_cast %get3A_447 : vector<1x16xf32> to vector<16xf32>
        %mul3A_449 = arith.constant 8.000000e+00 : f32
        %mul3A_450 = vector.broadcast %mul3A_449 : f32 to vector<16xf32>
        %mul3A_451 = arith.mulf %get3A_448, %mul3A_450 : vector<16xf32>
        %swap3A_452 = arith.index_cast %scan3A_420 : i32 to index
        %swap3A_453 = arith.constant 32 : index
        %swap3A_454 = tpu.vector_load %arg7[%swap3A_452, %swap3A_453] {strides = array<i32>} : memref<256x64xf32, #tpu.memory_space<vmem>>, vector<1x16xf32>,
        %swap3A_455 = vector.shape_cast %swap3A_454 : vector<1x16xf32> to vector<16xf32>
        %swap3A_456 = vector.shape_cast %mul3A_451 : vector<16xf32> to vector<1x16xf32>
        tpu.vector_store %arg7[%swap3A_452, %swap3A_453], %swap3A_456 {strides = array<i32>} : memref<256x64xf32, #tpu.memory_space<vmem>>, vector<1x16xf32>,
        %get3A_457 = arith.index_cast %scan3A_420 : i32 to index
        %get3A_458 = arith.constant 48 : index
        %get3A_459 = tpu.vector_load %arg7[%get3A_457, %get3A_458] {strides = array<i32>} : memref<256x64xf32, #tpu.memory_space<vmem>>, vector<1x16xf32>,
        %get3A_460 = vector.shape_cast %get3A_459 : vector<1x16xf32> to vector<16xf32>
        %mul3A_461 = arith.constant 8.000000e+00 : f32
        %mul3A_462 = vector.broadcast %mul3A_461 : f32 to vector<16xf32>
        %mul3A_463 = arith.mulf %get3A_460, %mul3A_462 : vector<16xf32>
        %swap3A_464 = arith.index_cast %scan3A_420 : i32 to index
        %swap3A_465 = arith.constant 48 : index
        %swap3A_466 = tpu.vector_load %arg7[%swap3A_464, %swap3A_465] {strides = array<i32>} : memref<256x64xf32, #tpu.memory_space<vmem>>, vector<1x16xf32>,
        %swap3A_467 = vector.shape_cast %swap3A_466 : vector<1x16xf32> to vector<16xf32>
        %swap3A_468 = vector.shape_cast %mul3A_463 : vector<16xf32> to vector<1x16xf32>
        tpu.vector_store %arg7[%swap3A_464, %swap3A_465], %swap3A_468 {strides = array<i32>} : memref<256x64xf32, #tpu.memory_space<vmem>>, vector<1x16xf32>,
        %scan3A_469 = arith.constant 4 : i32
        %scan3A_470 = arith.addi %scan3A_272, %scan3A_469 : i32
        %get3A_471 = arith.index_cast %scan3A_470 : i32 to index
        %get3A_472 = arith.constant 0 : index
        %get3A_473 = tpu.vector_load %arg7[%get3A_471, %get3A_472] {strides = array<i32>} : memref<256x64xf32, #tpu.memory_space<vmem>>, vector<1x16xf32>,
        %get3A_474 = vector.shape_cast %get3A_473 : vector<1x16xf32> to vector<16xf32>
        %mul3A_475 = arith.constant 8.000000e+00 : f32
        %mul3A_476 = vector.broadcast %mul3A_475 : f32 to vector<16xf32>
        %mul3A_477 = arith.mulf %get3A_474, %mul3A_476 : vector<16xf32>
        %swap3A_478 = arith.index_cast %scan3A_470 : i32 to index
        %swap3A_479 = arith.constant 0 : index
        %swap3A_480 = tpu.vector_load %arg7[%swap3A_478, %swap3A_479] {strides = array<i32>} : memref<256x64xf32, #tpu.memory_space<vmem>>, vector<1x16xf32>,
        %swap3A_481 = vector.shape_cast %swap3A_480 : vector<1x16xf32> to vector<16xf32>
        %swap3A_482 = vector.shape_cast %mul3A_477 : vector<16xf32> to vector<1x16xf32>
        tpu.vector_store %arg7[%swap3A_478, %swap3A_479], %swap3A_482 {strides = array<i32>} : memref<256x64xf32, #tpu.memory_space<vmem>>, vector<1x16xf32>,
        %get3A_483 = arith.index_cast %scan3A_470 : i32 to index
        %get3A_484 = arith.constant 16 : index
        %get3A_485 = tpu.vector_load %arg7[%get3A_483, %get3A_484] {strides = array<i32>} : memref<256x64xf32, #tpu.memory_space<vmem>>, vector<1x16xf32>,
        %get3A_486 = vector.shape_cast %get3A_485 : vector<1x16xf32> to vector<16xf32>
        %mul3A_487 = arith.constant 8.000000e+00 : f32
        %mul3A_488 = vector.broadcast %mul3A_487 : f32 to vector<16xf32>
        %mul3A_489 = arith.mulf %get3A_486, %mul3A_488 : vector<16xf32>
        %swap3A_490 = arith.index_cast %scan3A_470 : i32 to index
        %swap3A_491 = arith.constant 16 : index
        %swap3A_492 = tpu.vector_load %arg7[%swap3A_490, %swap3A_491] {strides = array<i32>} : memref<256x64xf32, #tpu.memory_space<vmem>>, vector<1x16xf32>,
        %swap3A_493 = vector.shape_cast %swap3A_492 : vector<1x16xf32> to vector<16xf32>
        %swap3A_494 = vector.shape_cast %mul3A_489 : vector<16xf32> to vector<1x16xf32>
        tpu.vector_store %arg7[%swap3A_490, %swap3A_491], %swap3A_494 {strides = array<i32>} : memref<256x64xf32, #tpu.memory_space<vmem>>, vector<1x16xf32>,
        %get3A_495 = arith.index_cast %scan3A_470 : i32 to index
        %get3A_496 = arith.constant 32 : index
        %get3A_497 = tpu.vector_load %arg7[%get3A_495, %get3A_496] {strides = array<i32>} : memref<256x64xf32, #tpu.memory_space<vmem>>, vector<1x16xf32>,
        %get3A_498 = vector.shape_cast %get3A_497 : vector<1x16xf32> to vector<16xf32>
        %mul3A_499 = arith.constant 8.000000e+00 : f32
        %mul3A_500 = vector.broadcast %mul3A_499 : f32 to vector<16xf32>
        %mul3A_501 = arith.mulf %get3A_498, %mul3A_500 : vector<16xf32>
        %swap3A_502 = arith.index_cast %scan3A_470 : i32 to index
        %swap3A_503 = arith.constant 32 : index
        %swap3A_504 = tpu.vector_load %arg7[%swap3A_502, %swap3A_503] {strides = array<i32>} : memref<256x64xf32, #tpu.memory_space<vmem>>, vector<1x16xf32>,
        %swap3A_505 = vector.shape_cast %swap3A_504 : vector<1x16xf32> to vector<16xf32>
        %swap3A_506 = vector.shape_cast %mul3A_501 : vector<16xf32> to vector<1x16xf32>
        tpu.vector_store %arg7[%swap3A_502, %swap3A_503], %swap3A_506 {strides = array<i32>} : memref<256x64xf32, #tpu.memory_space<vmem>>, vector<1x16xf32>,
        %get3A_507 = arith.index_cast %scan3A_470 : i32 to index
        %get3A_508 = arith.constant 48 : index
        %get3A_509 = tpu.vector_load %arg7[%get3A_507, %get3A_508] {strides = array<i32>} : memref<256x64xf32, #tpu.memory_space<vmem>>, vector<1x16xf32>,
        %get3A_510 = vector.shape_cast %get3A_509 : vector<1x16xf32> to vector<16xf32>
        %mul3A_511 = arith.constant 8.000000e+00 : f32
        %mul3A_512 = vector.broadcast %mul3A_511 : f32 to vector<16xf32>
        %mul3A_513 = arith.mulf %get3A_510, %mul3A_512 : vector<16xf32>
        %swap3A_514 = arith.index_cast %scan3A_470 : i32 to index
        %swap3A_515 = arith.constant 48 : index
        %swap3A_516 = tpu.vector_load %arg7[%swap3A_514, %swap3A_515] {strides = array<i32>} : memref<256x64xf32, #tpu.memory_space<vmem>>, vector<1x16xf32>,
        %swap3A_517 = vector.shape_cast %swap3A_516 : vector<1x16xf32> to vector<16xf32>
        %swap3A_518 = vector.shape_cast %mul3A_513 : vector<16xf32> to vector<1x16xf32>
        tpu.vector_store %arg7[%swap3A_514, %swap3A_515], %swap3A_518 {strides = array<i32>} : memref<256x64xf32, #tpu.memory_space<vmem>>, vector<1x16xf32>,
        %scan3A_519 = arith.constant 5 : i32
        %scan3A_520 = arith.addi %scan3A_272, %scan3A_519 : i32
        %get3A_521 = arith.index_cast %scan3A_520 : i32 to index
        %get3A_522 = arith.constant 0 : index
        %get3A_523 = tpu.vector_load %arg7[%get3A_521, %get3A_522] {strides = array<i32>} : memref<256x64xf32, #tpu.memory_space<vmem>>, vector<1x16xf32>,
        %get3A_524 = vector.shape_cast %get3A_523 : vector<1x16xf32> to vector<16xf32>
        %mul3A_525 = arith.constant 8.000000e+00 : f32
        %mul3A_526 = vector.broadcast %mul3A_525 : f32 to vector<16xf32>
        %mul3A_527 = arith.mulf %get3A_524, %mul3A_526 : vector<16xf32>
        %swap3A_528 = arith.index_cast %scan3A_520 : i32 to index
        %swap3A_529 = arith.constant 0 : index
        %swap3A_530 = tpu.vector_load %arg7[%swap3A_528, %swap3A_529] {strides = array<i32>} : memref<256x64xf32, #tpu.memory_space<vmem>>, vector<1x16xf32>,
        %swap3A_531 = vector.shape_cast %swap3A_530 : vector<1x16xf32> to vector<16xf32>
        %swap3A_532 = vector.shape_cast %mul3A_527 : vector<16xf32> to vector<1x16xf32>
        tpu.vector_store %arg7[%swap3A_528, %swap3A_529], %swap3A_532 {strides = array<i32>} : memref<256x64xf32, #tpu.memory_space<vmem>>, vector<1x16xf32>,
        %get3A_533 = arith.index_cast %scan3A_520 : i32 to index
        %get3A_534 = arith.constant 16 : index
        %get3A_535 = tpu.vector_load %arg7[%get3A_533, %get3A_534] {strides = array<i32>} : memref<256x64xf32, #tpu.memory_space<vmem>>, vector<1x16xf32>,
        %get3A_536 = vector.shape_cast %get3A_535 : vector<1x16xf32> to vector<16xf32>
        %mul3A_537 = arith.constant 8.000000e+00 : f32
        %mul3A_538 = vector.broadcast %mul3A_537 : f32 to vector<16xf32>
        %mul3A_539 = arith.mulf %get3A_536, %mul3A_538 : vector<16xf32>
        %swap3A_540 = arith.index_cast %scan3A_520 : i32 to index
        %swap3A_541 = arith.constant 16 : index
        %swap3A_542 = tpu.vector_load %arg7[%swap3A_540, %swap3A_541] {strides = array<i32>} : memref<256x64xf32, #tpu.memory_space<vmem>>, vector<1x16xf32>,
        %swap3A_543 = vector.shape_cast %swap3A_542 : vector<1x16xf32> to vector<16xf32>
        %swap3A_544 = vector.shape_cast %mul3A_539 : vector<16xf32> to vector<1x16xf32>
        tpu.vector_store %arg7[%swap3A_540, %swap3A_541], %swap3A_544 {strides = array<i32>} : memref<256x64xf32, #tpu.memory_space<vmem>>, vector<1x16xf32>,
        %get3A_545 = arith.index_cast %scan3A_520 : i32 to index
        %get3A_546 = arith.constant 32 : index
        %get3A_547 = tpu.vector_load %arg7[%get3A_545, %get3A_546] {strides = array<i32>} : memref<256x64xf32, #tpu.memory_space<vmem>>, vector<1x16xf32>,
        %get3A_548 = vector.shape_cast %get3A_547 : vector<1x16xf32> to vector<16xf32>
        %mul3A_549 = arith.constant 8.000000e+00 : f32
        %mul3A_550 = vector.broadcast %mul3A_549 : f32 to vector<16xf32>
        %mul3A_551 = arith.mulf %get3A_548, %mul3A_550 : vector<16xf32>
        %swap3A_552 = arith.index_cast %scan3A_520 : i32 to index
        %swap3A_553 = arith.constant 32 : index
        %swap3A_554 = tpu.vector_load %arg7[%swap3A_552, %swap3A_553] {strides = array<i32>} : memref<256x64xf32, #tpu.memory_space<vmem>>, vector<1x16xf32>,
        %swap3A_555 = vector.shape_cast %swap3A_554 : vector<1x16xf32> to vector<16xf32>
        %swap3A_556 = vector.shape_cast %mul3A_551 : vector<16xf32> to vector<1x16xf32>
        tpu.vector_store %arg7[%swap3A_552, %swap3A_553], %swap3A_556 {strides = array<i32>} : memref<256x64xf32, #tpu.memory_space<vmem>>, vector<1x16xf32>,
        %get3A_557 = arith.index_cast %scan3A_520 : i32 to index
        %get3A_558 = arith.constant 48 : index
        %get3A_559 = tpu.vector_load %arg7[%get3A_557, %get3A_558] {strides = array<i32>} : memref<256x64xf32, #tpu.memory_space<vmem>>, vector<1x16xf32>,
        %get3A_560 = vector.shape_cast %get3A_559 : vector<1x16xf32> to vector<16xf32>
        %mul3A_561 = arith.constant 8.000000e+00 : f32
        %mul3A_562 = vector.broadcast %mul3A_561 : f32 to vector<16xf32>
        %mul3A_563 = arith.mulf %get3A_560, %mul3A_562 : vector<16xf32>
        %swap3A_564 = arith.index_cast %scan3A_520 : i32 to index
        %swap3A_565 = arith.constant 48 : index
        %swap3A_566 = tpu.vector_load %arg7[%swap3A_564, %swap3A_565] {strides = array<i32>} : memref<256x64xf32, #tpu.memory_space<vmem>>, vector<1x16xf32>,
        %swap3A_567 = vector.shape_cast %swap3A_566 : vector<1x16xf32> to vector<16xf32>
        %swap3A_568 = vector.shape_cast %mul3A_563 : vector<16xf32> to vector<1x16xf32>
        tpu.vector_store %arg7[%swap3A_564, %swap3A_565], %swap3A_568 {strides = array<i32>} : memref<256x64xf32, #tpu.memory_space<vmem>>, vector<1x16xf32>,
        %scan3A_569 = arith.constant 6 : i32
        %scan3A_570 = arith.addi %scan3A_272, %scan3A_569 : i32
        %get3A_571 = arith.index_cast %scan3A_570 : i32 to index
        %get3A_572 = arith.constant 0 : index
        %get3A_573 = tpu.vector_load %arg7[%get3A_571, %get3A_572] {strides = array<i32>} : memref<256x64xf32, #tpu.memory_space<vmem>>, vector<1x16xf32>,
        %get3A_574 = vector.shape_cast %get3A_573 : vector<1x16xf32> to vector<16xf32>
        %mul3A_575 = arith.constant 8.000000e+00 : f32
        %mul3A_576 = vector.broadcast %mul3A_575 : f32 to vector<16xf32>
        %mul3A_577 = arith.mulf %get3A_574, %mul3A_576 : vector<16xf32>
        %swap3A_578 = arith.index_cast %scan3A_570 : i32 to index
        %swap3A_579 = arith.constant 0 : index
        %swap3A_580 = tpu.vector_load %arg7[%swap3A_578, %swap3A_579] {strides = array<i32>} : memref<256x64xf32, #tpu.memory_space<vmem>>, vector<1x16xf32>,
        %swap3A_581 = vector.shape_cast %swap3A_580 : vector<1x16xf32> to vector<16xf32>
        %swap3A_582 = vector.shape_cast %mul3A_577 : vector<16xf32> to vector<1x16xf32>
        tpu.vector_store %arg7[%swap3A_578, %swap3A_579], %swap3A_582 {strides = array<i32>} : memref<256x64xf32, #tpu.memory_space<vmem>>, vector<1x16xf32>,
        %get3A_583 = arith.index_cast %scan3A_570 : i32 to index
        %get3A_584 = arith.constant 16 : index
        %get3A_585 = tpu.vector_load %arg7[%get3A_583, %get3A_584] {strides = array<i32>} : memref<256x64xf32, #tpu.memory_space<vmem>>, vector<1x16xf32>,
        %get3A_586 = vector.shape_cast %get3A_585 : vector<1x16xf32> to vector<16xf32>
        %mul3A_587 = arith.constant 8.000000e+00 : f32
        %mul3A_588 = vector.broadcast %mul3A_587 : f32 to vector<16xf32>
        %mul3A_589 = arith.mulf %get3A_586, %mul3A_588 : vector<16xf32>
        %swap3A_590 = arith.index_cast %scan3A_570 : i32 to index
        %swap3A_591 = arith.constant 16 : index
        %swap3A_592 = tpu.vector_load %arg7[%swap3A_590, %swap3A_591] {strides = array<i32>} : memref<256x64xf32, #tpu.memory_space<vmem>>, vector<1x16xf32>,
        %swap3A_593 = vector.shape_cast %swap3A_592 : vector<1x16xf32> to vector<16xf32>
        %swap3A_594 = vector.shape_cast %mul3A_589 : vector<16xf32> to vector<1x16xf32>
        tpu.vector_store %arg7[%swap3A_590, %swap3A_591], %swap3A_594 {strides = array<i32>} : memref<256x64xf32, #tpu.memory_space<vmem>>, vector<1x16xf32>,
        %get3A_595 = arith.index_cast %scan3A_570 : i32 to index
        %get3A_596 = arith.constant 32 : index
        %get3A_597 = tpu.vector_load %arg7[%get3A_595, %get3A_596] {strides = array<i32>} : memref<256x64xf32, #tpu.memory_space<vmem>>, vector<1x16xf32>,
        %get3A_598 = vector.shape_cast %get3A_597 : vector<1x16xf32> to vector<16xf32>
        %mul3A_599 = arith.constant 8.000000e+00 : f32
        %mul3A_600 = vector.broadcast %mul3A_599 : f32 to vector<16xf32>
        %mul3A_601 = arith.mulf %get3A_598, %mul3A_600 : vector<16xf32>
        %swap3A_602 = arith.index_cast %scan3A_570 : i32 to index
        %swap3A_603 = arith.constant 32 : index
        %swap3A_604 = tpu.vector_load %arg7[%swap3A_602, %swap3A_603] {strides = array<i32>} : memref<256x64xf32, #tpu.memory_space<vmem>>, vector<1x16xf32>,
        %swap3A_605 = vector.shape_cast %swap3A_604 : vector<1x16xf32> to vector<16xf32>
        %swap3A_606 = vector.shape_cast %mul3A_601 : vector<16xf32> to vector<1x16xf32>
        tpu.vector_store %arg7[%swap3A_602, %swap3A_603], %swap3A_606 {strides = array<i32>} : memref<256x64xf32, #tpu.memory_space<vmem>>, vector<1x16xf32>,
        %get3A_607 = arith.index_cast %scan3A_570 : i32 to index
        %get3A_608 = arith.constant 48 : index
        %get3A_609 = tpu.vector_load %arg7[%get3A_607, %get3A_608] {strides = array<i32>} : memref<256x64xf32, #tpu.memory_space<vmem>>, vector<1x16xf32>,
        %get3A_610 = vector.shape_cast %get3A_609 : vector<1x16xf32> to vector<16xf32>
        %mul3A_611 = arith.constant 8.000000e+00 : f32
        %mul3A_612 = vector.broadcast %mul3A_611 : f32 to vector<16xf32>
        %mul3A_613 = arith.mulf %get3A_610, %mul3A_612 : vector<16xf32>
        %swap3A_614 = arith.index_cast %scan3A_570 : i32 to index
        %swap3A_615 = arith.constant 48 : index
        %swap3A_616 = tpu.vector_load %arg7[%swap3A_614, %swap3A_615] {strides = array<i32>} : memref<256x64xf32, #tpu.memory_space<vmem>>, vector<1x16xf32>,
        %swap3A_617 = vector.shape_cast %swap3A_616 : vector<1x16xf32> to vector<16xf32>
        %swap3A_618 = vector.shape_cast %mul3A_613 : vector<16xf32> to vector<1x16xf32>
        tpu.vector_store %arg7[%swap3A_614, %swap3A_615], %swap3A_618 {strides = array<i32>} : memref<256x64xf32, #tpu.memory_space<vmem>>, vector<1x16xf32>,
        %scan3A_619 = arith.constant 7 : i32
        %scan3A_620 = arith.addi %scan3A_272, %scan3A_619 : i32
        %get3A_621 = arith.index_cast %scan3A_620 : i32 to index
        %get3A_622 = arith.constant 0 : index
        %get3A_623 = tpu.vector_load %arg7[%get3A_621, %get3A_622] {strides = array<i32>} : memref<256x64xf32, #tpu.memory_space<vmem>>, vector<1x16xf32>,
        %get3A_624 = vector.shape_cast %get3A_623 : vector<1x16xf32> to vector<16xf32>
        %mul3A_625 = arith.constant 8.000000e+00 : f32
        %mul3A_626 = vector.broadcast %mul3A_625 : f32 to vector<16xf32>
        %mul3A_627 = arith.mulf %get3A_624, %mul3A_626 : vector<16xf32>
        %swap3A_628 = arith.index_cast %scan3A_620 : i32 to index
        %swap3A_629 = arith.constant 0 : index
        %swap3A_630 = tpu.vector_load %arg7[%swap3A_628, %swap3A_629] {strides = array<i32>} : memref<256x64xf32, #tpu.memory_space<vmem>>, vector<1x16xf32>,
        %swap3A_631 = vector.shape_cast %swap3A_630 : vector<1x16xf32> to vector<16xf32>
        %swap3A_632 = vector.shape_cast %mul3A_627 : vector<16xf32> to vector<1x16xf32>
        tpu.vector_store %arg7[%swap3A_628, %swap3A_629], %swap3A_632 {strides = array<i32>} : memref<256x64xf32, #tpu.memory_space<vmem>>, vector<1x16xf32>,
        %get3A_633 = arith.index_cast %scan3A_620 : i32 to index
        %get3A_634 = arith.constant 16 : index
        %get3A_635 = tpu.vector_load %arg7[%get3A_633, %get3A_634] {strides = array<i32>} : memref<256x64xf32, #tpu.memory_space<vmem>>, vector<1x16xf32>,
        %get3A_636 = vector.shape_cast %get3A_635 : vector<1x16xf32> to vector<16xf32>
        %mul3A_637 = arith.constant 8.000000e+00 : f32
        %mul3A_638 = vector.broadcast %mul3A_637 : f32 to vector<16xf32>
        %mul3A_639 = arith.mulf %get3A_636, %mul3A_638 : vector<16xf32>
        %swap3A_640 = arith.index_cast %scan3A_620 : i32 to index
        %swap3A_641 = arith.constant 16 : index
        %swap3A_642 = tpu.vector_load %arg7[%swap3A_640, %swap3A_641] {strides = array<i32>} : memref<256x64xf32, #tpu.memory_space<vmem>>, vector<1x16xf32>,
        %swap3A_643 = vector.shape_cast %swap3A_642 : vector<1x16xf32> to vector<16xf32>
        %swap3A_644 = vector.shape_cast %mul3A_639 : vector<16xf32> to vector<1x16xf32>
        tpu.vector_store %arg7[%swap3A_640, %swap3A_641], %swap3A_644 {strides = array<i32>} : memref<256x64xf32, #tpu.memory_space<vmem>>, vector<1x16xf32>,
        %get3A_645 = arith.index_cast %scan3A_620 : i32 to index
        %get3A_646 = arith.constant 32 : index
        %get3A_647 = tpu.vector_load %arg7[%get3A_645, %get3A_646] {strides = array<i32>} : memref<256x64xf32, #tpu.memory_space<vmem>>, vector<1x16xf32>,
        %get3A_648 = vector.shape_cast %get3A_647 : vector<1x16xf32> to vector<16xf32>
        %mul3A_649 = arith.constant 8.000000e+00 : f32
        %mul3A_650 = vector.broadcast %mul3A_649 : f32 to vector<16xf32>
        %mul3A_651 = arith.mulf %get3A_648, %mul3A_650 : vector<16xf32>
        %swap3A_652 = arith.index_cast %scan3A_620 : i32 to index
        %swap3A_653 = arith.constant 32 : index
        %swap3A_654 = tpu.vector_load %arg7[%swap3A_652, %swap3A_653] {strides = array<i32>} : memref<256x64xf32, #tpu.memory_space<vmem>>, vector<1x16xf32>,
        %swap3A_655 = vector.shape_cast %swap3A_654 : vector<1x16xf32> to vector<16xf32>
        %swap3A_656 = vector.shape_cast %mul3A_651 : vector<16xf32> to vector<1x16xf32>
        tpu.vector_store %arg7[%swap3A_652, %swap3A_653], %swap3A_656 {strides = array<i32>} : memref<256x64xf32, #tpu.memory_space<vmem>>, vector<1x16xf32>,
        %get3A_657 = arith.index_cast %scan3A_620 : i32 to index
        %get3A_658 = arith.constant 48 : index
        %get3A_659 = tpu.vector_load %arg7[%get3A_657, %get3A_658] {strides = array<i32>} : memref<256x64xf32, #tpu.memory_space<vmem>>, vector<1x16xf32>,
        %get3A_660 = vector.shape_cast %get3A_659 : vector<1x16xf32> to vector<16xf32>
        %mul3A_661 = arith.constant 8.000000e+00 : f32
        %mul3A_662 = vector.broadcast %mul3A_661 : f32 to vector<16xf32>
        %mul3A_663 = arith.mulf %get3A_660, %mul3A_662 : vector<16xf32>
        %swap3A_664 = arith.index_cast %scan3A_620 : i32 to index
        %swap3A_665 = arith.constant 48 : index
        %swap3A_666 = tpu.vector_load %arg7[%swap3A_664, %swap3A_665] {strides = array<i32>} : memref<256x64xf32, #tpu.memory_space<vmem>>, vector<1x16xf32>,
        %swap3A_667 = vector.shape_cast %swap3A_666 : vector<1x16xf32> to vector<16xf32>
        %swap3A_668 = vector.shape_cast %mul3A_663 : vector<16xf32> to vector<1x16xf32>
        tpu.vector_store %arg7[%swap3A_664, %swap3A_665], %swap3A_668 {strides = array<i32>} : memref<256x64xf32, #tpu.memory_space<vmem>>, vector<1x16xf32>,
      }
      %scan3A_164 = arith.constant 256 : i32
      %mul3A_165 = arith.constant 256 : i32
      %mul3A_166 = arith.muli %add3A_125, %mul3A_165 : i32
      %add3A_167 = arith.addi %mul3A_4, %mul3A_166 : i32
      %dma_start3A_168 = arith.constant 0 : i32
      %dma_start3A_169 = tpu.memref_slice %arg4[%add3A_167, %dma_start3A_168] : memref<819200x64xf32, #tpu.memory_space<hbm>> -> memref<256x64xf32, #tpu.memory_space<hbm>>
      %dma_start3A_170 = arith.constant 0 : i32
      %dma_start3A_171 = tpu.memref_slice %arg4[%add3A_167, %dma_start3A_170] : memref<819200x64xf32, #tpu.memory_space<hbm>> -> memref<256x64xf32, #tpu.memory_space<hbm>>
      tpu.enqueue_dma source(%arg7 : memref<256x64xf32, #tpu.memory_space<vmem>>) target(%dma_start3A_171 : memref<256x64xf32, #tpu.memory_space<hbm>>) target_semaphore(%arg15 : memref<!tpu.dma_semaphore, #tpu.memory_space<semaphore_mem>>)
      %mul3A_172 = arith.constant 4 : i32
      %mul3A_173 = arith.muli %scan3A_74, %mul3A_172 : i32
      %add3A_174 = arith.constant 2 : i32
      %add3A_175 = arith.addi %mul3A_173, %add3A_174 : i32
      %add3A_176 = arith.constant 2 : i32
      %add3A_177 = arith.addi %add3A_175, %add3A_176 : i32
      %lt3A_178 = arith.constant 100 : i32
      %lt3A_179 = arith.cmpi slt, %add3A_177, %lt3A_178 : i32
      %convert_element_type3A_180 = arith.extui %lt3A_179 : i1 to i32
      %cond3A_181 = arith.constant 0 : i32
      %cond3A_182 = arith.cmpi ne, %convert_element_type3A_180, %cond3A_181 : i32
      scf.if %cond3A_182 {
        %ge3A = arith.constant 4 : i32
        %ge3A_272 = arith.cmpi sge, %add3A_177, %ge3A : i32
        %convert_element_type3A_273 = arith.extui %ge3A_272 : i1 to i32
        %cond3A_274 = arith.constant 0 : i32
        %cond3A_275 = arith.cmpi ne, %convert_element_type3A_273, %cond3A_274 : i32
        scf.if %cond3A_275 {
          %dma_wait3A_302 = arith.constant 0 : i32
          %dma_wait3A_303 = arith.constant 0 : i32
          %dma_wait3A_304 = tpu.memref_slice %arg4[%dma_wait3A_302, %dma_wait3A_303] : memref<819200x64xf32, #tpu.memory_space<hbm>> -> memref<256x64xf32, #tpu.memory_space<hbm>>
          %dma_wait3A_305 = arith.constant 0 : i32
          %dma_wait3A_306 = arith.constant 0 : i32
          %dma_wait3A_307 = tpu.memref_slice %arg4[%dma_wait3A_305, %dma_wait3A_306] : memref<819200x64xf32, #tpu.memory_space<hbm>> -> memref<256x64xf32, #tpu.memory_space<hbm>>
          tpu.wait_dma2 semaphore(%arg14 : memref<!tpu.dma_semaphore, #tpu.memory_space<semaphore_mem>>) src(%arg6 : memref<256x64xf32, #tpu.memory_space<vmem>>) dst(%dma_wait3A_307 : memref<256x64xf32, #tpu.memory_space<hbm>>)
        } else {
        }
        %mul3A_276 = arith.constant 2 : i32
        %mul3A_277 = arith.muli %add3A_177, %mul3A_276 : i32
        %add3A_278 = arith.constant 0 : i32
        %add3A_279 = arith.addi %mul3A_277, %add3A_278 : i32
        %dma_start3A_280 = arith.constant 0 : i32
        %dma_start3A_281 = arith.constant 0 : i32
        %dma_start3A_282 = tpu.memref_slice %arg6[%dma_start3A_280, %dma_start3A_281] : memref<256x64xf32, #tpu.memory_space<vmem>> -> memref<128x64xf32, #tpu.memory_space<vmem>>
        %dma_start3A_283 = arith.constant 0 : i32
        %dma_start3A_284 = tpu.memref_slice %arg5[%add3A_279, %dma_start3A_283] : memref<200x128xi32, #tpu.memory_space<vmem>> -> memref<1x128xi32, #tpu.memory_space<vmem>>
        %dma_start3A_285 = tpu.memref_squeeze %dma_start3A_284 : memref<1x128xi32, #tpu.memory_space<vmem>> -> memref<128xi32, #tpu.memory_space<vmem>>
        %dma_start3A_286 = arith.constant 0 : i32
        %dma_start3A_287 = arith.constant 0 : i32
        %dma_start3A_288 = tpu.memref_slice %arg2[%dma_start3A_286, %dma_start3A_287] : memref<1000000x64xf32, #tpu.memory_space<hbm>> -> memref<1000000x64xf32, #tpu.memory_space<hbm>>
        tpu.enqueue_indirect_dma source(%dma_start3A_288 : memref<1000000x64xf32, #tpu.memory_space<hbm>>) target(%dma_start3A_282 : memref<128x64xf32, #tpu.memory_space<vmem>>) offsets(%dma_start3A_285 : memref<128xi32, #tpu.memory_space<vmem>>) semaphore(%arg10 : memref<!tpu.dma_semaphore, #tpu.memory_space<semaphore_mem>>)
        %mul3A_289 = arith.constant 2 : i32
        %mul3A_290 = arith.muli %add3A_177, %mul3A_289 : i32
        %add3A_291 = arith.constant 1 : i32
        %add3A_292 = arith.addi %mul3A_290, %add3A_291 : i32
        %dma_start3A_293 = arith.constant 128 : i32
        %dma_start3A_294 = arith.constant 0 : i32
        %dma_start3A_295 = tpu.memref_slice %arg6[%dma_start3A_293, %dma_start3A_294] : memref<256x64xf32, #tpu.memory_space<vmem>> -> memref<128x64xf32, #tpu.memory_space<vmem>>
        %dma_start3A_296 = arith.constant 0 : i32
        %dma_start3A_297 = tpu.memref_slice %arg5[%add3A_292, %dma_start3A_296] : memref<200x128xi32, #tpu.memory_space<vmem>> -> memref<1x128xi32, #tpu.memory_space<vmem>>
        %dma_start3A_298 = tpu.memref_squeeze %dma_start3A_297 : memref<1x128xi32, #tpu.memory_space<vmem>> -> memref<128xi32, #tpu.memory_space<vmem>>
        %dma_start3A_299 = arith.constant 0 : i32
        %dma_start3A_300 = arith.constant 0 : i32
        %dma_start3A_301 = tpu.memref_slice %arg2[%dma_start3A_299, %dma_start3A_300] : memref<1000000x64xf32, #tpu.memory_space<hbm>> -> memref<1000000x64xf32, #tpu.memory_space<hbm>>
        tpu.enqueue_indirect_dma source(%dma_start3A_301 : memref<1000000x64xf32, #tpu.memory_space<hbm>>) target(%dma_start3A_295 : memref<128x64xf32, #tpu.memory_space<vmem>>) offsets(%dma_start3A_298 : memref<128xi32, #tpu.memory_space<vmem>>) semaphore(%arg10 : memref<!tpu.dma_semaphore, #tpu.memory_space<semaphore_mem>>)
      } else {
      }
      %mul3A_183 = arith.constant 2 : i32
      %mul3A_184 = arith.muli %add3A_175, %mul3A_183 : i32
      %add3A_185 = arith.constant 0 : i32
      %add3A_186 = arith.addi %mul3A_184, %add3A_185 : i32
      %dma_wait3A_187 = arith.constant 0 : i32
      %dma_wait3A_188 = arith.constant 0 : i32
      %dma_wait3A_189 = tpu.memref_slice %arg8[%dma_wait3A_187, %dma_wait3A_188] : memref<256x64xf32, #tpu.memory_space<vmem>> -> memref<128x64xf32, #tpu.memory_space<vmem>>
      %dma_wait3A_190 = arith.constant 0 : i32
      %dma_wait3A_191 = tpu.memref_slice %arg5[%add3A_186, %dma_wait3A_190] : memref<200x128xi32, #tpu.memory_space<vmem>> -> memref<1x128xi32, #tpu.memory_space<vmem>>
      %dma_wait3A_192 = tpu.memref_squeeze %dma_wait3A_191 : memref<1x128xi32, #tpu.memory_space<vmem>> -> memref<128xi32, #tpu.memory_space<vmem>>
      %dma_wait3A_193 = arith.constant 0 : i32
      %dma_wait3A_194 = arith.constant 0 : i32
      %dma_wait3A_195 = tpu.memref_slice %arg2[%dma_wait3A_193, %dma_wait3A_194] : memref<1000000x64xf32, #tpu.memory_space<hbm>> -> memref<1000000x64xf32, #tpu.memory_space<hbm>>
      tpu.wait_indirect_dma semaphore(%arg12 : memref<!tpu.dma_semaphore, #tpu.memory_space<semaphore_mem>>) src(%dma_wait3A_195 : memref<1000000x64xf32, #tpu.memory_space<hbm>>) dst(%dma_wait3A_189 : memref<128x64xf32, #tpu.memory_space<vmem>>)
      %mul3A_196 = arith.constant 2 : i32
      %mul3A_197 = arith.muli %add3A_175, %mul3A_196 : i32
      %add3A_198 = arith.constant 1 : i32
      %add3A_199 = arith.addi %mul3A_197, %add3A_198 : i32
      %dma_wait3A_200 = arith.constant 128 : i32
      %dma_wait3A_201 = arith.constant 0 : i32
      %dma_wait3A_202 = tpu.memref_slice %arg8[%dma_wait3A_200, %dma_wait3A_201] : memref<256x64xf32, #tpu.memory_space<vmem>> -> memref<128x64xf32, #tpu.memory_space<vmem>>
      %dma_wait3A_203 = arith.constant 0 : i32
      %dma_wait3A_204 = tpu.memref_slice %arg5[%add3A_199, %dma_wait3A_203] : memref<200x128xi32, #tpu.memory_space<vmem>> -> memref<1x128xi32, #tpu.memory_space<vmem>>
      %dma_wait3A_205 = tpu.memref_squeeze %dma_wait3A_204 : memref<1x128xi32, #tpu.memory_space<vmem>> -> memref<128xi32, #tpu.memory_space<vmem>>
      %dma_wait3A_206 = arith.constant 0 : i32
      %dma_wait3A_207 = arith.constant 0 : i32
      %dma_wait3A_208 = tpu.memref_slice %arg2[%dma_wait3A_206, %dma_wait3A_207] : memref<1000000x64xf32, #tpu.memory_space<hbm>> -> memref<1000000x64xf32, #tpu.memory_space<hbm>>
      tpu.wait_indirect_dma semaphore(%arg12 : memref<!tpu.dma_semaphore, #tpu.memory_space<semaphore_mem>>) src(%dma_wait3A_208 : memref<1000000x64xf32, #tpu.memory_space<hbm>>) dst(%dma_wait3A_202 : memref<128x64xf32, #tpu.memory_space<vmem>>)
      %scan3A_209 = arith.constant 0 : i32
      %scan3A_210 = arith.constant 0 : i32
      %scan3A_211 = arith.constant 256 : i32
      %scan3A_212 = arith.addi %scan3A_210, %scan3A_211 : i32
      %scan3A_213 = arith.constant 8 : i32
      scf.for %scan3A_272 = %scan3A_210 to %scan3A_212 step %scan3A_213  : i32 {
        %get3A = arith.index_cast %scan3A_272 : i32 to index
        %get3A_273 = arith.constant 0 : index
        %get3A_274 = tpu.vector_load %arg8[%get3A, %get3A_273] {strides = array<i32>} : memref<256x64xf32, #tpu.memory_space<vmem>>, vector<1x16xf32>,
        %get3A_275 = vector.shape_cast %get3A_274 : vector<1x16xf32> to vector<16xf32>
        %mul3A_276 = arith.constant 8.000000e+00 : f32
        %mul3A_277 = vector.broadcast %mul3A_276 : f32 to vector<16xf32>
        %mul3A_278 = arith.mulf %get3A_275, %mul3A_277 : vector<16xf32>
        %swap3A = arith.index_cast %scan3A_272 : i32 to index
        %swap3A_279 = arith.constant 0 : index
        %swap3A_280 = tpu.vector_load %arg8[%swap3A, %swap3A_279] {strides = array<i32>} : memref<256x64xf32, #tpu.memory_space<vmem>>, vector<1x16xf32>,
        %swap3A_281 = vector.shape_cast %swap3A_280 : vector<1x16xf32> to vector<16xf32>
        %swap3A_282 = vector.shape_cast %mul3A_278 : vector<16xf32> to vector<1x16xf32>
        tpu.vector_store %arg8[%swap3A, %swap3A_279], %swap3A_282 {strides = array<i32>} : memref<256x64xf32, #tpu.memory_space<vmem>>, vector<1x16xf32>,
        %get3A_283 = arith.index_cast %scan3A_272 : i32 to index
        %get3A_284 = arith.constant 16 : index
        %get3A_285 = tpu.vector_load %arg8[%get3A_283, %get3A_284] {strides = array<i32>} : memref<256x64xf32, #tpu.memory_space<vmem>>, vector<1x16xf32>,
        %get3A_286 = vector.shape_cast %get3A_285 : vector<1x16xf32> to vector<16xf32>
        %mul3A_287 = arith.constant 8.000000e+00 : f32
        %mul3A_288 = vector.broadcast %mul3A_287 : f32 to vector<16xf32>
        %mul3A_289 = arith.mulf %get3A_286, %mul3A_288 : vector<16xf32>
        %swap3A_290 = arith.index_cast %scan3A_272 : i32 to index
        %swap3A_291 = arith.constant 16 : index
        %swap3A_292 = tpu.vector_load %arg8[%swap3A_290, %swap3A_291] {strides = array<i32>} : memref<256x64xf32, #tpu.memory_space<vmem>>, vector<1x16xf32>,
        %swap3A_293 = vector.shape_cast %swap3A_292 : vector<1x16xf32> to vector<16xf32>
        %swap3A_294 = vector.shape_cast %mul3A_289 : vector<16xf32> to vector<1x16xf32>
        tpu.vector_store %arg8[%swap3A_290, %swap3A_291], %swap3A_294 {strides = array<i32>} : memref<256x64xf32, #tpu.memory_space<vmem>>, vector<1x16xf32>,
        %get3A_295 = arith.index_cast %scan3A_272 : i32 to index
        %get3A_296 = arith.constant 32 : index
        %get3A_297 = tpu.vector_load %arg8[%get3A_295, %get3A_296] {strides = array<i32>} : memref<256x64xf32, #tpu.memory_space<vmem>>, vector<1x16xf32>,
        %get3A_298 = vector.shape_cast %get3A_297 : vector<1x16xf32> to vector<16xf32>
        %mul3A_299 = arith.constant 8.000000e+00 : f32
        %mul3A_300 = vector.broadcast %mul3A_299 : f32 to vector<16xf32>
        %mul3A_301 = arith.mulf %get3A_298, %mul3A_300 : vector<16xf32>
        %swap3A_302 = arith.index_cast %scan3A_272 : i32 to index
        %swap3A_303 = arith.constant 32 : index
        %swap3A_304 = tpu.vector_load %arg8[%swap3A_302, %swap3A_303] {strides = array<i32>} : memref<256x64xf32, #tpu.memory_space<vmem>>, vector<1x16xf32>,
        %swap3A_305 = vector.shape_cast %swap3A_304 : vector<1x16xf32> to vector<16xf32>
        %swap3A_306 = vector.shape_cast %mul3A_301 : vector<16xf32> to vector<1x16xf32>
        tpu.vector_store %arg8[%swap3A_302, %swap3A_303], %swap3A_306 {strides = array<i32>} : memref<256x64xf32, #tpu.memory_space<vmem>>, vector<1x16xf32>,
        %get3A_307 = arith.index_cast %scan3A_272 : i32 to index
        %get3A_308 = arith.constant 48 : index
        %get3A_309 = tpu.vector_load %arg8[%get3A_307, %get3A_308] {strides = array<i32>} : memref<256x64xf32, #tpu.memory_space<vmem>>, vector<1x16xf32>,
        %get3A_310 = vector.shape_cast %get3A_309 : vector<1x16xf32> to vector<16xf32>
        %mul3A_311 = arith.constant 8.000000e+00 : f32
        %mul3A_312 = vector.broadcast %mul3A_311 : f32 to vector<16xf32>
        %mul3A_313 = arith.mulf %get3A_310, %mul3A_312 : vector<16xf32>
        %swap3A_314 = arith.index_cast %scan3A_272 : i32 to index
        %swap3A_315 = arith.constant 48 : index
        %swap3A_316 = tpu.vector_load %arg8[%swap3A_314, %swap3A_315] {strides = array<i32>} : memref<256x64xf32, #tpu.memory_space<vmem>>, vector<1x16xf32>,
        %swap3A_317 = vector.shape_cast %swap3A_316 : vector<1x16xf32> to vector<16xf32>
        %swap3A_318 = vector.shape_cast %mul3A_313 : vector<16xf32> to vector<1x16xf32>
        tpu.vector_store %arg8[%swap3A_314, %swap3A_315], %swap3A_318 {strides = array<i32>} : memref<256x64xf32, #tpu.memory_space<vmem>>, vector<1x16xf32>,
        %scan3A_319 = arith.constant 1 : i32
        %scan3A_320 = arith.addi %scan3A_272, %scan3A_319 : i32
        %get3A_321 = arith.index_cast %scan3A_320 : i32 to index
        %get3A_322 = arith.constant 0 : index
        %get3A_323 = tpu.vector_load %arg8[%get3A_321, %get3A_322] {strides = array<i32>} : memref<256x64xf32, #tpu.memory_space<vmem>>, vector<1x16xf32>,
        %get3A_324 = vector.shape_cast %get3A_323 : vector<1x16xf32> to vector<16xf32>
        %mul3A_325 = arith.constant 8.000000e+00 : f32
        %mul3A_326 = vector.broadcast %mul3A_325 : f32 to vector<16xf32>
        %mul3A_327 = arith.mulf %get3A_324, %mul3A_326 : vector<16xf32>
        %swap3A_328 = arith.index_cast %scan3A_320 : i32 to index
        %swap3A_329 = arith.constant 0 : index
        %swap3A_330 = tpu.vector_load %arg8[%swap3A_328, %swap3A_329] {strides = array<i32>} : memref<256x64xf32, #tpu.memory_space<vmem>>, vector<1x16xf32>,
        %swap3A_331 = vector.shape_cast %swap3A_330 : vector<1x16xf32> to vector<16xf32>
        %swap3A_332 = vector.shape_cast %mul3A_327 : vector<16xf32> to vector<1x16xf32>
        tpu.vector_store %arg8[%swap3A_328, %swap3A_329], %swap3A_332 {strides = array<i32>} : memref<256x64xf32, #tpu.memory_space<vmem>>, vector<1x16xf32>,
        %get3A_333 = arith.index_cast %scan3A_320 : i32 to index
        %get3A_334 = arith.constant 16 : index
        %get3A_335 = tpu.vector_load %arg8[%get3A_333, %get3A_334] {strides = array<i32>} : memref<256x64xf32, #tpu.memory_space<vmem>>, vector<1x16xf32>,
        %get3A_336 = vector.shape_cast %get3A_335 : vector<1x16xf32> to vector<16xf32>
        %mul3A_337 = arith.constant 8.000000e+00 : f32
        %mul3A_338 = vector.broadcast %mul3A_337 : f32 to vector<16xf32>
        %mul3A_339 = arith.mulf %get3A_336, %mul3A_338 : vector<16xf32>
        %swap3A_340 = arith.index_cast %scan3A_320 : i32 to index
        %swap3A_341 = arith.constant 16 : index
        %swap3A_342 = tpu.vector_load %arg8[%swap3A_340, %swap3A_341] {strides = array<i32>} : memref<256x64xf32, #tpu.memory_space<vmem>>, vector<1x16xf32>,
        %swap3A_343 = vector.shape_cast %swap3A_342 : vector<1x16xf32> to vector<16xf32>
        %swap3A_344 = vector.shape_cast %mul3A_339 : vector<16xf32> to vector<1x16xf32>
        tpu.vector_store %arg8[%swap3A_340, %swap3A_341], %swap3A_344 {strides = array<i32>} : memref<256x64xf32, #tpu.memory_space<vmem>>, vector<1x16xf32>,
        %get3A_345 = arith.index_cast %scan3A_320 : i32 to index
        %get3A_346 = arith.constant 32 : index
        %get3A_347 = tpu.vector_load %arg8[%get3A_345, %get3A_346] {strides = array<i32>} : memref<256x64xf32, #tpu.memory_space<vmem>>, vector<1x16xf32>,
        %get3A_348 = vector.shape_cast %get3A_347 : vector<1x16xf32> to vector<16xf32>
        %mul3A_349 = arith.constant 8.000000e+00 : f32
        %mul3A_350 = vector.broadcast %mul3A_349 : f32 to vector<16xf32>
        %mul3A_351 = arith.mulf %get3A_348, %mul3A_350 : vector<16xf32>
        %swap3A_352 = arith.index_cast %scan3A_320 : i32 to index
        %swap3A_353 = arith.constant 32 : index
        %swap3A_354 = tpu.vector_load %arg8[%swap3A_352, %swap3A_353] {strides = array<i32>} : memref<256x64xf32, #tpu.memory_space<vmem>>, vector<1x16xf32>,
        %swap3A_355 = vector.shape_cast %swap3A_354 : vector<1x16xf32> to vector<16xf32>
        %swap3A_356 = vector.shape_cast %mul3A_351 : vector<16xf32> to vector<1x16xf32>
        tpu.vector_store %arg8[%swap3A_352, %swap3A_353], %swap3A_356 {strides = array<i32>} : memref<256x64xf32, #tpu.memory_space<vmem>>, vector<1x16xf32>,
        %get3A_357 = arith.index_cast %scan3A_320 : i32 to index
        %get3A_358 = arith.constant 48 : index
        %get3A_359 = tpu.vector_load %arg8[%get3A_357, %get3A_358] {strides = array<i32>} : memref<256x64xf32, #tpu.memory_space<vmem>>, vector<1x16xf32>,
        %get3A_360 = vector.shape_cast %get3A_359 : vector<1x16xf32> to vector<16xf32>
        %mul3A_361 = arith.constant 8.000000e+00 : f32
        %mul3A_362 = vector.broadcast %mul3A_361 : f32 to vector<16xf32>
        %mul3A_363 = arith.mulf %get3A_360, %mul3A_362 : vector<16xf32>
        %swap3A_364 = arith.index_cast %scan3A_320 : i32 to index
        %swap3A_365 = arith.constant 48 : index
        %swap3A_366 = tpu.vector_load %arg8[%swap3A_364, %swap3A_365] {strides = array<i32>} : memref<256x64xf32, #tpu.memory_space<vmem>>, vector<1x16xf32>,
        %swap3A_367 = vector.shape_cast %swap3A_366 : vector<1x16xf32> to vector<16xf32>
        %swap3A_368 = vector.shape_cast %mul3A_363 : vector<16xf32> to vector<1x16xf32>
        tpu.vector_store %arg8[%swap3A_364, %swap3A_365], %swap3A_368 {strides = array<i32>} : memref<256x64xf32, #tpu.memory_space<vmem>>, vector<1x16xf32>,
        %scan3A_369 = arith.constant 2 : i32
        %scan3A_370 = arith.addi %scan3A_272, %scan3A_369 : i32
        %get3A_371 = arith.index_cast %scan3A_370 : i32 to index
        %get3A_372 = arith.constant 0 : index
        %get3A_373 = tpu.vector_load %arg8[%get3A_371, %get3A_372] {strides = array<i32>} : memref<256x64xf32, #tpu.memory_space<vmem>>, vector<1x16xf32>,
        %get3A_374 = vector.shape_cast %get3A_373 : vector<1x16xf32> to vector<16xf32>
        %mul3A_375 = arith.constant 8.000000e+00 : f32
        %mul3A_376 = vector.broadcast %mul3A_375 : f32 to vector<16xf32>
        %mul3A_377 = arith.mulf %get3A_374, %mul3A_376 : vector<16xf32>
        %swap3A_378 = arith.index_cast %scan3A_370 : i32 to index
        %swap3A_379 = arith.constant 0 : index
        %swap3A_380 = tpu.vector_load %arg8[%swap3A_378, %swap3A_379] {strides = array<i32>} : memref<256x64xf32, #tpu.memory_space<vmem>>, vector<1x16xf32>,
        %swap3A_381 = vector.shape_cast %swap3A_380 : vector<1x16xf32> to vector<16xf32>
        %swap3A_382 = vector.shape_cast %mul3A_377 : vector<16xf32> to vector<1x16xf32>
        tpu.vector_store %arg8[%swap3A_378, %swap3A_379], %swap3A_382 {strides = array<i32>} : memref<256x64xf32, #tpu.memory_space<vmem>>, vector<1x16xf32>,
        %get3A_383 = arith.index_cast %scan3A_370 : i32 to index
        %get3A_384 = arith.constant 16 : index
        %get3A_385 = tpu.vector_load %arg8[%get3A_383, %get3A_384] {strides = array<i32>} : memref<256x64xf32, #tpu.memory_space<vmem>>, vector<1x16xf32>,
        %get3A_386 = vector.shape_cast %get3A_385 : vector<1x16xf32> to vector<16xf32>
        %mul3A_387 = arith.constant 8.000000e+00 : f32
        %mul3A_388 = vector.broadcast %mul3A_387 : f32 to vector<16xf32>
        %mul3A_389 = arith.mulf %get3A_386, %mul3A_388 : vector<16xf32>
        %swap3A_390 = arith.index_cast %scan3A_370 : i32 to index
        %swap3A_391 = arith.constant 16 : index
        %swap3A_392 = tpu.vector_load %arg8[%swap3A_390, %swap3A_391] {strides = array<i32>} : memref<256x64xf32, #tpu.memory_space<vmem>>, vector<1x16xf32>,
        %swap3A_393 = vector.shape_cast %swap3A_392 : vector<1x16xf32> to vector<16xf32>
        %swap3A_394 = vector.shape_cast %mul3A_389 : vector<16xf32> to vector<1x16xf32>
        tpu.vector_store %arg8[%swap3A_390, %swap3A_391], %swap3A_394 {strides = array<i32>} : memref<256x64xf32, #tpu.memory_space<vmem>>, vector<1x16xf32>,
        %get3A_395 = arith.index_cast %scan3A_370 : i32 to index
        %get3A_396 = arith.constant 32 : index
        %get3A_397 = tpu.vector_load %arg8[%get3A_395, %get3A_396] {strides = array<i32>} : memref<256x64xf32, #tpu.memory_space<vmem>>, vector<1x16xf32>,
        %get3A_398 = vector.shape_cast %get3A_397 : vector<1x16xf32> to vector<16xf32>
        %mul3A_399 = arith.constant 8.000000e+00 : f32
        %mul3A_400 = vector.broadcast %mul3A_399 : f32 to vector<16xf32>
        %mul3A_401 = arith.mulf %get3A_398, %mul3A_400 : vector<16xf32>
        %swap3A_402 = arith.index_cast %scan3A_370 : i32 to index
        %swap3A_403 = arith.constant 32 : index
        %swap3A_404 = tpu.vector_load %arg8[%swap3A_402, %swap3A_403] {strides = array<i32>} : memref<256x64xf32, #tpu.memory_space<vmem>>, vector<1x16xf32>,
        %swap3A_405 = vector.shape_cast %swap3A_404 : vector<1x16xf32> to vector<16xf32>
        %swap3A_406 = vector.shape_cast %mul3A_401 : vector<16xf32> to vector<1x16xf32>
        tpu.vector_store %arg8[%swap3A_402, %swap3A_403], %swap3A_406 {strides = array<i32>} : memref<256x64xf32, #tpu.memory_space<vmem>>, vector<1x16xf32>,
        %get3A_407 = arith.index_cast %scan3A_370 : i32 to index
        %get3A_408 = arith.constant 48 : index
        %get3A_409 = tpu.vector_load %arg8[%get3A_407, %get3A_408] {strides = array<i32>} : memref<256x64xf32, #tpu.memory_space<vmem>>, vector<1x16xf32>,
        %get3A_410 = vector.shape_cast %get3A_409 : vector<1x16xf32> to vector<16xf32>
        %mul3A_411 = arith.constant 8.000000e+00 : f32
        %mul3A_412 = vector.broadcast %mul3A_411 : f32 to vector<16xf32>
        %mul3A_413 = arith.mulf %get3A_410, %mul3A_412 : vector<16xf32>
        %swap3A_414 = arith.index_cast %scan3A_370 : i32 to index
        %swap3A_415 = arith.constant 48 : index
        %swap3A_416 = tpu.vector_load %arg8[%swap3A_414, %swap3A_415] {strides = array<i32>} : memref<256x64xf32, #tpu.memory_space<vmem>>, vector<1x16xf32>,
        %swap3A_417 = vector.shape_cast %swap3A_416 : vector<1x16xf32> to vector<16xf32>
        %swap3A_418 = vector.shape_cast %mul3A_413 : vector<16xf32> to vector<1x16xf32>
        tpu.vector_store %arg8[%swap3A_414, %swap3A_415], %swap3A_418 {strides = array<i32>} : memref<256x64xf32, #tpu.memory_space<vmem>>, vector<1x16xf32>,
        %scan3A_419 = arith.constant 3 : i32
        %scan3A_420 = arith.addi %scan3A_272, %scan3A_419 : i32
        %get3A_421 = arith.index_cast %scan3A_420 : i32 to index
        %get3A_422 = arith.constant 0 : index
        %get3A_423 = tpu.vector_load %arg8[%get3A_421, %get3A_422] {strides = array<i32>} : memref<256x64xf32, #tpu.memory_space<vmem>>, vector<1x16xf32>,
        %get3A_424 = vector.shape_cast %get3A_423 : vector<1x16xf32> to vector<16xf32>
        %mul3A_425 = arith.constant 8.000000e+00 : f32
        %mul3A_426 = vector.broadcast %mul3A_425 : f32 to vector<16xf32>
        %mul3A_427 = arith.mulf %get3A_424, %mul3A_426 : vector<16xf32>
        %swap3A_428 = arith.index_cast %scan3A_420 : i32 to index
        %swap3A_429 = arith.constant 0 : index
        %swap3A_430 = tpu.vector_load %arg8[%swap3A_428, %swap3A_429] {strides = array<i32>} : memref<256x64xf32, #tpu.memory_space<vmem>>, vector<1x16xf32>,
        %swap3A_431 = vector.shape_cast %swap3A_430 : vector<1x16xf32> to vector<16xf32>
        %swap3A_432 = vector.shape_cast %mul3A_427 : vector<16xf32> to vector<1x16xf32>
        tpu.vector_store %arg8[%swap3A_428, %swap3A_429], %swap3A_432 {strides = array<i32>} : memref<256x64xf32, #tpu.memory_space<vmem>>, vector<1x16xf32>,
        %get3A_433 = arith.index_cast %scan3A_420 : i32 to index
        %get3A_434 = arith.constant 16 : index
        %get3A_435 = tpu.vector_load %arg8[%get3A_433, %get3A_434] {strides = array<i32>} : memref<256x64xf32, #tpu.memory_space<vmem>>, vector<1x16xf32>,
        %get3A_436 = vector.shape_cast %get3A_435 : vector<1x16xf32> to vector<16xf32>
        %mul3A_437 = arith.constant 8.000000e+00 : f32
        %mul3A_438 = vector.broadcast %mul3A_437 : f32 to vector<16xf32>
        %mul3A_439 = arith.mulf %get3A_436, %mul3A_438 : vector<16xf32>
        %swap3A_440 = arith.index_cast %scan3A_420 : i32 to index
        %swap3A_441 = arith.constant 16 : index
        %swap3A_442 = tpu.vector_load %arg8[%swap3A_440, %swap3A_441] {strides = array<i32>} : memref<256x64xf32, #tpu.memory_space<vmem>>, vector<1x16xf32>,
        %swap3A_443 = vector.shape_cast %swap3A_442 : vector<1x16xf32> to vector<16xf32>
        %swap3A_444 = vector.shape_cast %mul3A_439 : vector<16xf32> to vector<1x16xf32>
        tpu.vector_store %arg8[%swap3A_440, %swap3A_441], %swap3A_444 {strides = array<i32>} : memref<256x64xf32, #tpu.memory_space<vmem>>, vector<1x16xf32>,
        %get3A_445 = arith.index_cast %scan3A_420 : i32 to index
        %get3A_446 = arith.constant 32 : index
        %get3A_447 = tpu.vector_load %arg8[%get3A_445, %get3A_446] {strides = array<i32>} : memref<256x64xf32, #tpu.memory_space<vmem>>, vector<1x16xf32>,
        %get3A_448 = vector.shape_cast %get3A_447 : vector<1x16xf32> to vector<16xf32>
        %mul3A_449 = arith.constant 8.000000e+00 : f32
        %mul3A_450 = vector.broadcast %mul3A_449 : f32 to vector<16xf32>
        %mul3A_451 = arith.mulf %get3A_448, %mul3A_450 : vector<16xf32>
        %swap3A_452 = arith.index_cast %scan3A_420 : i32 to index
        %swap3A_453 = arith.constant 32 : index
        %swap3A_454 = tpu.vector_load %arg8[%swap3A_452, %swap3A_453] {strides = array<i32>} : memref<256x64xf32, #tpu.memory_space<vmem>>, vector<1x16xf32>,
        %swap3A_455 = vector.shape_cast %swap3A_454 : vector<1x16xf32> to vector<16xf32>
        %swap3A_456 = vector.shape_cast %mul3A_451 : vector<16xf32> to vector<1x16xf32>
        tpu.vector_store %arg8[%swap3A_452, %swap3A_453], %swap3A_456 {strides = array<i32>} : memref<256x64xf32, #tpu.memory_space<vmem>>, vector<1x16xf32>,
        %get3A_457 = arith.index_cast %scan3A_420 : i32 to index
        %get3A_458 = arith.constant 48 : index
        %get3A_459 = tpu.vector_load %arg8[%get3A_457, %get3A_458] {strides = array<i32>} : memref<256x64xf32, #tpu.memory_space<vmem>>, vector<1x16xf32>,
        %get3A_460 = vector.shape_cast %get3A_459 : vector<1x16xf32> to vector<16xf32>
        %mul3A_461 = arith.constant 8.000000e+00 : f32
        %mul3A_462 = vector.broadcast %mul3A_461 : f32 to vector<16xf32>
        %mul3A_463 = arith.mulf %get3A_460, %mul3A_462 : vector<16xf32>
        %swap3A_464 = arith.index_cast %scan3A_420 : i32 to index
        %swap3A_465 = arith.constant 48 : index
        %swap3A_466 = tpu.vector_load %arg8[%swap3A_464, %swap3A_465] {strides = array<i32>} : memref<256x64xf32, #tpu.memory_space<vmem>>, vector<1x16xf32>,
        %swap3A_467 = vector.shape_cast %swap3A_466 : vector<1x16xf32> to vector<16xf32>
        %swap3A_468 = vector.shape_cast %mul3A_463 : vector<16xf32> to vector<1x16xf32>
        tpu.vector_store %arg8[%swap3A_464, %swap3A_465], %swap3A_468 {strides = array<i32>} : memref<256x64xf32, #tpu.memory_space<vmem>>, vector<1x16xf32>,
        %scan3A_469 = arith.constant 4 : i32
        %scan3A_470 = arith.addi %scan3A_272, %scan3A_469 : i32
        %get3A_471 = arith.index_cast %scan3A_470 : i32 to index
        %get3A_472 = arith.constant 0 : index
        %get3A_473 = tpu.vector_load %arg8[%get3A_471, %get3A_472] {strides = array<i32>} : memref<256x64xf32, #tpu.memory_space<vmem>>, vector<1x16xf32>,
        %get3A_474 = vector.shape_cast %get3A_473 : vector<1x16xf32> to vector<16xf32>
        %mul3A_475 = arith.constant 8.000000e+00 : f32
        %mul3A_476 = vector.broadcast %mul3A_475 : f32 to vector<16xf32>
        %mul3A_477 = arith.mulf %get3A_474, %mul3A_476 : vector<16xf32>
        %swap3A_478 = arith.index_cast %scan3A_470 : i32 to index
        %swap3A_479 = arith.constant 0 : index
        %swap3A_480 = tpu.vector_load %arg8[%swap3A_478, %swap3A_479] {strides = array<i32>} : memref<256x64xf32, #tpu.memory_space<vmem>>, vector<1x16xf32>,
        %swap3A_481 = vector.shape_cast %swap3A_480 : vector<1x16xf32> to vector<16xf32>
        %swap3A_482 = vector.shape_cast %mul3A_477 : vector<16xf32> to vector<1x16xf32>
        tpu.vector_store %arg8[%swap3A_478, %swap3A_479], %swap3A_482 {strides = array<i32>} : memref<256x64xf32, #tpu.memory_space<vmem>>, vector<1x16xf32>,
        %get3A_483 = arith.index_cast %scan3A_470 : i32 to index
        %get3A_484 = arith.constant 16 : index
        %get3A_485 = tpu.vector_load %arg8[%get3A_483, %get3A_484] {strides = array<i32>} : memref<256x64xf32, #tpu.memory_space<vmem>>, vector<1x16xf32>,
        %get3A_486 = vector.shape_cast %get3A_485 : vector<1x16xf32> to vector<16xf32>
        %mul3A_487 = arith.constant 8.000000e+00 : f32
        %mul3A_488 = vector.broadcast %mul3A_487 : f32 to vector<16xf32>
        %mul3A_489 = arith.mulf %get3A_486, %mul3A_488 : vector<16xf32>
        %swap3A_490 = arith.index_cast %scan3A_470 : i32 to index
        %swap3A_491 = arith.constant 16 : index
        %swap3A_492 = tpu.vector_load %arg8[%swap3A_490, %swap3A_491] {strides = array<i32>} : memref<256x64xf32, #tpu.memory_space<vmem>>, vector<1x16xf32>,
        %swap3A_493 = vector.shape_cast %swap3A_492 : vector<1x16xf32> to vector<16xf32>
        %swap3A_494 = vector.shape_cast %mul3A_489 : vector<16xf32> to vector<1x16xf32>
        tpu.vector_store %arg8[%swap3A_490, %swap3A_491], %swap3A_494 {strides = array<i32>} : memref<256x64xf32, #tpu.memory_space<vmem>>, vector<1x16xf32>,
        %get3A_495 = arith.index_cast %scan3A_470 : i32 to index
        %get3A_496 = arith.constant 32 : index
        %get3A_497 = tpu.vector_load %arg8[%get3A_495, %get3A_496] {strides = array<i32>} : memref<256x64xf32, #tpu.memory_space<vmem>>, vector<1x16xf32>,
        %get3A_498 = vector.shape_cast %get3A_497 : vector<1x16xf32> to vector<16xf32>
        %mul3A_499 = arith.constant 8.000000e+00 : f32
        %mul3A_500 = vector.broadcast %mul3A_499 : f32 to vector<16xf32>
        %mul3A_501 = arith.mulf %get3A_498, %mul3A_500 : vector<16xf32>
        %swap3A_502 = arith.index_cast %scan3A_470 : i32 to index
        %swap3A_503 = arith.constant 32 : index
        %swap3A_504 = tpu.vector_load %arg8[%swap3A_502, %swap3A_503] {strides = array<i32>} : memref<256x64xf32, #tpu.memory_space<vmem>>, vector<1x16xf32>,
        %swap3A_505 = vector.shape_cast %swap3A_504 : vector<1x16xf32> to vector<16xf32>
        %swap3A_506 = vector.shape_cast %mul3A_501 : vector<16xf32> to vector<1x16xf32>
        tpu.vector_store %arg8[%swap3A_502, %swap3A_503], %swap3A_506 {strides = array<i32>} : memref<256x64xf32, #tpu.memory_space<vmem>>, vector<1x16xf32>,
        %get3A_507 = arith.index_cast %scan3A_470 : i32 to index
        %get3A_508 = arith.constant 48 : index
        %get3A_509 = tpu.vector_load %arg8[%get3A_507, %get3A_508] {strides = array<i32>} : memref<256x64xf32, #tpu.memory_space<vmem>>, vector<1x16xf32>,
        %get3A_510 = vector.shape_cast %get3A_509 : vector<1x16xf32> to vector<16xf32>
        %mul3A_511 = arith.constant 8.000000e+00 : f32
        %mul3A_512 = vector.broadcast %mul3A_511 : f32 to vector<16xf32>
        %mul3A_513 = arith.mulf %get3A_510, %mul3A_512 : vector<16xf32>
        %swap3A_514 = arith.index_cast %scan3A_470 : i32 to index
        %swap3A_515 = arith.constant 48 : index
        %swap3A_516 = tpu.vector_load %arg8[%swap3A_514, %swap3A_515] {strides = array<i32>} : memref<256x64xf32, #tpu.memory_space<vmem>>, vector<1x16xf32>,
        %swap3A_517 = vector.shape_cast %swap3A_516 : vector<1x16xf32> to vector<16xf32>
        %swap3A_518 = vector.shape_cast %mul3A_513 : vector<16xf32> to vector<1x16xf32>
        tpu.vector_store %arg8[%swap3A_514, %swap3A_515], %swap3A_518 {strides = array<i32>} : memref<256x64xf32, #tpu.memory_space<vmem>>, vector<1x16xf32>,
        %scan3A_519 = arith.constant 5 : i32
        %scan3A_520 = arith.addi %scan3A_272, %scan3A_519 : i32
        %get3A_521 = arith.index_cast %scan3A_520 : i32 to index
        %get3A_522 = arith.constant 0 : index
        %get3A_523 = tpu.vector_load %arg8[%get3A_521, %get3A_522] {strides = array<i32>} : memref<256x64xf32, #tpu.memory_space<vmem>>, vector<1x16xf32>,
        %get3A_524 = vector.shape_cast %get3A_523 : vector<1x16xf32> to vector<16xf32>
        %mul3A_525 = arith.constant 8.000000e+00 : f32
        %mul3A_526 = vector.broadcast %mul3A_525 : f32 to vector<16xf32>
        %mul3A_527 = arith.mulf %get3A_524, %mul3A_526 : vector<16xf32>
        %swap3A_528 = arith.index_cast %scan3A_520 : i32 to index
        %swap3A_529 = arith.constant 0 : index
        %swap3A_530 = tpu.vector_load %arg8[%swap3A_528, %swap3A_529] {strides = array<i32>} : memref<256x64xf32, #tpu.memory_space<vmem>>, vector<1x16xf32>,
        %swap3A_531 = vector.shape_cast %swap3A_530 : vector<1x16xf32> to vector<16xf32>
        %swap3A_532 = vector.shape_cast %mul3A_527 : vector<16xf32> to vector<1x16xf32>
        tpu.vector_store %arg8[%swap3A_528, %swap3A_529], %swap3A_532 {strides = array<i32>} : memref<256x64xf32, #tpu.memory_space<vmem>>, vector<1x16xf32>,
        %get3A_533 = arith.index_cast %scan3A_520 : i32 to index
        %get3A_534 = arith.constant 16 : index
        %get3A_535 = tpu.vector_load %arg8[%get3A_533, %get3A_534] {strides = array<i32>} : memref<256x64xf32, #tpu.memory_space<vmem>>, vector<1x16xf32>,
        %get3A_536 = vector.shape_cast %get3A_535 : vector<1x16xf32> to vector<16xf32>
        %mul3A_537 = arith.constant 8.000000e+00 : f32
        %mul3A_538 = vector.broadcast %mul3A_537 : f32 to vector<16xf32>
        %mul3A_539 = arith.mulf %get3A_536, %mul3A_538 : vector<16xf32>
        %swap3A_540 = arith.index_cast %scan3A_520 : i32 to index
        %swap3A_541 = arith.constant 16 : index
        %swap3A_542 = tpu.vector_load %arg8[%swap3A_540, %swap3A_541] {strides = array<i32>} : memref<256x64xf32, #tpu.memory_space<vmem>>, vector<1x16xf32>,
        %swap3A_543 = vector.shape_cast %swap3A_542 : vector<1x16xf32> to vector<16xf32>
        %swap3A_544 = vector.shape_cast %mul3A_539 : vector<16xf32> to vector<1x16xf32>
        tpu.vector_store %arg8[%swap3A_540, %swap3A_541], %swap3A_544 {strides = array<i32>} : memref<256x64xf32, #tpu.memory_space<vmem>>, vector<1x16xf32>,
        %get3A_545 = arith.index_cast %scan3A_520 : i32 to index
        %get3A_546 = arith.constant 32 : index
        %get3A_547 = tpu.vector_load %arg8[%get3A_545, %get3A_546] {strides = array<i32>} : memref<256x64xf32, #tpu.memory_space<vmem>>, vector<1x16xf32>,
        %get3A_548 = vector.shape_cast %get3A_547 : vector<1x16xf32> to vector<16xf32>
        %mul3A_549 = arith.constant 8.000000e+00 : f32
        %mul3A_550 = vector.broadcast %mul3A_549 : f32 to vector<16xf32>
        %mul3A_551 = arith.mulf %get3A_548, %mul3A_550 : vector<16xf32>
        %swap3A_552 = arith.index_cast %scan3A_520 : i32 to index
        %swap3A_553 = arith.constant 32 : index
        %swap3A_554 = tpu.vector_load %arg8[%swap3A_552, %swap3A_553] {strides = array<i32>} : memref<256x64xf32, #tpu.memory_space<vmem>>, vector<1x16xf32>,
        %swap3A_555 = vector.shape_cast %swap3A_554 : vector<1x16xf32> to vector<16xf32>
        %swap3A_556 = vector.shape_cast %mul3A_551 : vector<16xf32> to vector<1x16xf32>
        tpu.vector_store %arg8[%swap3A_552, %swap3A_553], %swap3A_556 {strides = array<i32>} : memref<256x64xf32, #tpu.memory_space<vmem>>, vector<1x16xf32>,
        %get3A_557 = arith.index_cast %scan3A_520 : i32 to index
        %get3A_558 = arith.constant 48 : index
        %get3A_559 = tpu.vector_load %arg8[%get3A_557, %get3A_558] {strides = array<i32>} : memref<256x64xf32, #tpu.memory_space<vmem>>, vector<1x16xf32>,
        %get3A_560 = vector.shape_cast %get3A_559 : vector<1x16xf32> to vector<16xf32>
        %mul3A_561 = arith.constant 8.000000e+00 : f32
        %mul3A_562 = vector.broadcast %mul3A_561 : f32 to vector<16xf32>
        %mul3A_563 = arith.mulf %get3A_560, %mul3A_562 : vector<16xf32>
        %swap3A_564 = arith.index_cast %scan3A_520 : i32 to index
        %swap3A_565 = arith.constant 48 : index
        %swap3A_566 = tpu.vector_load %arg8[%swap3A_564, %swap3A_565] {strides = array<i32>} : memref<256x64xf32, #tpu.memory_space<vmem>>, vector<1x16xf32>,
        %swap3A_567 = vector.shape_cast %swap3A_566 : vector<1x16xf32> to vector<16xf32>
        %swap3A_568 = vector.shape_cast %mul3A_563 : vector<16xf32> to vector<1x16xf32>
        tpu.vector_store %arg8[%swap3A_564, %swap3A_565], %swap3A_568 {strides = array<i32>} : memref<256x64xf32, #tpu.memory_space<vmem>>, vector<1x16xf32>,
        %scan3A_569 = arith.constant 6 : i32
        %scan3A_570 = arith.addi %scan3A_272, %scan3A_569 : i32
        %get3A_571 = arith.index_cast %scan3A_570 : i32 to index
        %get3A_572 = arith.constant 0 : index
        %get3A_573 = tpu.vector_load %arg8[%get3A_571, %get3A_572] {strides = array<i32>} : memref<256x64xf32, #tpu.memory_space<vmem>>, vector<1x16xf32>,
        %get3A_574 = vector.shape_cast %get3A_573 : vector<1x16xf32> to vector<16xf32>
        %mul3A_575 = arith.constant 8.000000e+00 : f32
        %mul3A_576 = vector.broadcast %mul3A_575 : f32 to vector<16xf32>
        %mul3A_577 = arith.mulf %get3A_574, %mul3A_576 : vector<16xf32>
        %swap3A_578 = arith.index_cast %scan3A_570 : i32 to index
        %swap3A_579 = arith.constant 0 : index
        %swap3A_580 = tpu.vector_load %arg8[%swap3A_578, %swap3A_579] {strides = array<i32>} : memref<256x64xf32, #tpu.memory_space<vmem>>, vector<1x16xf32>,
        %swap3A_581 = vector.shape_cast %swap3A_580 : vector<1x16xf32> to vector<16xf32>
        %swap3A_582 = vector.shape_cast %mul3A_577 : vector<16xf32> to vector<1x16xf32>
        tpu.vector_store %arg8[%swap3A_578, %swap3A_579], %swap3A_582 {strides = array<i32>} : memref<256x64xf32, #tpu.memory_space<vmem>>, vector<1x16xf32>,
        %get3A_583 = arith.index_cast %scan3A_570 : i32 to index
        %get3A_584 = arith.constant 16 : index
        %get3A_585 = tpu.vector_load %arg8[%get3A_583, %get3A_584] {strides = array<i32>} : memref<256x64xf32, #tpu.memory_space<vmem>>, vector<1x16xf32>,
        %get3A_586 = vector.shape_cast %get3A_585 : vector<1x16xf32> to vector<16xf32>
        %mul3A_587 = arith.constant 8.000000e+00 : f32
        %mul3A_588 = vector.broadcast %mul3A_587 : f32 to vector<16xf32>
        %mul3A_589 = arith.mulf %get3A_586, %mul3A_588 : vector<16xf32>
        %swap3A_590 = arith.index_cast %scan3A_570 : i32 to index
        %swap3A_591 = arith.constant 16 : index
        %swap3A_592 = tpu.vector_load %arg8[%swap3A_590, %swap3A_591] {strides = array<i32>} : memref<256x64xf32, #tpu.memory_space<vmem>>, vector<1x16xf32>,
        %swap3A_593 = vector.shape_cast %swap3A_592 : vector<1x16xf32> to vector<16xf32>
        %swap3A_594 = vector.shape_cast %mul3A_589 : vector<16xf32> to vector<1x16xf32>
        tpu.vector_store %arg8[%swap3A_590, %swap3A_591], %swap3A_594 {strides = array<i32>} : memref<256x64xf32, #tpu.memory_space<vmem>>, vector<1x16xf32>,
        %get3A_595 = arith.index_cast %scan3A_570 : i32 to index
        %get3A_596 = arith.constant 32 : index
        %get3A_597 = tpu.vector_load %arg8[%get3A_595, %get3A_596] {strides = array<i32>} : memref<256x64xf32, #tpu.memory_space<vmem>>, vector<1x16xf32>,
        %get3A_598 = vector.shape_cast %get3A_597 : vector<1x16xf32> to vector<16xf32>
        %mul3A_599 = arith.constant 8.000000e+00 : f32
        %mul3A_600 = vector.broadcast %mul3A_599 : f32 to vector<16xf32>
        %mul3A_601 = arith.mulf %get3A_598, %mul3A_600 : vector<16xf32>
        %swap3A_602 = arith.index_cast %scan3A_570 : i32 to index
        %swap3A_603 = arith.constant 32 : index
        %swap3A_604 = tpu.vector_load %arg8[%swap3A_602, %swap3A_603] {strides = array<i32>} : memref<256x64xf32, #tpu.memory_space<vmem>>, vector<1x16xf32>,
        %swap3A_605 = vector.shape_cast %swap3A_604 : vector<1x16xf32> to vector<16xf32>
        %swap3A_606 = vector.shape_cast %mul3A_601 : vector<16xf32> to vector<1x16xf32>
        tpu.vector_store %arg8[%swap3A_602, %swap3A_603], %swap3A_606 {strides = array<i32>} : memref<256x64xf32, #tpu.memory_space<vmem>>, vector<1x16xf32>,
        %get3A_607 = arith.index_cast %scan3A_570 : i32 to index
        %get3A_608 = arith.constant 48 : index
        %get3A_609 = tpu.vector_load %arg8[%get3A_607, %get3A_608] {strides = array<i32>} : memref<256x64xf32, #tpu.memory_space<vmem>>, vector<1x16xf32>,
        %get3A_610 = vector.shape_cast %get3A_609 : vector<1x16xf32> to vector<16xf32>
        %mul3A_611 = arith.constant 8.000000e+00 : f32
        %mul3A_612 = vector.broadcast %mul3A_611 : f32 to vector<16xf32>
        %mul3A_613 = arith.mulf %get3A_610, %mul3A_612 : vector<16xf32>
        %swap3A_614 = arith.index_cast %scan3A_570 : i32 to index
        %swap3A_615 = arith.constant 48 : index
        %swap3A_616 = tpu.vector_load %arg8[%swap3A_614, %swap3A_615] {strides = array<i32>} : memref<256x64xf32, #tpu.memory_space<vmem>>, vector<1x16xf32>,
        %swap3A_617 = vector.shape_cast %swap3A_616 : vector<1x16xf32> to vector<16xf32>
        %swap3A_618 = vector.shape_cast %mul3A_613 : vector<16xf32> to vector<1x16xf32>
        tpu.vector_store %arg8[%swap3A_614, %swap3A_615], %swap3A_618 {strides = array<i32>} : memref<256x64xf32, #tpu.memory_space<vmem>>, vector<1x16xf32>,
        %scan3A_619 = arith.constant 7 : i32
        %scan3A_620 = arith.addi %scan3A_272, %scan3A_619 : i32
        %get3A_621 = arith.index_cast %scan3A_620 : i32 to index
        %get3A_622 = arith.constant 0 : index
        %get3A_623 = tpu.vector_load %arg8[%get3A_621, %get3A_622] {strides = array<i32>} : memref<256x64xf32, #tpu.memory_space<vmem>>, vector<1x16xf32>,
        %get3A_624 = vector.shape_cast %get3A_623 : vector<1x16xf32> to vector<16xf32>
        %mul3A_625 = arith.constant 8.000000e+00 : f32
        %mul3A_626 = vector.broadcast %mul3A_625 : f32 to vector<16xf32>
        %mul3A_627 = arith.mulf %get3A_624, %mul3A_626 : vector<16xf32>
        %swap3A_628 = arith.index_cast %scan3A_620 : i32 to index
        %swap3A_629 = arith.constant 0 : index
        %swap3A_630 = tpu.vector_load %arg8[%swap3A_628, %swap3A_629] {strides = array<i32>} : memref<256x64xf32, #tpu.memory_space<vmem>>, vector<1x16xf32>,
        %swap3A_631 = vector.shape_cast %swap3A_630 : vector<1x16xf32> to vector<16xf32>
        %swap3A_632 = vector.shape_cast %mul3A_627 : vector<16xf32> to vector<1x16xf32>
        tpu.vector_store %arg8[%swap3A_628, %swap3A_629], %swap3A_632 {strides = array<i32>} : memref<256x64xf32, #tpu.memory_space<vmem>>, vector<1x16xf32>,
        %get3A_633 = arith.index_cast %scan3A_620 : i32 to index
        %get3A_634 = arith.constant 16 : index
        %get3A_635 = tpu.vector_load %arg8[%get3A_633, %get3A_634] {strides = array<i32>} : memref<256x64xf32, #tpu.memory_space<vmem>>, vector<1x16xf32>,
        %get3A_636 = vector.shape_cast %get3A_635 : vector<1x16xf32> to vector<16xf32>
        %mul3A_637 = arith.constant 8.000000e+00 : f32
        %mul3A_638 = vector.broadcast %mul3A_637 : f32 to vector<16xf32>
        %mul3A_639 = arith.mulf %get3A_636, %mul3A_638 : vector<16xf32>
        %swap3A_640 = arith.index_cast %scan3A_620 : i32 to index
        %swap3A_641 = arith.constant 16 : index
        %swap3A_642 = tpu.vector_load %arg8[%swap3A_640, %swap3A_641] {strides = array<i32>} : memref<256x64xf32, #tpu.memory_space<vmem>>, vector<1x16xf32>,
        %swap3A_643 = vector.shape_cast %swap3A_642 : vector<1x16xf32> to vector<16xf32>
        %swap3A_644 = vector.shape_cast %mul3A_639 : vector<16xf32> to vector<1x16xf32>
        tpu.vector_store %arg8[%swap3A_640, %swap3A_641], %swap3A_644 {strides = array<i32>} : memref<256x64xf32, #tpu.memory_space<vmem>>, vector<1x16xf32>,
        %get3A_645 = arith.index_cast %scan3A_620 : i32 to index
        %get3A_646 = arith.constant 32 : index
        %get3A_647 = tpu.vector_load %arg8[%get3A_645, %get3A_646] {strides = array<i32>} : memref<256x64xf32, #tpu.memory_space<vmem>>, vector<1x16xf32>,
        %get3A_648 = vector.shape_cast %get3A_647 : vector<1x16xf32> to vector<16xf32>
        %mul3A_649 = arith.constant 8.000000e+00 : f32
        %mul3A_650 = vector.broadcast %mul3A_649 : f32 to vector<16xf32>
        %mul3A_651 = arith.mulf %get3A_648, %mul3A_650 : vector<16xf32>
        %swap3A_652 = arith.index_cast %scan3A_620 : i32 to index
        %swap3A_653 = arith.constant 32 : index
        %swap3A_654 = tpu.vector_load %arg8[%swap3A_652, %swap3A_653] {strides = array<i32>} : memref<256x64xf32, #tpu.memory_space<vmem>>, vector<1x16xf32>,
        %swap3A_655 = vector.shape_cast %swap3A_654 : vector<1x16xf32> to vector<16xf32>
        %swap3A_656 = vector.shape_cast %mul3A_651 : vector<16xf32> to vector<1x16xf32>
        tpu.vector_store %arg8[%swap3A_652, %swap3A_653], %swap3A_656 {strides = array<i32>} : memref<256x64xf32, #tpu.memory_space<vmem>>, vector<1x16xf32>,
        %get3A_657 = arith.index_cast %scan3A_620 : i32 to index
        %get3A_658 = arith.constant 48 : index
        %get3A_659 = tpu.vector_load %arg8[%get3A_657, %get3A_658] {strides = array<i32>} : memref<256x64xf32, #tpu.memory_space<vmem>>, vector<1x16xf32>,
        %get3A_660 = vector.shape_cast %get3A_659 : vector<1x16xf32> to vector<16xf32>
        %mul3A_661 = arith.constant 8.000000e+00 : f32
        %mul3A_662 = vector.broadcast %mul3A_661 : f32 to vector<16xf32>
        %mul3A_663 = arith.mulf %get3A_660, %mul3A_662 : vector<16xf32>
        %swap3A_664 = arith.index_cast %scan3A_620 : i32 to index
        %swap3A_665 = arith.constant 48 : index
        %swap3A_666 = tpu.vector_load %arg8[%swap3A_664, %swap3A_665] {strides = array<i32>} : memref<256x64xf32, #tpu.memory_space<vmem>>, vector<1x16xf32>,
        %swap3A_667 = vector.shape_cast %swap3A_666 : vector<1x16xf32> to vector<16xf32>
        %swap3A_668 = vector.shape_cast %mul3A_663 : vector<16xf32> to vector<1x16xf32>
        tpu.vector_store %arg8[%swap3A_664, %swap3A_665], %swap3A_668 {strides = array<i32>} : memref<256x64xf32, #tpu.memory_space<vmem>>, vector<1x16xf32>,
      }
      %scan3A_214 = arith.constant 256 : i32
      %mul3A_215 = arith.constant 256 : i32
      %mul3A_216 = arith.muli %add3A_175, %mul3A_215 : i32
      %add3A_217 = arith.addi %mul3A_4, %mul3A_216 : i32
      %dma_start3A_218 = arith.constant 0 : i32
      %dma_start3A_219 = tpu.memref_slice %arg4[%add3A_217, %dma_start3A_218] : memref<819200x64xf32, #tpu.memory_space<hbm>> -> memref<256x64xf32, #tpu.memory_space<hbm>>
      %dma_start3A_220 = arith.constant 0 : i32
      %dma_start3A_221 = tpu.memref_slice %arg4[%add3A_217, %dma_start3A_220] : memref<819200x64xf32, #tpu.memory_space<hbm>> -> memref<256x64xf32, #tpu.memory_space<hbm>>
      tpu.enqueue_dma source(%arg8 : memref<256x64xf32, #tpu.memory_space<vmem>>) target(%dma_start3A_221 : memref<256x64xf32, #tpu.memory_space<hbm>>) target_semaphore(%arg16 : memref<!tpu.dma_semaphore, #tpu.memory_space<semaphore_mem>>)
      %mul3A_222 = arith.constant 4 : i32
      %mul3A_223 = arith.muli %scan3A_74, %mul3A_222 : i32
      %add3A_224 = arith.constant 3 : i32
      %add3A_225 = arith.addi %mul3A_223, %add3A_224 : i32
      %add3A_226 = arith.constant 2 : i32
      %add3A_227 = arith.addi %add3A_225, %add3A_226 : i32
      %lt3A_228 = arith.constant 100 : i32
      %lt3A_229 = arith.cmpi slt, %add3A_227, %lt3A_228 : i32
      %convert_element_type3A_230 = arith.extui %lt3A_229 : i1 to i32
      %cond3A_231 = arith.constant 0 : i32
      %cond3A_232 = arith.cmpi ne, %convert_element_type3A_230, %cond3A_231 : i32
      scf.if %cond3A_232 {
        %ge3A = arith.constant 4 : i32
        %ge3A_272 = arith.cmpi sge, %add3A_227, %ge3A : i32
        %convert_element_type3A_273 = arith.extui %ge3A_272 : i1 to i32
        %cond3A_274 = arith.constant 0 : i32
        %cond3A_275 = arith.cmpi ne, %convert_element_type3A_273, %cond3A_274 : i32
        scf.if %cond3A_275 {
          %dma_wait3A_302 = arith.constant 0 : i32
          %dma_wait3A_303 = arith.constant 0 : i32
          %dma_wait3A_304 = tpu.memref_slice %arg4[%dma_wait3A_302, %dma_wait3A_303] : memref<819200x64xf32, #tpu.memory_space<hbm>> -> memref<256x64xf32, #tpu.memory_space<hbm>>
          %dma_wait3A_305 = arith.constant 0 : i32
          %dma_wait3A_306 = arith.constant 0 : i32
          %dma_wait3A_307 = tpu.memref_slice %arg4[%dma_wait3A_305, %dma_wait3A_306] : memref<819200x64xf32, #tpu.memory_space<hbm>> -> memref<256x64xf32, #tpu.memory_space<hbm>>
          tpu.wait_dma2 semaphore(%arg15 : memref<!tpu.dma_semaphore, #tpu.memory_space<semaphore_mem>>) src(%arg7 : memref<256x64xf32, #tpu.memory_space<vmem>>) dst(%dma_wait3A_307 : memref<256x64xf32, #tpu.memory_space<hbm>>)
        } else {
        }
        %mul3A_276 = arith.constant 2 : i32
        %mul3A_277 = arith.muli %add3A_227, %mul3A_276 : i32
        %add3A_278 = arith.constant 0 : i32
        %add3A_279 = arith.addi %mul3A_277, %add3A_278 : i32
        %dma_start3A_280 = arith.constant 0 : i32
        %dma_start3A_281 = arith.constant 0 : i32
        %dma_start3A_282 = tpu.memref_slice %arg7[%dma_start3A_280, %dma_start3A_281] : memref<256x64xf32, #tpu.memory_space<vmem>> -> memref<128x64xf32, #tpu.memory_space<vmem>>
        %dma_start3A_283 = arith.constant 0 : i32
        %dma_start3A_284 = tpu.memref_slice %arg5[%add3A_279, %dma_start3A_283] : memref<200x128xi32, #tpu.memory_space<vmem>> -> memref<1x128xi32, #tpu.memory_space<vmem>>
        %dma_start3A_285 = tpu.memref_squeeze %dma_start3A_284 : memref<1x128xi32, #tpu.memory_space<vmem>> -> memref<128xi32, #tpu.memory_space<vmem>>
        %dma_start3A_286 = arith.constant 0 : i32
        %dma_start3A_287 = arith.constant 0 : i32
        %dma_start3A_288 = tpu.memref_slice %arg2[%dma_start3A_286, %dma_start3A_287] : memref<1000000x64xf32, #tpu.memory_space<hbm>> -> memref<1000000x64xf32, #tpu.memory_space<hbm>>
        tpu.enqueue_indirect_dma source(%dma_start3A_288 : memref<1000000x64xf32, #tpu.memory_space<hbm>>) target(%dma_start3A_282 : memref<128x64xf32, #tpu.memory_space<vmem>>) offsets(%dma_start3A_285 : memref<128xi32, #tpu.memory_space<vmem>>) semaphore(%arg11 : memref<!tpu.dma_semaphore, #tpu.memory_space<semaphore_mem>>)
        %mul3A_289 = arith.constant 2 : i32
        %mul3A_290 = arith.muli %add3A_227, %mul3A_289 : i32
        %add3A_291 = arith.constant 1 : i32
        %add3A_292 = arith.addi %mul3A_290, %add3A_291 : i32
        %dma_start3A_293 = arith.constant 128 : i32
        %dma_start3A_294 = arith.constant 0 : i32
        %dma_start3A_295 = tpu.memref_slice %arg7[%dma_start3A_293, %dma_start3A_294] : memref<256x64xf32, #tpu.memory_space<vmem>> -> memref<128x64xf32, #tpu.memory_space<vmem>>
        %dma_start3A_296 = arith.constant 0 : i32
        %dma_start3A_297 = tpu.memref_slice %arg5[%add3A_292, %dma_start3A_296] : memref<200x128xi32, #tpu.memory_space<vmem>> -> memref<1x128xi32, #tpu.memory_space<vmem>>
        %dma_start3A_298 = tpu.memref_squeeze %dma_start3A_297 : memref<1x128xi32, #tpu.memory_space<vmem>> -> memref<128xi32, #tpu.memory_space<vmem>>
        %dma_start3A_299 = arith.constant 0 : i32
        %dma_start3A_300 = arith.constant 0 : i32
        %dma_start3A_301 = tpu.memref_slice %arg2[%dma_start3A_299, %dma_start3A_300] : memref<1000000x64xf32, #tpu.memory_space<hbm>> -> memref<1000000x64xf32, #tpu.memory_space<hbm>>
        tpu.enqueue_indirect_dma source(%dma_start3A_301 : memref<1000000x64xf32, #tpu.memory_space<hbm>>) target(%dma_start3A_295 : memref<128x64xf32, #tpu.memory_space<vmem>>) offsets(%dma_start3A_298 : memref<128xi32, #tpu.memory_space<vmem>>) semaphore(%arg11 : memref<!tpu.dma_semaphore, #tpu.memory_space<semaphore_mem>>)
      } else {
      }
      %mul3A_233 = arith.constant 2 : i32
      %mul3A_234 = arith.muli %add3A_225, %mul3A_233 : i32
      %add3A_235 = arith.constant 0 : i32
      %add3A_236 = arith.addi %mul3A_234, %add3A_235 : i32
      %dma_wait3A_237 = arith.constant 0 : i32
      %dma_wait3A_238 = arith.constant 0 : i32
      %dma_wait3A_239 = tpu.memref_slice %arg9[%dma_wait3A_237, %dma_wait3A_238] : memref<256x64xf32, #tpu.memory_space<vmem>> -> memref<128x64xf32, #tpu.memory_space<vmem>>
      %dma_wait3A_240 = arith.constant 0 : i32
      %dma_wait3A_241 = tpu.memref_slice %arg5[%add3A_236, %dma_wait3A_240] : memref<200x128xi32, #tpu.memory_space<vmem>> -> memref<1x128xi32, #tpu.memory_space<vmem>>
      %dma_wait3A_242 = tpu.memref_squeeze %dma_wait3A_241 : memref<1x128xi32, #tpu.memory_space<vmem>> -> memref<128xi32, #tpu.memory_space<vmem>>
      %dma_wait3A_243 = arith.constant 0 : i32
      %dma_wait3A_244 = arith.constant 0 : i32
      %dma_wait3A_245 = tpu.memref_slice %arg2[%dma_wait3A_243, %dma_wait3A_244] : memref<1000000x64xf32, #tpu.memory_space<hbm>> -> memref<1000000x64xf32, #tpu.memory_space<hbm>>
      tpu.wait_indirect_dma semaphore(%arg13 : memref<!tpu.dma_semaphore, #tpu.memory_space<semaphore_mem>>) src(%dma_wait3A_245 : memref<1000000x64xf32, #tpu.memory_space<hbm>>) dst(%dma_wait3A_239 : memref<128x64xf32, #tpu.memory_space<vmem>>)
      %mul3A_246 = arith.constant 2 : i32
      %mul3A_247 = arith.muli %add3A_225, %mul3A_246 : i32
      %add3A_248 = arith.constant 1 : i32
      %add3A_249 = arith.addi %mul3A_247, %add3A_248 : i32
      %dma_wait3A_250 = arith.constant 128 : i32
      %dma_wait3A_251 = arith.constant 0 : i32
      %dma_wait3A_252 = tpu.memref_slice %arg9[%dma_wait3A_250, %dma_wait3A_251] : memref<256x64xf32, #tpu.memory_space<vmem>> -> memref<128x64xf32, #tpu.memory_space<vmem>>
      %dma_wait3A_253 = arith.constant 0 : i32
      %dma_wait3A_254 = tpu.memref_slice %arg5[%add3A_249, %dma_wait3A_253] : memref<200x128xi32, #tpu.memory_space<vmem>> -> memref<1x128xi32, #tpu.memory_space<vmem>>
      %dma_wait3A_255 = tpu.memref_squeeze %dma_wait3A_254 : memref<1x128xi32, #tpu.memory_space<vmem>> -> memref<128xi32, #tpu.memory_space<vmem>>
      %dma_wait3A_256 = arith.constant 0 : i32
      %dma_wait3A_257 = arith.constant 0 : i32
      %dma_wait3A_258 = tpu.memref_slice %arg2[%dma_wait3A_256, %dma_wait3A_257] : memref<1000000x64xf32, #tpu.memory_space<hbm>> -> memref<1000000x64xf32, #tpu.memory_space<hbm>>
      tpu.wait_indirect_dma semaphore(%arg13 : memref<!tpu.dma_semaphore, #tpu.memory_space<semaphore_mem>>) src(%dma_wait3A_258 : memref<1000000x64xf32, #tpu.memory_space<hbm>>) dst(%dma_wait3A_252 : memref<128x64xf32, #tpu.memory_space<vmem>>)
      %scan3A_259 = arith.constant 0 : i32
      %scan3A_260 = arith.constant 0 : i32
      %scan3A_261 = arith.constant 256 : i32
      %scan3A_262 = arith.addi %scan3A_260, %scan3A_261 : i32
      %scan3A_263 = arith.constant 8 : i32
      scf.for %scan3A_272 = %scan3A_260 to %scan3A_262 step %scan3A_263  : i32 {
        %get3A = arith.index_cast %scan3A_272 : i32 to index
        %get3A_273 = arith.constant 0 : index
        %get3A_274 = tpu.vector_load %arg9[%get3A, %get3A_273] {strides = array<i32>} : memref<256x64xf32, #tpu.memory_space<vmem>>, vector<1x16xf32>,
        %get3A_275 = vector.shape_cast %get3A_274 : vector<1x16xf32> to vector<16xf32>
        %mul3A_276 = arith.constant 8.000000e+00 : f32
        %mul3A_277 = vector.broadcast %mul3A_276 : f32 to vector<16xf32>
        %mul3A_278 = arith.mulf %get3A_275, %mul3A_277 : vector<16xf32>
        %swap3A = arith.index_cast %scan3A_272 : i32 to index
        %swap3A_279 = arith.constant 0 : index
        %swap3A_280 = tpu.vector_load %arg9[%swap3A, %swap3A_279] {strides = array<i32>} : memref<256x64xf32, #tpu.memory_space<vmem>>, vector<1x16xf32>,
        %swap3A_281 = vector.shape_cast %swap3A_280 : vector<1x16xf32> to vector<16xf32>
        %swap3A_282 = vector.shape_cast %mul3A_278 : vector<16xf32> to vector<1x16xf32>
        tpu.vector_store %arg9[%swap3A, %swap3A_279], %swap3A_282 {strides = array<i32>} : memref<256x64xf32, #tpu.memory_space<vmem>>, vector<1x16xf32>,
        %get3A_283 = arith.index_cast %scan3A_272 : i32 to index
        %get3A_284 = arith.constant 16 : index
        %get3A_285 = tpu.vector_load %arg9[%get3A_283, %get3A_284] {strides = array<i32>} : memref<256x64xf32, #tpu.memory_space<vmem>>, vector<1x16xf32>,
        %get3A_286 = vector.shape_cast %get3A_285 : vector<1x16xf32> to vector<16xf32>
        %mul3A_287 = arith.constant 8.000000e+00 : f32
        %mul3A_288 = vector.broadcast %mul3A_287 : f32 to vector<16xf32>
        %mul3A_289 = arith.mulf %get3A_286, %mul3A_288 : vector<16xf32>
        %swap3A_290 = arith.index_cast %scan3A_272 : i32 to index
        %swap3A_291 = arith.constant 16 : index
        %swap3A_292 = tpu.vector_load %arg9[%swap3A_290, %swap3A_291] {strides = array<i32>} : memref<256x64xf32, #tpu.memory_space<vmem>>, vector<1x16xf32>,
        %swap3A_293 = vector.shape_cast %swap3A_292 : vector<1x16xf32> to vector<16xf32>
        %swap3A_294 = vector.shape_cast %mul3A_289 : vector<16xf32> to vector<1x16xf32>
        tpu.vector_store %arg9[%swap3A_290, %swap3A_291], %swap3A_294 {strides = array<i32>} : memref<256x64xf32, #tpu.memory_space<vmem>>, vector<1x16xf32>,
        %get3A_295 = arith.index_cast %scan3A_272 : i32 to index
        %get3A_296 = arith.constant 32 : index
        %get3A_297 = tpu.vector_load %arg9[%get3A_295, %get3A_296] {strides = array<i32>} : memref<256x64xf32, #tpu.memory_space<vmem>>, vector<1x16xf32>,
        %get3A_298 = vector.shape_cast %get3A_297 : vector<1x16xf32> to vector<16xf32>
        %mul3A_299 = arith.constant 8.000000e+00 : f32
        %mul3A_300 = vector.broadcast %mul3A_299 : f32 to vector<16xf32>
        %mul3A_301 = arith.mulf %get3A_298, %mul3A_300 : vector<16xf32>
        %swap3A_302 = arith.index_cast %scan3A_272 : i32 to index
        %swap3A_303 = arith.constant 32 : index
        %swap3A_304 = tpu.vector_load %arg9[%swap3A_302, %swap3A_303] {strides = array<i32>} : memref<256x64xf32, #tpu.memory_space<vmem>>, vector<1x16xf32>,
        %swap3A_305 = vector.shape_cast %swap3A_304 : vector<1x16xf32> to vector<16xf32>
        %swap3A_306 = vector.shape_cast %mul3A_301 : vector<16xf32> to vector<1x16xf32>
        tpu.vector_store %arg9[%swap3A_302, %swap3A_303], %swap3A_306 {strides = array<i32>} : memref<256x64xf32, #tpu.memory_space<vmem>>, vector<1x16xf32>,
        %get3A_307 = arith.index_cast %scan3A_272 : i32 to index
        %get3A_308 = arith.constant 48 : index
        %get3A_309 = tpu.vector_load %arg9[%get3A_307, %get3A_308] {strides = array<i32>} : memref<256x64xf32, #tpu.memory_space<vmem>>, vector<1x16xf32>,
        %get3A_310 = vector.shape_cast %get3A_309 : vector<1x16xf32> to vector<16xf32>
        %mul3A_311 = arith.constant 8.000000e+00 : f32
        %mul3A_312 = vector.broadcast %mul3A_311 : f32 to vector<16xf32>
        %mul3A_313 = arith.mulf %get3A_310, %mul3A_312 : vector<16xf32>
        %swap3A_314 = arith.index_cast %scan3A_272 : i32 to index
        %swap3A_315 = arith.constant 48 : index
        %swap3A_316 = tpu.vector_load %arg9[%swap3A_314, %swap3A_315] {strides = array<i32>} : memref<256x64xf32, #tpu.memory_space<vmem>>, vector<1x16xf32>,
        %swap3A_317 = vector.shape_cast %swap3A_316 : vector<1x16xf32> to vector<16xf32>
        %swap3A_318 = vector.shape_cast %mul3A_313 : vector<16xf32> to vector<1x16xf32>
        tpu.vector_store %arg9[%swap3A_314, %swap3A_315], %swap3A_318 {strides = array<i32>} : memref<256x64xf32, #tpu.memory_space<vmem>>, vector<1x16xf32>,
        %scan3A_319 = arith.constant 1 : i32
        %scan3A_320 = arith.addi %scan3A_272, %scan3A_319 : i32
        %get3A_321 = arith.index_cast %scan3A_320 : i32 to index
        %get3A_322 = arith.constant 0 : index
        %get3A_323 = tpu.vector_load %arg9[%get3A_321, %get3A_322] {strides = array<i32>} : memref<256x64xf32, #tpu.memory_space<vmem>>, vector<1x16xf32>,
        %get3A_324 = vector.shape_cast %get3A_323 : vector<1x16xf32> to vector<16xf32>
        %mul3A_325 = arith.constant 8.000000e+00 : f32
        %mul3A_326 = vector.broadcast %mul3A_325 : f32 to vector<16xf32>
        %mul3A_327 = arith.mulf %get3A_324, %mul3A_326 : vector<16xf32>
        %swap3A_328 = arith.index_cast %scan3A_320 : i32 to index
        %swap3A_329 = arith.constant 0 : index
        %swap3A_330 = tpu.vector_load %arg9[%swap3A_328, %swap3A_329] {strides = array<i32>} : memref<256x64xf32, #tpu.memory_space<vmem>>, vector<1x16xf32>,
        %swap3A_331 = vector.shape_cast %swap3A_330 : vector<1x16xf32> to vector<16xf32>
        %swap3A_332 = vector.shape_cast %mul3A_327 : vector<16xf32> to vector<1x16xf32>
        tpu.vector_store %arg9[%swap3A_328, %swap3A_329], %swap3A_332 {strides = array<i32>} : memref<256x64xf32, #tpu.memory_space<vmem>>, vector<1x16xf32>,
        %get3A_333 = arith.index_cast %scan3A_320 : i32 to index
        %get3A_334 = arith.constant 16 : index
        %get3A_335 = tpu.vector_load %arg9[%get3A_333, %get3A_334] {strides = array<i32>} : memref<256x64xf32, #tpu.memory_space<vmem>>, vector<1x16xf32>,
        %get3A_336 = vector.shape_cast %get3A_335 : vector<1x16xf32> to vector<16xf32>
        %mul3A_337 = arith.constant 8.000000e+00 : f32
        %mul3A_338 = vector.broadcast %mul3A_337 : f32 to vector<16xf32>
        %mul3A_339 = arith.mulf %get3A_336, %mul3A_338 : vector<16xf32>
        %swap3A_340 = arith.index_cast %scan3A_320 : i32 to index
        %swap3A_341 = arith.constant 16 : index
        %swap3A_342 = tpu.vector_load %arg9[%swap3A_340, %swap3A_341] {strides = array<i32>} : memref<256x64xf32, #tpu.memory_space<vmem>>, vector<1x16xf32>,
        %swap3A_343 = vector.shape_cast %swap3A_342 : vector<1x16xf32> to vector<16xf32>
        %swap3A_344 = vector.shape_cast %mul3A_339 : vector<16xf32> to vector<1x16xf32>
        tpu.vector_store %arg9[%swap3A_340, %swap3A_341], %swap3A_344 {strides = array<i32>} : memref<256x64xf32, #tpu.memory_space<vmem>>, vector<1x16xf32>,
        %get3A_345 = arith.index_cast %scan3A_320 : i32 to index
        %get3A_346 = arith.constant 32 : index
        %get3A_347 = tpu.vector_load %arg9[%get3A_345, %get3A_346] {strides = array<i32>} : memref<256x64xf32, #tpu.memory_space<vmem>>, vector<1x16xf32>,
        %get3A_348 = vector.shape_cast %get3A_347 : vector<1x16xf32> to vector<16xf32>
        %mul3A_349 = arith.constant 8.000000e+00 : f32
        %mul3A_350 = vector.broadcast %mul3A_349 : f32 to vector<16xf32>
        %mul3A_351 = arith.mulf %get3A_348, %mul3A_350 : vector<16xf32>
        %swap3A_352 = arith.index_cast %scan3A_320 : i32 to index
        %swap3A_353 = arith.constant 32 : index
        %swap3A_354 = tpu.vector_load %arg9[%swap3A_352, %swap3A_353] {strides = array<i32>} : memref<256x64xf32, #tpu.memory_space<vmem>>, vector<1x16xf32>,
        %swap3A_355 = vector.shape_cast %swap3A_354 : vector<1x16xf32> to vector<16xf32>
        %swap3A_356 = vector.shape_cast %mul3A_351 : vector<16xf32> to vector<1x16xf32>
        tpu.vector_store %arg9[%swap3A_352, %swap3A_353], %swap3A_356 {strides = array<i32>} : memref<256x64xf32, #tpu.memory_space<vmem>>, vector<1x16xf32>,
        %get3A_357 = arith.index_cast %scan3A_320 : i32 to index
        %get3A_358 = arith.constant 48 : index
        %get3A_359 = tpu.vector_load %arg9[%get3A_357, %get3A_358] {strides = array<i32>} : memref<256x64xf32, #tpu.memory_space<vmem>>, vector<1x16xf32>,
        %get3A_360 = vector.shape_cast %get3A_359 : vector<1x16xf32> to vector<16xf32>
        %mul3A_361 = arith.constant 8.000000e+00 : f32
        %mul3A_362 = vector.broadcast %mul3A_361 : f32 to vector<16xf32>
        %mul3A_363 = arith.mulf %get3A_360, %mul3A_362 : vector<16xf32>
        %swap3A_364 = arith.index_cast %scan3A_320 : i32 to index
        %swap3A_365 = arith.constant 48 : index
        %swap3A_366 = tpu.vector_load %arg9[%swap3A_364, %swap3A_365] {strides = array<i32>} : memref<256x64xf32, #tpu.memory_space<vmem>>, vector<1x16xf32>,
        %swap3A_367 = vector.shape_cast %swap3A_366 : vector<1x16xf32> to vector<16xf32>
        %swap3A_368 = vector.shape_cast %mul3A_363 : vector<16xf32> to vector<1x16xf32>
        tpu.vector_store %arg9[%swap3A_364, %swap3A_365], %swap3A_368 {strides = array<i32>} : memref<256x64xf32, #tpu.memory_space<vmem>>, vector<1x16xf32>,
        %scan3A_369 = arith.constant 2 : i32
        %scan3A_370 = arith.addi %scan3A_272, %scan3A_369 : i32
        %get3A_371 = arith.index_cast %scan3A_370 : i32 to index
        %get3A_372 = arith.constant 0 : index
        %get3A_373 = tpu.vector_load %arg9[%get3A_371, %get3A_372] {strides = array<i32>} : memref<256x64xf32, #tpu.memory_space<vmem>>, vector<1x16xf32>,
        %get3A_374 = vector.shape_cast %get3A_373 : vector<1x16xf32> to vector<16xf32>
        %mul3A_375 = arith.constant 8.000000e+00 : f32
        %mul3A_376 = vector.broadcast %mul3A_375 : f32 to vector<16xf32>
        %mul3A_377 = arith.mulf %get3A_374, %mul3A_376 : vector<16xf32>
        %swap3A_378 = arith.index_cast %scan3A_370 : i32 to index
        %swap3A_379 = arith.constant 0 : index
        %swap3A_380 = tpu.vector_load %arg9[%swap3A_378, %swap3A_379] {strides = array<i32>} : memref<256x64xf32, #tpu.memory_space<vmem>>, vector<1x16xf32>,
        %swap3A_381 = vector.shape_cast %swap3A_380 : vector<1x16xf32> to vector<16xf32>
        %swap3A_382 = vector.shape_cast %mul3A_377 : vector<16xf32> to vector<1x16xf32>
        tpu.vector_store %arg9[%swap3A_378, %swap3A_379], %swap3A_382 {strides = array<i32>} : memref<256x64xf32, #tpu.memory_space<vmem>>, vector<1x16xf32>,
        %get3A_383 = arith.index_cast %scan3A_370 : i32 to index
        %get3A_384 = arith.constant 16 : index
        %get3A_385 = tpu.vector_load %arg9[%get3A_383, %get3A_384] {strides = array<i32>} : memref<256x64xf32, #tpu.memory_space<vmem>>, vector<1x16xf32>,
        %get3A_386 = vector.shape_cast %get3A_385 : vector<1x16xf32> to vector<16xf32>
        %mul3A_387 = arith.constant 8.000000e+00 : f32
        %mul3A_388 = vector.broadcast %mul3A_387 : f32 to vector<16xf32>
        %mul3A_389 = arith.mulf %get3A_386, %mul3A_388 : vector<16xf32>
        %swap3A_390 = arith.index_cast %scan3A_370 : i32 to index
        %swap3A_391 = arith.constant 16 : index
        %swap3A_392 = tpu.vector_load %arg9[%swap3A_390, %swap3A_391] {strides = array<i32>} : memref<256x64xf32, #tpu.memory_space<vmem>>, vector<1x16xf32>,
        %swap3A_393 = vector.shape_cast %swap3A_392 : vector<1x16xf32> to vector<16xf32>
        %swap3A_394 = vector.shape_cast %mul3A_389 : vector<16xf32> to vector<1x16xf32>
        tpu.vector_store %arg9[%swap3A_390, %swap3A_391], %swap3A_394 {strides = array<i32>} : memref<256x64xf32, #tpu.memory_space<vmem>>, vector<1x16xf32>,
        %get3A_395 = arith.index_cast %scan3A_370 : i32 to index
        %get3A_396 = arith.constant 32 : index
        %get3A_397 = tpu.vector_load %arg9[%get3A_395, %get3A_396] {strides = array<i32>} : memref<256x64xf32, #tpu.memory_space<vmem>>, vector<1x16xf32>,
        %get3A_398 = vector.shape_cast %get3A_397 : vector<1x16xf32> to vector<16xf32>
        %mul3A_399 = arith.constant 8.000000e+00 : f32
        %mul3A_400 = vector.broadcast %mul3A_399 : f32 to vector<16xf32>
        %mul3A_401 = arith.mulf %get3A_398, %mul3A_400 : vector<16xf32>
        %swap3A_402 = arith.index_cast %scan3A_370 : i32 to index
        %swap3A_403 = arith.constant 32 : index
        %swap3A_404 = tpu.vector_load %arg9[%swap3A_402, %swap3A_403] {strides = array<i32>} : memref<256x64xf32, #tpu.memory_space<vmem>>, vector<1x16xf32>,
        %swap3A_405 = vector.shape_cast %swap3A_404 : vector<1x16xf32> to vector<16xf32>
        %swap3A_406 = vector.shape_cast %mul3A_401 : vector<16xf32> to vector<1x16xf32>
        tpu.vector_store %arg9[%swap3A_402, %swap3A_403], %swap3A_406 {strides = array<i32>} : memref<256x64xf32, #tpu.memory_space<vmem>>, vector<1x16xf32>,
        %get3A_407 = arith.index_cast %scan3A_370 : i32 to index
        %get3A_408 = arith.constant 48 : index
        %get3A_409 = tpu.vector_load %arg9[%get3A_407, %get3A_408] {strides = array<i32>} : memref<256x64xf32, #tpu.memory_space<vmem>>, vector<1x16xf32>,
        %get3A_410 = vector.shape_cast %get3A_409 : vector<1x16xf32> to vector<16xf32>
        %mul3A_411 = arith.constant 8.000000e+00 : f32
        %mul3A_412 = vector.broadcast %mul3A_411 : f32 to vector<16xf32>
        %mul3A_413 = arith.mulf %get3A_410, %mul3A_412 : vector<16xf32>
        %swap3A_414 = arith.index_cast %scan3A_370 : i32 to index
        %swap3A_415 = arith.constant 48 : index
        %swap3A_416 = tpu.vector_load %arg9[%swap3A_414, %swap3A_415] {strides = array<i32>} : memref<256x64xf32, #tpu.memory_space<vmem>>, vector<1x16xf32>,
        %swap3A_417 = vector.shape_cast %swap3A_416 : vector<1x16xf32> to vector<16xf32>
        %swap3A_418 = vector.shape_cast %mul3A_413 : vector<16xf32> to vector<1x16xf32>
        tpu.vector_store %arg9[%swap3A_414, %swap3A_415], %swap3A_418 {strides = array<i32>} : memref<256x64xf32, #tpu.memory_space<vmem>>, vector<1x16xf32>,
        %scan3A_419 = arith.constant 3 : i32
        %scan3A_420 = arith.addi %scan3A_272, %scan3A_419 : i32
        %get3A_421 = arith.index_cast %scan3A_420 : i32 to index
        %get3A_422 = arith.constant 0 : index
        %get3A_423 = tpu.vector_load %arg9[%get3A_421, %get3A_422] {strides = array<i32>} : memref<256x64xf32, #tpu.memory_space<vmem>>, vector<1x16xf32>,
        %get3A_424 = vector.shape_cast %get3A_423 : vector<1x16xf32> to vector<16xf32>
        %mul3A_425 = arith.constant 8.000000e+00 : f32
        %mul3A_426 = vector.broadcast %mul3A_425 : f32 to vector<16xf32>
        %mul3A_427 = arith.mulf %get3A_424, %mul3A_426 : vector<16xf32>
        %swap3A_428 = arith.index_cast %scan3A_420 : i32 to index
        %swap3A_429 = arith.constant 0 : index
        %swap3A_430 = tpu.vector_load %arg9[%swap3A_428, %swap3A_429] {strides = array<i32>} : memref<256x64xf32, #tpu.memory_space<vmem>>, vector<1x16xf32>,
        %swap3A_431 = vector.shape_cast %swap3A_430 : vector<1x16xf32> to vector<16xf32>
        %swap3A_432 = vector.shape_cast %mul3A_427 : vector<16xf32> to vector<1x16xf32>
        tpu.vector_store %arg9[%swap3A_428, %swap3A_429], %swap3A_432 {strides = array<i32>} : memref<256x64xf32, #tpu.memory_space<vmem>>, vector<1x16xf32>,
        %get3A_433 = arith.index_cast %scan3A_420 : i32 to index
        %get3A_434 = arith.constant 16 : index
        %get3A_435 = tpu.vector_load %arg9[%get3A_433, %get3A_434] {strides = array<i32>} : memref<256x64xf32, #tpu.memory_space<vmem>>, vector<1x16xf32>,
        %get3A_436 = vector.shape_cast %get3A_435 : vector<1x16xf32> to vector<16xf32>
        %mul3A_437 = arith.constant 8.000000e+00 : f32
        %mul3A_438 = vector.broadcast %mul3A_437 : f32 to vector<16xf32>
        %mul3A_439 = arith.mulf %get3A_436, %mul3A_438 : vector<16xf32>
        %swap3A_440 = arith.index_cast %scan3A_420 : i32 to index
        %swap3A_441 = arith.constant 16 : index
        %swap3A_442 = tpu.vector_load %arg9[%swap3A_440, %swap3A_441] {strides = array<i32>} : memref<256x64xf32, #tpu.memory_space<vmem>>, vector<1x16xf32>,
        %swap3A_443 = vector.shape_cast %swap3A_442 : vector<1x16xf32> to vector<16xf32>
        %swap3A_444 = vector.shape_cast %mul3A_439 : vector<16xf32> to vector<1x16xf32>
        tpu.vector_store %arg9[%swap3A_440, %swap3A_441], %swap3A_444 {strides = array<i32>} : memref<256x64xf32, #tpu.memory_space<vmem>>, vector<1x16xf32>,
        %get3A_445 = arith.index_cast %scan3A_420 : i32 to index
        %get3A_446 = arith.constant 32 : index
        %get3A_447 = tpu.vector_load %arg9[%get3A_445, %get3A_446] {strides = array<i32>} : memref<256x64xf32, #tpu.memory_space<vmem>>, vector<1x16xf32>,
        %get3A_448 = vector.shape_cast %get3A_447 : vector<1x16xf32> to vector<16xf32>
        %mul3A_449 = arith.constant 8.000000e+00 : f32
        %mul3A_450 = vector.broadcast %mul3A_449 : f32 to vector<16xf32>
        %mul3A_451 = arith.mulf %get3A_448, %mul3A_450 : vector<16xf32>
        %swap3A_452 = arith.index_cast %scan3A_420 : i32 to index
        %swap3A_453 = arith.constant 32 : index
        %swap3A_454 = tpu.vector_load %arg9[%swap3A_452, %swap3A_453] {strides = array<i32>} : memref<256x64xf32, #tpu.memory_space<vmem>>, vector<1x16xf32>,
        %swap3A_455 = vector.shape_cast %swap3A_454 : vector<1x16xf32> to vector<16xf32>
        %swap3A_456 = vector.shape_cast %mul3A_451 : vector<16xf32> to vector<1x16xf32>
        tpu.vector_store %arg9[%swap3A_452, %swap3A_453], %swap3A_456 {strides = array<i32>} : memref<256x64xf32, #tpu.memory_space<vmem>>, vector<1x16xf32>,
        %get3A_457 = arith.index_cast %scan3A_420 : i32 to index
        %get3A_458 = arith.constant 48 : index
        %get3A_459 = tpu.vector_load %arg9[%get3A_457, %get3A_458] {strides = array<i32>} : memref<256x64xf32, #tpu.memory_space<vmem>>, vector<1x16xf32>,
        %get3A_460 = vector.shape_cast %get3A_459 : vector<1x16xf32> to vector<16xf32>
        %mul3A_461 = arith.constant 8.000000e+00 : f32
        %mul3A_462 = vector.broadcast %mul3A_461 : f32 to vector<16xf32>
        %mul3A_463 = arith.mulf %get3A_460, %mul3A_462 : vector<16xf32>
        %swap3A_464 = arith.index_cast %scan3A_420 : i32 to index
        %swap3A_465 = arith.constant 48 : index
        %swap3A_466 = tpu.vector_load %arg9[%swap3A_464, %swap3A_465] {strides = array<i32>} : memref<256x64xf32, #tpu.memory_space<vmem>>, vector<1x16xf32>,
        %swap3A_467 = vector.shape_cast %swap3A_466 : vector<1x16xf32> to vector<16xf32>
        %swap3A_468 = vector.shape_cast %mul3A_463 : vector<16xf32> to vector<1x16xf32>
        tpu.vector_store %arg9[%swap3A_464, %swap3A_465], %swap3A_468 {strides = array<i32>} : memref<256x64xf32, #tpu.memory_space<vmem>>, vector<1x16xf32>,
        %scan3A_469 = arith.constant 4 : i32
        %scan3A_470 = arith.addi %scan3A_272, %scan3A_469 : i32
        %get3A_471 = arith.index_cast %scan3A_470 : i32 to index
        %get3A_472 = arith.constant 0 : index
        %get3A_473 = tpu.vector_load %arg9[%get3A_471, %get3A_472] {strides = array<i32>} : memref<256x64xf32, #tpu.memory_space<vmem>>, vector<1x16xf32>,
        %get3A_474 = vector.shape_cast %get3A_473 : vector<1x16xf32> to vector<16xf32>
        %mul3A_475 = arith.constant 8.000000e+00 : f32
        %mul3A_476 = vector.broadcast %mul3A_475 : f32 to vector<16xf32>
        %mul3A_477 = arith.mulf %get3A_474, %mul3A_476 : vector<16xf32>
        %swap3A_478 = arith.index_cast %scan3A_470 : i32 to index
        %swap3A_479 = arith.constant 0 : index
        %swap3A_480 = tpu.vector_load %arg9[%swap3A_478, %swap3A_479] {strides = array<i32>} : memref<256x64xf32, #tpu.memory_space<vmem>>, vector<1x16xf32>,
        %swap3A_481 = vector.shape_cast %swap3A_480 : vector<1x16xf32> to vector<16xf32>
        %swap3A_482 = vector.shape_cast %mul3A_477 : vector<16xf32> to vector<1x16xf32>
        tpu.vector_store %arg9[%swap3A_478, %swap3A_479], %swap3A_482 {strides = array<i32>} : memref<256x64xf32, #tpu.memory_space<vmem>>, vector<1x16xf32>,
        %get3A_483 = arith.index_cast %scan3A_470 : i32 to index
        %get3A_484 = arith.constant 16 : index
        %get3A_485 = tpu.vector_load %arg9[%get3A_483, %get3A_484] {strides = array<i32>} : memref<256x64xf32, #tpu.memory_space<vmem>>, vector<1x16xf32>,
        %get3A_486 = vector.shape_cast %get3A_485 : vector<1x16xf32> to vector<16xf32>
        %mul3A_487 = arith.constant 8.000000e+00 : f32
        %mul3A_488 = vector.broadcast %mul3A_487 : f32 to vector<16xf32>
        %mul3A_489 = arith.mulf %get3A_486, %mul3A_488 : vector<16xf32>
        %swap3A_490 = arith.index_cast %scan3A_470 : i32 to index
        %swap3A_491 = arith.constant 16 : index
        %swap3A_492 = tpu.vector_load %arg9[%swap3A_490, %swap3A_491] {strides = array<i32>} : memref<256x64xf32, #tpu.memory_space<vmem>>, vector<1x16xf32>,
        %swap3A_493 = vector.shape_cast %swap3A_492 : vector<1x16xf32> to vector<16xf32>
        %swap3A_494 = vector.shape_cast %mul3A_489 : vector<16xf32> to vector<1x16xf32>
        tpu.vector_store %arg9[%swap3A_490, %swap3A_491], %swap3A_494 {strides = array<i32>} : memref<256x64xf32, #tpu.memory_space<vmem>>, vector<1x16xf32>,
        %get3A_495 = arith.index_cast %scan3A_470 : i32 to index
        %get3A_496 = arith.constant 32 : index
        %get3A_497 = tpu.vector_load %arg9[%get3A_495, %get3A_496] {strides = array<i32>} : memref<256x64xf32, #tpu.memory_space<vmem>>, vector<1x16xf32>,
        %get3A_498 = vector.shape_cast %get3A_497 : vector<1x16xf32> to vector<16xf32>
        %mul3A_499 = arith.constant 8.000000e+00 : f32
        %mul3A_500 = vector.broadcast %mul3A_499 : f32 to vector<16xf32>
        %mul3A_501 = arith.mulf %get3A_498, %mul3A_500 : vector<16xf32>
        %swap3A_502 = arith.index_cast %scan3A_470 : i32 to index
        %swap3A_503 = arith.constant 32 : index
        %swap3A_504 = tpu.vector_load %arg9[%swap3A_502, %swap3A_503] {strides = array<i32>} : memref<256x64xf32, #tpu.memory_space<vmem>>, vector<1x16xf32>,
        %swap3A_505 = vector.shape_cast %swap3A_504 : vector<1x16xf32> to vector<16xf32>
        %swap3A_506 = vector.shape_cast %mul3A_501 : vector<16xf32> to vector<1x16xf32>
        tpu.vector_store %arg9[%swap3A_502, %swap3A_503], %swap3A_506 {strides = array<i32>} : memref<256x64xf32, #tpu.memory_space<vmem>>, vector<1x16xf32>,
        %get3A_507 = arith.index_cast %scan3A_470 : i32 to index
        %get3A_508 = arith.constant 48 : index
        %get3A_509 = tpu.vector_load %arg9[%get3A_507, %get3A_508] {strides = array<i32>} : memref<256x64xf32, #tpu.memory_space<vmem>>, vector<1x16xf32>,
        %get3A_510 = vector.shape_cast %get3A_509 : vector<1x16xf32> to vector<16xf32>
        %mul3A_511 = arith.constant 8.000000e+00 : f32
        %mul3A_512 = vector.broadcast %mul3A_511 : f32 to vector<16xf32>
        %mul3A_513 = arith.mulf %get3A_510, %mul3A_512 : vector<16xf32>
        %swap3A_514 = arith.index_cast %scan3A_470 : i32 to index
        %swap3A_515 = arith.constant 48 : index
        %swap3A_516 = tpu.vector_load %arg9[%swap3A_514, %swap3A_515] {strides = array<i32>} : memref<256x64xf32, #tpu.memory_space<vmem>>, vector<1x16xf32>,
        %swap3A_517 = vector.shape_cast %swap3A_516 : vector<1x16xf32> to vector<16xf32>
        %swap3A_518 = vector.shape_cast %mul3A_513 : vector<16xf32> to vector<1x16xf32>
        tpu.vector_store %arg9[%swap3A_514, %swap3A_515], %swap3A_518 {strides = array<i32>} : memref<256x64xf32, #tpu.memory_space<vmem>>, vector<1x16xf32>,
        %scan3A_519 = arith.constant 5 : i32
        %scan3A_520 = arith.addi %scan3A_272, %scan3A_519 : i32
        %get3A_521 = arith.index_cast %scan3A_520 : i32 to index
        %get3A_522 = arith.constant 0 : index
        %get3A_523 = tpu.vector_load %arg9[%get3A_521, %get3A_522] {strides = array<i32>} : memref<256x64xf32, #tpu.memory_space<vmem>>, vector<1x16xf32>,
        %get3A_524 = vector.shape_cast %get3A_523 : vector<1x16xf32> to vector<16xf32>
        %mul3A_525 = arith.constant 8.000000e+00 : f32
        %mul3A_526 = vector.broadcast %mul3A_525 : f32 to vector<16xf32>
        %mul3A_527 = arith.mulf %get3A_524, %mul3A_526 : vector<16xf32>
        %swap3A_528 = arith.index_cast %scan3A_520 : i32 to index
        %swap3A_529 = arith.constant 0 : index
        %swap3A_530 = tpu.vector_load %arg9[%swap3A_528, %swap3A_529] {strides = array<i32>} : memref<256x64xf32, #tpu.memory_space<vmem>>, vector<1x16xf32>,
        %swap3A_531 = vector.shape_cast %swap3A_530 : vector<1x16xf32> to vector<16xf32>
        %swap3A_532 = vector.shape_cast %mul3A_527 : vector<16xf32> to vector<1x16xf32>
        tpu.vector_store %arg9[%swap3A_528, %swap3A_529], %swap3A_532 {strides = array<i32>} : memref<256x64xf32, #tpu.memory_space<vmem>>, vector<1x16xf32>,
        %get3A_533 = arith.index_cast %scan3A_520 : i32 to index
        %get3A_534 = arith.constant 16 : index
        %get3A_535 = tpu.vector_load %arg9[%get3A_533, %get3A_534] {strides = array<i32>} : memref<256x64xf32, #tpu.memory_space<vmem>>, vector<1x16xf32>,
        %get3A_536 = vector.shape_cast %get3A_535 : vector<1x16xf32> to vector<16xf32>
        %mul3A_537 = arith.constant 8.000000e+00 : f32
        %mul3A_538 = vector.broadcast %mul3A_537 : f32 to vector<16xf32>
        %mul3A_539 = arith.mulf %get3A_536, %mul3A_538 : vector<16xf32>
        %swap3A_540 = arith.index_cast %scan3A_520 : i32 to index
        %swap3A_541 = arith.constant 16 : index
        %swap3A_542 = tpu.vector_load %arg9[%swap3A_540, %swap3A_541] {strides = array<i32>} : memref<256x64xf32, #tpu.memory_space<vmem>>, vector<1x16xf32>,
        %swap3A_543 = vector.shape_cast %swap3A_542 : vector<1x16xf32> to vector<16xf32>
        %swap3A_544 = vector.shape_cast %mul3A_539 : vector<16xf32> to vector<1x16xf32>
        tpu.vector_store %arg9[%swap3A_540, %swap3A_541], %swap3A_544 {strides = array<i32>} : memref<256x64xf32, #tpu.memory_space<vmem>>, vector<1x16xf32>,
        %get3A_545 = arith.index_cast %scan3A_520 : i32 to index
        %get3A_546 = arith.constant 32 : index
        %get3A_547 = tpu.vector_load %arg9[%get3A_545, %get3A_546] {strides = array<i32>} : memref<256x64xf32, #tpu.memory_space<vmem>>, vector<1x16xf32>,
        %get3A_548 = vector.shape_cast %get3A_547 : vector<1x16xf32> to vector<16xf32>
        %mul3A_549 = arith.constant 8.000000e+00 : f32
        %mul3A_550 = vector.broadcast %mul3A_549 : f32 to vector<16xf32>
        %mul3A_551 = arith.mulf %get3A_548, %mul3A_550 : vector<16xf32>
        %swap3A_552 = arith.index_cast %scan3A_520 : i32 to index
        %swap3A_553 = arith.constant 32 : index
        %swap3A_554 = tpu.vector_load %arg9[%swap3A_552, %swap3A_553] {strides = array<i32>} : memref<256x64xf32, #tpu.memory_space<vmem>>, vector<1x16xf32>,
        %swap3A_555 = vector.shape_cast %swap3A_554 : vector<1x16xf32> to vector<16xf32>
        %swap3A_556 = vector.shape_cast %mul3A_551 : vector<16xf32> to vector<1x16xf32>
        tpu.vector_store %arg9[%swap3A_552, %swap3A_553], %swap3A_556 {strides = array<i32>} : memref<256x64xf32, #tpu.memory_space<vmem>>, vector<1x16xf32>,
        %get3A_557 = arith.index_cast %scan3A_520 : i32 to index
        %get3A_558 = arith.constant 48 : index
        %get3A_559 = tpu.vector_load %arg9[%get3A_557, %get3A_558] {strides = array<i32>} : memref<256x64xf32, #tpu.memory_space<vmem>>, vector<1x16xf32>,
        %get3A_560 = vector.shape_cast %get3A_559 : vector<1x16xf32> to vector<16xf32>
        %mul3A_561 = arith.constant 8.000000e+00 : f32
        %mul3A_562 = vector.broadcast %mul3A_561 : f32 to vector<16xf32>
        %mul3A_563 = arith.mulf %get3A_560, %mul3A_562 : vector<16xf32>
        %swap3A_564 = arith.index_cast %scan3A_520 : i32 to index
        %swap3A_565 = arith.constant 48 : index
        %swap3A_566 = tpu.vector_load %arg9[%swap3A_564, %swap3A_565] {strides = array<i32>} : memref<256x64xf32, #tpu.memory_space<vmem>>, vector<1x16xf32>,
        %swap3A_567 = vector.shape_cast %swap3A_566 : vector<1x16xf32> to vector<16xf32>
        %swap3A_568 = vector.shape_cast %mul3A_563 : vector<16xf32> to vector<1x16xf32>
        tpu.vector_store %arg9[%swap3A_564, %swap3A_565], %swap3A_568 {strides = array<i32>} : memref<256x64xf32, #tpu.memory_space<vmem>>, vector<1x16xf32>,
        %scan3A_569 = arith.constant 6 : i32
        %scan3A_570 = arith.addi %scan3A_272, %scan3A_569 : i32
        %get3A_571 = arith.index_cast %scan3A_570 : i32 to index
        %get3A_572 = arith.constant 0 : index
        %get3A_573 = tpu.vector_load %arg9[%get3A_571, %get3A_572] {strides = array<i32>} : memref<256x64xf32, #tpu.memory_space<vmem>>, vector<1x16xf32>,
        %get3A_574 = vector.shape_cast %get3A_573 : vector<1x16xf32> to vector<16xf32>
        %mul3A_575 = arith.constant 8.000000e+00 : f32
        %mul3A_576 = vector.broadcast %mul3A_575 : f32 to vector<16xf32>
        %mul3A_577 = arith.mulf %get3A_574, %mul3A_576 : vector<16xf32>
        %swap3A_578 = arith.index_cast %scan3A_570 : i32 to index
        %swap3A_579 = arith.constant 0 : index
        %swap3A_580 = tpu.vector_load %arg9[%swap3A_578, %swap3A_579] {strides = array<i32>} : memref<256x64xf32, #tpu.memory_space<vmem>>, vector<1x16xf32>,
        %swap3A_581 = vector.shape_cast %swap3A_580 : vector<1x16xf32> to vector<16xf32>
        %swap3A_582 = vector.shape_cast %mul3A_577 : vector<16xf32> to vector<1x16xf32>
        tpu.vector_store %arg9[%swap3A_578, %swap3A_579], %swap3A_582 {strides = array<i32>} : memref<256x64xf32, #tpu.memory_space<vmem>>, vector<1x16xf32>,
        %get3A_583 = arith.index_cast %scan3A_570 : i32 to index
        %get3A_584 = arith.constant 16 : index
        %get3A_585 = tpu.vector_load %arg9[%get3A_583, %get3A_584] {strides = array<i32>} : memref<256x64xf32, #tpu.memory_space<vmem>>, vector<1x16xf32>,
        %get3A_586 = vector.shape_cast %get3A_585 : vector<1x16xf32> to vector<16xf32>
        %mul3A_587 = arith.constant 8.000000e+00 : f32
        %mul3A_588 = vector.broadcast %mul3A_587 : f32 to vector<16xf32>
        %mul3A_589 = arith.mulf %get3A_586, %mul3A_588 : vector<16xf32>
        %swap3A_590 = arith.index_cast %scan3A_570 : i32 to index
        %swap3A_591 = arith.constant 16 : index
        %swap3A_592 = tpu.vector_load %arg9[%swap3A_590, %swap3A_591] {strides = array<i32>} : memref<256x64xf32, #tpu.memory_space<vmem>>, vector<1x16xf32>,
        %swap3A_593 = vector.shape_cast %swap3A_592 : vector<1x16xf32> to vector<16xf32>
        %swap3A_594 = vector.shape_cast %mul3A_589 : vector<16xf32> to vector<1x16xf32>
        tpu.vector_store %arg9[%swap3A_590, %swap3A_591], %swap3A_594 {strides = array<i32>} : memref<256x64xf32, #tpu.memory_space<vmem>>, vector<1x16xf32>,
        %get3A_595 = arith.index_cast %scan3A_570 : i32 to index
        %get3A_596 = arith.constant 32 : index
        %get3A_597 = tpu.vector_load %arg9[%get3A_595, %get3A_596] {strides = array<i32>} : memref<256x64xf32, #tpu.memory_space<vmem>>, vector<1x16xf32>,
        %get3A_598 = vector.shape_cast %get3A_597 : vector<1x16xf32> to vector<16xf32>
        %mul3A_599 = arith.constant 8.000000e+00 : f32
        %mul3A_600 = vector.broadcast %mul3A_599 : f32 to vector<16xf32>
        %mul3A_601 = arith.mulf %get3A_598, %mul3A_600 : vector<16xf32>
        %swap3A_602 = arith.index_cast %scan3A_570 : i32 to index
        %swap3A_603 = arith.constant 32 : index
        %swap3A_604 = tpu.vector_load %arg9[%swap3A_602, %swap3A_603] {strides = array<i32>} : memref<256x64xf32, #tpu.memory_space<vmem>>, vector<1x16xf32>,
        %swap3A_605 = vector.shape_cast %swap3A_604 : vector<1x16xf32> to vector<16xf32>
        %swap3A_606 = vector.shape_cast %mul3A_601 : vector<16xf32> to vector<1x16xf32>
        tpu.vector_store %arg9[%swap3A_602, %swap3A_603], %swap3A_606 {strides = array<i32>} : memref<256x64xf32, #tpu.memory_space<vmem>>, vector<1x16xf32>,
        %get3A_607 = arith.index_cast %scan3A_570 : i32 to index
        %get3A_608 = arith.constant 48 : index
        %get3A_609 = tpu.vector_load %arg9[%get3A_607, %get3A_608] {strides = array<i32>} : memref<256x64xf32, #tpu.memory_space<vmem>>, vector<1x16xf32>,
        %get3A_610 = vector.shape_cast %get3A_609 : vector<1x16xf32> to vector<16xf32>
        %mul3A_611 = arith.constant 8.000000e+00 : f32
        %mul3A_612 = vector.broadcast %mul3A_611 : f32 to vector<16xf32>
        %mul3A_613 = arith.mulf %get3A_610, %mul3A_612 : vector<16xf32>
        %swap3A_614 = arith.index_cast %scan3A_570 : i32 to index
        %swap3A_615 = arith.constant 48 : index
        %swap3A_616 = tpu.vector_load %arg9[%swap3A_614, %swap3A_615] {strides = array<i32>} : memref<256x64xf32, #tpu.memory_space<vmem>>, vector<1x16xf32>,
        %swap3A_617 = vector.shape_cast %swap3A_616 : vector<1x16xf32> to vector<16xf32>
        %swap3A_618 = vector.shape_cast %mul3A_613 : vector<16xf32> to vector<1x16xf32>
        tpu.vector_store %arg9[%swap3A_614, %swap3A_615], %swap3A_618 {strides = array<i32>} : memref<256x64xf32, #tpu.memory_space<vmem>>, vector<1x16xf32>,
        %scan3A_619 = arith.constant 7 : i32
        %scan3A_620 = arith.addi %scan3A_272, %scan3A_619 : i32
        %get3A_621 = arith.index_cast %scan3A_620 : i32 to index
        %get3A_622 = arith.constant 0 : index
        %get3A_623 = tpu.vector_load %arg9[%get3A_621, %get3A_622] {strides = array<i32>} : memref<256x64xf32, #tpu.memory_space<vmem>>, vector<1x16xf32>,
        %get3A_624 = vector.shape_cast %get3A_623 : vector<1x16xf32> to vector<16xf32>
        %mul3A_625 = arith.constant 8.000000e+00 : f32
        %mul3A_626 = vector.broadcast %mul3A_625 : f32 to vector<16xf32>
        %mul3A_627 = arith.mulf %get3A_624, %mul3A_626 : vector<16xf32>
        %swap3A_628 = arith.index_cast %scan3A_620 : i32 to index
        %swap3A_629 = arith.constant 0 : index
        %swap3A_630 = tpu.vector_load %arg9[%swap3A_628, %swap3A_629] {strides = array<i32>} : memref<256x64xf32, #tpu.memory_space<vmem>>, vector<1x16xf32>,
        %swap3A_631 = vector.shape_cast %swap3A_630 : vector<1x16xf32> to vector<16xf32>
        %swap3A_632 = vector.shape_cast %mul3A_627 : vector<16xf32> to vector<1x16xf32>
        tpu.vector_store %arg9[%swap3A_628, %swap3A_629], %swap3A_632 {strides = array<i32>} : memref<256x64xf32, #tpu.memory_space<vmem>>, vector<1x16xf32>,
        %get3A_633 = arith.index_cast %scan3A_620 : i32 to index
        %get3A_634 = arith.constant 16 : index
        %get3A_635 = tpu.vector_load %arg9[%get3A_633, %get3A_634] {strides = array<i32>} : memref<256x64xf32, #tpu.memory_space<vmem>>, vector<1x16xf32>,
        %get3A_636 = vector.shape_cast %get3A_635 : vector<1x16xf32> to vector<16xf32>
        %mul3A_637 = arith.constant 8.000000e+00 : f32
        %mul3A_638 = vector.broadcast %mul3A_637 : f32 to vector<16xf32>
        %mul3A_639 = arith.mulf %get3A_636, %mul3A_638 : vector<16xf32>
        %swap3A_640 = arith.index_cast %scan3A_620 : i32 to index
        %swap3A_641 = arith.constant 16 : index
        %swap3A_642 = tpu.vector_load %arg9[%swap3A_640, %swap3A_641] {strides = array<i32>} : memref<256x64xf32, #tpu.memory_space<vmem>>, vector<1x16xf32>,
        %swap3A_643 = vector.shape_cast %swap3A_642 : vector<1x16xf32> to vector<16xf32>
        %swap3A_644 = vector.shape_cast %mul3A_639 : vector<16xf32> to vector<1x16xf32>
        tpu.vector_store %arg9[%swap3A_640, %swap3A_641], %swap3A_644 {strides = array<i32>} : memref<256x64xf32, #tpu.memory_space<vmem>>, vector<1x16xf32>,
        %get3A_645 = arith.index_cast %scan3A_620 : i32 to index
        %get3A_646 = arith.constant 32 : index
        %get3A_647 = tpu.vector_load %arg9[%get3A_645, %get3A_646] {strides = array<i32>} : memref<256x64xf32, #tpu.memory_space<vmem>>, vector<1x16xf32>,
        %get3A_648 = vector.shape_cast %get3A_647 : vector<1x16xf32> to vector<16xf32>
        %mul3A_649 = arith.constant 8.000000e+00 : f32
        %mul3A_650 = vector.broadcast %mul3A_649 : f32 to vector<16xf32>
        %mul3A_651 = arith.mulf %get3A_648, %mul3A_650 : vector<16xf32>
        %swap3A_652 = arith.index_cast %scan3A_620 : i32 to index
        %swap3A_653 = arith.constant 32 : index
        %swap3A_654 = tpu.vector_load %arg9[%swap3A_652, %swap3A_653] {strides = array<i32>} : memref<256x64xf32, #tpu.memory_space<vmem>>, vector<1x16xf32>,
        %swap3A_655 = vector.shape_cast %swap3A_654 : vector<1x16xf32> to vector<16xf32>
        %swap3A_656 = vector.shape_cast %mul3A_651 : vector<16xf32> to vector<1x16xf32>
        tpu.vector_store %arg9[%swap3A_652, %swap3A_653], %swap3A_656 {strides = array<i32>} : memref<256x64xf32, #tpu.memory_space<vmem>>, vector<1x16xf32>,
        %get3A_657 = arith.index_cast %scan3A_620 : i32 to index
        %get3A_658 = arith.constant 48 : index
        %get3A_659 = tpu.vector_load %arg9[%get3A_657, %get3A_658] {strides = array<i32>} : memref<256x64xf32, #tpu.memory_space<vmem>>, vector<1x16xf32>,
        %get3A_660 = vector.shape_cast %get3A_659 : vector<1x16xf32> to vector<16xf32>
        %mul3A_661 = arith.constant 8.000000e+00 : f32
        %mul3A_662 = vector.broadcast %mul3A_661 : f32 to vector<16xf32>
        %mul3A_663 = arith.mulf %get3A_660, %mul3A_662 : vector<16xf32>
        %swap3A_664 = arith.index_cast %scan3A_620 : i32 to index
        %swap3A_665 = arith.constant 48 : index
        %swap3A_666 = tpu.vector_load %arg9[%swap3A_664, %swap3A_665] {strides = array<i32>} : memref<256x64xf32, #tpu.memory_space<vmem>>, vector<1x16xf32>,
        %swap3A_667 = vector.shape_cast %swap3A_666 : vector<1x16xf32> to vector<16xf32>
        %swap3A_668 = vector.shape_cast %mul3A_663 : vector<16xf32> to vector<1x16xf32>
        tpu.vector_store %arg9[%swap3A_664, %swap3A_665], %swap3A_668 {strides = array<i32>} : memref<256x64xf32, #tpu.memory_space<vmem>>, vector<1x16xf32>,
      }
      %scan3A_264 = arith.constant 256 : i32
      %mul3A_265 = arith.constant 256 : i32
      %mul3A_266 = arith.muli %add3A_225, %mul3A_265 : i32
      %add3A_267 = arith.addi %mul3A_4, %mul3A_266 : i32
      %dma_start3A_268 = arith.constant 0 : i32
      %dma_start3A_269 = tpu.memref_slice %arg4[%add3A_267, %dma_start3A_268] : memref<819200x64xf32, #tpu.memory_space<hbm>> -> memref<256x64xf32, #tpu.memory_space<hbm>>
      %dma_start3A_270 = arith.constant 0 : i32
      %dma_start3A_271 = tpu.memref_slice %arg4[%add3A_267, %dma_start3A_270] : memref<819200x64xf32, #tpu.memory_space<hbm>> -> memref<256x64xf32, #tpu.memory_space<hbm>>
      tpu.enqueue_dma source(%arg9 : memref<256x64xf32, #tpu.memory_space<vmem>>) target(%dma_start3A_271 : memref<256x64xf32, #tpu.memory_space<hbm>>) target_semaphore(%arg17 : memref<!tpu.dma_semaphore, #tpu.memory_space<semaphore_mem>>)
    }
    %scan3A_50 = arith.constant 25 : i32
    %dma_wait3A = arith.constant 0 : i32
    %dma_wait3A_51 = arith.constant 0 : i32
    %dma_wait3A_52 = tpu.memref_slice %arg4[%dma_wait3A, %dma_wait3A_51] : memref<819200x64xf32, #tpu.memory_space<hbm>> -> memref<256x64xf32, #tpu.memory_space<hbm>>
    %dma_wait3A_53 = arith.constant 0 : i32
    %dma_wait3A_54 = arith.constant 0 : i32
    %dma_wait3A_55 = tpu.memref_slice %arg4[%dma_wait3A_53, %dma_wait3A_54] : memref<819200x64xf32, #tpu.memory_space<hbm>> -> memref<256x64xf32, #tpu.memory_space<hbm>>
    tpu.wait_dma2 semaphore(%arg14 : memref<!tpu.dma_semaphore, #tpu.memory_space<semaphore_mem>>) src(%arg6 : memref<256x64xf32, #tpu.memory_space<vmem>>) dst(%dma_wait3A_55 : memref<256x64xf32, #tpu.memory_space<hbm>>)
    %dma_wait3A_56 = arith.constant 0 : i32
    %dma_wait3A_57 = arith.constant 0 : i32
    %dma_wait3A_58 = tpu.memref_slice %arg4[%dma_wait3A_56, %dma_wait3A_57] : memref<819200x64xf32, #tpu.memory_space<hbm>> -> memref<256x64xf32, #tpu.memory_space<hbm>>
    %dma_wait3A_59 = arith.constant 0 : i32
    %dma_wait3A_60 = arith.constant 0 : i32
    %dma_wait3A_61 = tpu.memref_slice %arg4[%dma_wait3A_59, %dma_wait3A_60] : memref<819200x64xf32, #tpu.memory_space<hbm>> -> memref<256x64xf32, #tpu.memory_space<hbm>>
    tpu.wait_dma2 semaphore(%arg15 : memref<!tpu.dma_semaphore, #tpu.memory_space<semaphore_mem>>) src(%arg7 : memref<256x64xf32, #tpu.memory_space<vmem>>) dst(%dma_wait3A_61 : memref<256x64xf32, #tpu.memory_space<hbm>>)
    %dma_wait3A_62 = arith.constant 0 : i32
    %dma_wait3A_63 = arith.constant 0 : i32
    %dma_wait3A_64 = tpu.memref_slice %arg4[%dma_wait3A_62, %dma_wait3A_63] : memref<819200x64xf32, #tpu.memory_space<hbm>> -> memref<256x64xf32, #tpu.memory_space<hbm>>
    %dma_wait3A_65 = arith.constant 0 : i32
    %dma_wait3A_66 = arith.constant 0 : i32
    %dma_wait3A_67 = tpu.memref_slice %arg4[%dma_wait3A_65, %dma_wait3A_66] : memref<819200x64xf32, #tpu.memory_space<hbm>> -> memref<256x64xf32, #tpu.memory_space<hbm>>
    tpu.wait_dma2 semaphore(%arg16 : memref<!tpu.dma_semaphore, #tpu.memory_space<semaphore_mem>>) src(%arg8 : memref<256x64xf32, #tpu.memory_space<vmem>>) dst(%dma_wait3A_67 : memref<256x64xf32, #tpu.memory_space<hbm>>)
    %dma_wait3A_68 = arith.constant 0 : i32
    %dma_wait3A_69 = arith.constant 0 : i32
    %dma_wait3A_70 = tpu.memref_slice %arg4[%dma_wait3A_68, %dma_wait3A_69] : memref<819200x64xf32, #tpu.memory_space<hbm>> -> memref<256x64xf32, #tpu.memory_space<hbm>>
    %dma_wait3A_71 = arith.constant 0 : i32
    %dma_wait3A_72 = arith.constant 0 : i32
    %dma_wait3A_73 = tpu.memref_slice %arg4[%dma_wait3A_71, %dma_wait3A_72] : memref<819200x64xf32, #tpu.memory_space<hbm>> -> memref<256x64xf32, #tpu.memory_space<hbm>>
    tpu.wait_dma2 semaphore(%arg17 : memref<!tpu.dma_semaphore, #tpu.memory_space<semaphore_mem>>) src(%arg9 : memref<256x64xf32, #tpu.memory_space<vmem>>) dst(%dma_wait3A_73 : memref<256x64xf32, #tpu.memory_space<hbm>>)
    return
  }
}

</mosaic_0001>

<sc_bundles>
// kernel: kernel.3.cloned.1.call-start
scs
__scs_entry_jumppad:
0x0: {  	(pc) =	sbr.rel $0x88, $3  }
0x1: {  	(tag) =	ssettag $0x0;
	lr =	simm.s32 $0x1  }
0x2: {  	[smem:$0x3F9F] =	sst lr;
	_ =	strace $0xD0000000  }
0x3: {  	_ = 	snop  }
0x4: {  	_ = 	snop  }
0x5: {  	_ = 	snop  }
0x6: {  	_ = 	snop  }
0x7: {  	_ = 	snop  }
__scs_overlays_trampoline_lowered:
0x8: {  	[smem:$0x3FAE] =	sst s0  }
0x9: {  	[smem:$0x3FAF] =	sst s1  }
0xa: {  	[smem:$0x3FB0] =	sst s2  }
0xb: {  	[smem:$0x3FB1] =	sst s3  }
0xc: {  	[smem:$0x3FB2] =	sst s4  }
0xd: {  	[smem:$0x3FB3] =	sst s5  }
0xe: {  	[smem:$0x3FB4] =	sst s6  }
0xf: {  	[smem:$0x3FB5] =	sst s7  }
0x10: {  	[smem:$0x3FB6] =	sst s8  }
0x11: {  	[smem:$0x3FB7] =	sst s9;
	s0 =	simm.s32 @!p0 $0x0  }
0x12: {  	s1 =	sld [smem:$0x3F9D];
	s0 =	simm.s32 @p0 $0x1  }
0x13: {  	[smem:$0x3FB8] =	sst s0;
	s0 =	simm.s32 @!p1 $0x0  }
0x14: {  	s2 =	sld [smem:$0x3F9C];
	s0 =	simm.s32 @p1 $0x1  }
0x15: {  	[smem:$0x3FB9] =	sst s0;
	s0 =	simm.s32 @!p2 $0x0  }
0x16: {  	s3 =	sld [smem:$0x3FDB];
	s0 =	simm.s32 @p2 $0x1  }
0x17: {  	s4 =	simm.s32 $0x1BF5;
	[smem:$0x3FBB] =	sst s0  }
0x18: {  	s0 =	sld [smem:$0x3F9E];
	_ =	swait.ge [sflag:s4], $0x0  }
0x19: {  	s7 =	sld [smem:$0x3F9F]  }
0x1a: {  	s8 =	sadd.s32 $0xFFFFE003, lr  }
0x1b: {  	s9 =	sadd.s32 $0xFFFFFEF7, lr;
	s5 =	simm.s32 $0xFFFFFFFF;
	p2 =	slt.u32 s8, $0xFFFFF086  }
0x1c: {  	p1 =	slt.u32 s9, $0xF7A;
	s5 =	simm.s32 @!p2 $0x0  }
0x1d: {  	s5 =	simm.s32 @p1 $0x1;
	p0 =	seq.s32 s7, s2  }
0x1e: {  	s7 =	smul.u32 @!p0 $0xF7A, s2;
	p2 =	seq.s32 @!p0 s5, $0x0  }
0x1f: {  	s9 =	smul.u32 $0xF7A, s1;
	s8 =	simm.s32 @!p0 $0x1BF5;
	p2 =	por !p2, p0  }
0x20: {  	[sflag:s8] =	ssyncset.s32 @!p0 $0xFFFFF086;
	s6 =	sadd.s32 @!p0 s3, s7;
	s7 =	simm.s32 @!p0 $0x108  }
0x21: {  	s3 =	sadd.s32 s3, s9;
	s6 =	sadd.s32 @!p0 $0x88, s6;
	s7 =	simm.s32 @p2 $0x1082  }
0x22: {  	[simem:s7], [sflag:s8] =	dma.local @!p0 [hbm:s6], $0xF7A  }
0x23: {  	s9 =	sor.u32 $0xD0000000, s2;
	s6 =	simm.s32 $0x108;
	_ =	swait.ge @!p0 [sflag:s8], $0x0  }
0x24: {  	s3 =	sadd.s32 $0x88, s3;
	s6 =	simm.s32 @!p1 $0x1082;
	[sflag:s4] =	ssyncset.s32 $0xFFFFF086  }
0x25: {  	[simem:s6], [sflag:s4] =	dma.local [hbm:s3], $0xF7A  }
0x26: {  	[smem:$0x3F9F] =	sst s1;
	(tag) =	ssettag s2;
	_ =	strace s9  }
0x27: {  	s1 =	sld [smem:$0x3FAF]  }
0x28: {  	s2 =	sld [smem:$0x3FB0]  }
0x29: {  	s4 =	sld [smem:$0x3FB2]  }
0x2a: {  	p0 =	seq.s32 s5, $0x0;
	s5 =	sld [smem:$0x3FB3]  }
0x2b: {  	s6 =	sld [smem:$0x3FB4]  }
0x2c: {  	s7 =	sld [smem:$0x3FB5]  }
0x2d: {  	s3 =	simm.s32 $0x108;
	s8 =	sld [smem:$0x3FB6]  }
0x2e: {  	s3 =	simm.s32 @!p0 $0x1082;
	s9 =	sld [smem:$0x3FB7]  }
0x2f: {  	lr =	sadd.s32 s0, s3;
	s0 =	sld [smem:$0x3FAE]  }
0x30: {  	s3 =	sld [smem:$0x3FB1]  }
0x31: {  	[smem:$0x3FBA] =	sst s10  }
0x32: {  	s10 =	sld [smem:$0x3FB8];
	_ =	sdelay $0x3  }
0x33: {  	p0 =	seq.s32 s10, $0x1;
	s10 =	sld [smem:$0x3FBA];
	_ =	sdelay $0x3  }
0x34: {  	[smem:$0x3FBA] =	sst s10  }
0x35: {  	s10 =	sld [smem:$0x3FB9];
	_ =	sdelay $0x3  }
0x36: {  	p1 =	seq.s32 s10, $0x1;
	s10 =	sld [smem:$0x3FBA];
	_ =	sdelay $0x3  }
0x37: {  	[smem:$0x3FBA] =	sst s10  }
0x38: {  	s10 =	sld [smem:$0x3FBB]  }
0x39: {  	_ = 	snop;
	(pc) =	sbr.ind lr, $3  }
0x3a: {  	_ = 	snop  }
0x3b: {  	_ = 	snop  }
0x3c: {  	p2 =	seq.s32 s10, $0x1;
	s10 =	sld [smem:$0x3FBA]  }
0x3d: {  	_ =	shalt  }
0x3e: {  	_ =	shalt  }
0x3f: {  	_ =	shalt  }
0x40: {  	_ =	shalt  }
0x41: {  	_ =	shalt  }
0x42: {  	_ =	shalt  }
0x43: {  	_ =	shalt  }
0x44: {  	_ =	shalt  }
0x45: {  	_ =	shalt  }
0x46: {  	_ =	shalt  }
0x47: {  	_ =	shalt  }
0x48: {  	_ =	shalt  }
0x49: {  	_ =	shalt  }
0x4a: {  	_ =	shalt  }
0x4b: {  	_ =	shalt  }
0x4c: {  	_ =	shalt  }
0x4d: {  	_ =	shalt  }
0x4e: {  	_ =	shalt  }
0x4f: {  	_ =	shalt  }
0x50: {  	_ =	shalt  }
0x51: {  	_ =	shalt  }
0x52: {  	_ =	shalt  }
0x53: {  	_ =	shalt  }
0x54: {  	_ =	shalt  }
0x55: {  	_ =	shalt  }
0x56: {  	_ =	shalt  }
0x57: {  	_ =	shalt  }
0x58: {  	_ =	shalt  }
0x59: {  	_ =	shalt  }
0x5a: {  	_ =	shalt  }
0x5b: {  	_ =	shalt  }
0x5c: {  	_ =	shalt  }
0x5d: {  	_ =	shalt  }
0x5e: {  	_ =	shalt  }
0x5f: {  	_ =	shalt  }
0x60: {  	_ =	shalt  }
0x61: {  	_ =	shalt  }
0x62: {  	_ =	shalt  }
0x63: {  	_ =	shalt  }
0x64: {  	_ =	shalt  }
0x65: {  	_ =	shalt  }
0x66: {  	_ =	shalt  }
0x67: {  	_ =	shalt  }
0x68: {  	_ =	shalt  }
0x69: {  	_ =	shalt  }
0x6a: {  	_ =	shalt  }
0x6b: {  	_ =	shalt  }
0x6c: {  	_ =	shalt  }
0x6d: {  	_ =	shalt  }
0x6e: {  	_ =	shalt  }
0x6f: {  	_ =	shalt  }
0x70: {  	_ =	shalt  }
0x71: {  	_ =	shalt  }
0x72: {  	_ =	shalt  }
0x73: {  	_ =	shalt  }
0x74: {  	_ =	shalt  }
0x75: {  	_ =	shalt  }
0x76: {  	_ =	shalt  }
0x77: {  	_ =	shalt  }
0x78: {  	_ =	shalt  }
0x79: {  	_ =	shalt  }
0x7a: {  	_ =	shalt  }
0x7b: {  	_ =	shalt  }
0x7c: {  	_ =	shalt  }
0x7d: {  	_ =	shalt  }
0x7e: {  	_ =	shalt  }
0x7f: {  	_ =	shalt  }
0x80: {  	_ =	shalt  }
0x81: {  	_ =	shalt  }
0x82: {  	_ =	shalt  }
0x83: {  	_ =	shalt  }
0x84: {  	_ =	shalt  }
0x85: {  	_ =	shalt  }
0x86: {  	_ =	shalt  }
0x87: {  	_ =	shalt  }
.Lfunc_end0:
.L_simem_size_0:
called_computation.1_lowered:
.L_overlay_start_0:
0x88: {  	s2 =	sld [smem:$0x3FD9]  }
0x89: {  	s3 =	sld [smem:$0x3FFE];
	_ =	sdelay $0x1  }
0x8a: {  	s1 =	srdreg.scid  }
0x8b: {  	s0 =	sand.u32 $0x1, s1  }
0x8c: {  	s17 =	sshll.u32 s0, $0xA;
	s2 =	sadd.s32 s3, s2  }
0x8d: {  	s2 =	sadd.s32 s2, s17  }
0x8e: {  	[smem:$0x3FC6] =	sst s2  }
0x8f: {  	_ = 	snop  }
0x90: {  	s2 =	sld [smem:$0x3FD0];
	(tm) =	ssettm $0x1  }
0x91: {  	s18 =	sld [smem:$0x3FFB];
	_ =	sdelay $0x3  }
0x92: {  	_ =	strace s18  }
0x93: {  	s3 =	sld [smem:$0x3FFC];
	_ =	sdelay $0x3  }
0x94: {  	_ =	strace s3  }
0x95: {  	s3 =	sld [smem:$0x3FFD];
	_ =	sdelay $0x3  }
0x96: {  	_ =	strace s3  }
0x97: {  	_ =	strace $0x8FFFFFFF  }
0x98: {  	s19 =	sld [smem:$0x3FDB];
	_ =	sdelay $0x1  }
0x99: {  	s4 =	simm.s32 $_scs_section_size  }
0x9a: {  	s5 =	simm.s32 $_size__tile_overlayer_lowered;
	s6 =	simm.s32 $_tile_overlayer_lowered  }
0x9b: {  	s22 =	simm.s32 $0x1BFF;
	s21 =	sshll.u32 s6, $0x1;
	s3 =	sadd.s32 s4, s19  }
0x9c: {  	s7 =	simm.s32 $0x0;
	s20 =	sshll.u32 s5, $0x1;
	s5 =	sadd.s32 s21, s3  }
0x9d: {  	[timem:s7], [sflag:s22] =	dma.local [hbm:s5], s20  }
0x9e: {  	_ =	swait.ge [sflag:s22], s20  }
0x9f: {  	s4 =	ssub.s32 $0x0, s20;
	[sflag:s22] =	ssyncset.done $0x0  }
0xa0: {  	[sflag:s22] =	ssyncadd.s32 s4;
	_ =	sdelay $0x1  }
0xa1: {  	s23 =	simm.s32 $0x1B8B  }
0xa2: {  	_ =	swait.ge [sflag:s23], $0x1  }
0xa3: {  	[sflag:s23] =	ssyncset.done $0x0  }
0xa4: {  	s25 =	simm.s32 $0x1B8E;
	s24 =	sld [smem:$0x3FFE];
	[sflag:s23] =	ssyncadd.s32 $0xFFFFFFFF  }
0xa5: {  	s26 =	simm.s32 $execute0_lowered;
	[smem:$0x3FD2] =	sst s25  }
0xa6: {  	s5 =	sshll.u32 s26, $0x1;
	_ =	strace $0x80000046;
	[dreg:$0x1] =	wrdreg $0xFFFFFFFF  }
0xa7: {  	s28 =	simm.s32 $_size_execute0_lowered;
	s3 =	sadd.s32 s3, s5;
	[dreg:$0x0] =	wrdreg $0x0  }
0xa8: {  	s5 =	sshll.u32 s28, $0x1;
	[dreg:$0x2] =	wrdreg s3  }
0xa9: {  	[dreg:$0x3] =	wrdreg s5  }
0xaa: {  	[dreg:$0x4] =	wrdreg $0xC0  }
0xab: {  	_ =	task [dreg:s7], $0x5FFFF  }
0xac: {  	[dreg:$0x1] =	wrdreg $0xFFFFFFFF  }
0xad: {  	[dreg:$0x0] =	wrdreg $0x60  }
0xae: {  	[dreg:$0x2] =	wrdreg s24  }
0xaf: {  	[dreg:$0x3] =	wrdreg s2  }
0xb0: {  	[dreg:$0x4] =	wrdreg $0x9  }
0xb1: {  	_ =	task.clear_ibuf [dreg:s7], $0x5FFFF;
	_ =	strace $0x90000046  }
0xb2: {  	s29 =	simm.s32 $0x9;
	_ =	strace $0x80000048  }
0xb3: {  	_ =	swait.ge [sflag:s29], $0x1  }
0xb4: {  	[sflag:s29] =	ssyncadd.s32 $0xFFFFFFFF  }
0xb5: {  	_ =	strace $0x90000048  }
0xb6: {  	_ =	sfence  }
0xb7: {  	s30 =	sld [smem:$0x0];
	_ =	sdelay $0x2  }
0xb8: {  	s31 =	sshll.u32 s1, $0xD;
	s1 =	sshrl.u32 s1, $0x2  }
0xb9: {  	s3 =	sand.u32 $0x4000, s31;
	s1 =	sadd.s32 s1, s30  }
0xba: {  	s0 =	sor.u32 s3, s0;
	s1 =	sshll.u32 s1, $0x11  }
0xbb: {  	s0 =	sor.u32 s1, s0  }
0xbc: {  	s0 =	sadd.s32 $0x8F2B, s0  }
0xbd: {  	[sflag:s0] =	ssyncadd.remote.s32 $0x1  }
0xbe: {  	_ =	sfence.sel $0xFFFF  }
0xbf: {  	[dreg:$0x0] =	wrdreg $0xFFFFFFFF;
	(pc) =	sbr.abs _section_cstart, $3  }
0xc0: {  	[dreg:$0x1] =	wrdreg $0xFFFFFFFF  }
0xc1: {  	_ =	task.clear_ibuf [dreg:s7], $0x2FFFF;
	_ =	strace $0x9FFFFFFF  }
0xc2: {  	(tm) =	ssettm $0x7FFFFFFF  }
0xc3: {  	_ =	shalt  }
tec
execute0_lowered:
.L_overlay_start_1:
0x0: {  	(tag) =	ssettag $0x1  }
0x1: {  	s0 =	rddreg [dreg:$0x0]  }
0x2: {  	s1 =	srdreg.scid;
	s3 =	stileid.u32  }
0x3: {  	s2 =	rddreg [dreg:$0x1];
	s9 =	simm.s32 $0x9;
	s10 =	simm.s32 $0x80  }
0x4: {  	s11 =	simm.s32 $0x6400;
	s14 =	simm.s32 $0xA400;
	s17 =	simm.s32 $0xE400  }
0x5: {  	s18 =	simm.s32 $0x10400;
	s19 =	simm.s32 $0x1;
	s20 =	simm.s32 $0x12400  }
0x6: {  	s21 =	simm.s32 $0x14400;
	s22 =	simm.s32 $0x2;
	s23 =	simm.s32 $0x3  }
0x7: {  	s24 =	simm.s32 $0x4;
	s25 =	simm.s32 $0x5;
	s28 =	simm.s32 $0x7  }
0x8: {  	s29 =	simm.s32 $0x8;
	s1 =	sand.u32 $0x1, s1;
	s4 =	sshll.u32 s3, $0x1  }
0x9: {  	s30 =	simm.s32 $0x0;
	s3 =	simm.s32 $0x0;
	s6 =	sor.u32 s1, s4  }
0xa: {  	[smem:$0x7FF] =	sst s3;
	s1 =	ssub.s32 $0x2, s1;
	s5 =	smul.u32 $0xC80, s6  }
0xb: {  	s4 =	sadd.s32 $0xF42E00, s0;
	s7 =	smul.u32 $0x32000, s6;
	s26 =	sshrl.u32 s1, $0x1  }
0xc: {  	_ =	strace $0x80000047;
	s6 =	smul.u32 $0x190000, s6;
	s1 =	ssub.s32 s1, s26  }
0xd: {  	s26 =	simm.s32 $0x6;
	s0 =	sadd.s32 s5, s0;
	s31 =	sadd.s32 s7, s2  }
0xe: {  	s7 =	smax.u32 s1, $0x1;
	s5 =	sadd.s32 $0xA00, s0;
	s8 =	sadd.s32 $0x800, s31  }
.LBB2_1:
0xf: {  	[tilespmem:s3], [sflag:$0x9] =	stream.linear.gather [hbm4b:s5+s3], $0x6400, $0x38;
	[tilespmem:$0x16400] =	vst v63  }
0x10: {  	_ =	swait.ge [sflag:s9], $0x6400  }
0x11: {  	[sflag:s9] =	ssyncset.done $0x0  }
0x12: {  	[sflag:s9] =	ssyncadd.s32 $0xFFFF9C00  }
0x13: {  	[tilespmem:s11], [sflag:$0x1] =	stream.indirect.gather [hbm4b:s4+s10], $0x40, s3, s10, $0xb8;
	[tilespmem:$0x16400] =	vst v63  }
0x14: {  	s0 =	simm.s32 $0x8400  }
0x15: {  	[tilespmem:s0], [sflag:$0x1] =	stream.indirect.gather [hbm4b:s4+s10], $0x40, s10, s10, $0xb8;
	[tilespmem:$0x16400] =	vst v63  }
0x16: {  	s15 =	simm.s32 $0x100  }
0x17: {  	[tilespmem:s14], [sflag:$0x2] =	stream.indirect.gather [hbm4b:s4+s10], $0x40, s15, s10, $0xb8;
	[tilespmem:$0x16400] =	vst v63  }
0x18: {  	s16 =	simm.s32 $0x180;
	s1 =	simm.s32 $0xC400;
	s31 =	simm.s32 $0x0  }
0x19: {  	[tilespmem:s1], [sflag:$0x2] =	stream.indirect.gather [hbm4b:s4+s10], $0x40, s16, s10, $0xb8;
	[tilespmem:$0x16400] =	vst v63  }
.LBB2_2:
0x1a: {  	p0 =	seq.s32 s31, $0x0  }
0x1b: {  	s1 =	sshll.u32 s31, $0x2;
	s12 =	simm.s32 @!p0 $0x7  }
0x1c: {  	s0 =	sor.u32 $0x2, s1;
	_ =	swait.ge @!p0 [sflag:s12], $0x4000  }
0x1d: {  	s13 =	sshll.u32 s0, $0x8;
	[sflag:s12] =	ssyncset.done @!p0 $0x0  }
0x1e: {  	s16 =	sand.u32 $0x3FFFFF00, s13;
	[sflag:s12] =	ssyncadd.s32 @!p0 $0xFFFFC000  }
0x1f: {  	[tilespmem:s17], [sflag:$0x3] =	stream.indirect.gather [hbm4b:s4+s10], $0x40, s16, s10, $0xb8;
	[tilespmem:$0x16400] =	vst v63  }
0x20: {  	s12 =	sor.u32 $0x80, s16  }
0x21: {  	[tilespmem:s18], [sflag:$0x3] =	stream.indirect.gather [hbm4b:s4+s10], $0x40, s12, s10, $0xb8;
	[tilespmem:$0x16400] =	vst v63  }
0x22: {  	_ =	swait.ge [sflag:s19], $0x2000  }
0x23: {  	[sflag:s19] =	ssyncset.done $0x0  }
0x24: {  	[sflag:s19] =	ssyncadd.s32 $0xFFFFE000  }
0x25: {  	_ =	swait.ge [sflag:s19], $0x2000  }
0x26: {  	[sflag:s19] =	ssyncset.done $0x0  }
0x27: {  	s12 =	simm.s32 $0x6500;
	[sflag:s19] =	ssyncadd.s32 $0xFFFFE000  }
0x28: {  	v0 =	vld [tilespmem:s12+$0xFFFFFF00]  }
0x29: {  	v1 =	vld [tilespmem:s12+$0xFFFFFF10]  }
0x2a: {  	v2 =	vld [tilespmem:s12+$0xFFFFFF20]  }
0x2b: {  	v3 =	vld [tilespmem:s12+$0xFFFFFF30]  }
0x2c: {  	v4 =	vld [tilespmem:s12+$0xFFFFFF40]  }
0x2d: {  	v5 =	vld [tilespmem:s12+$0xFFFFFF50];
	v0 =	vmul.f32 $8.000000000e+00, v0  }
0x2e: {  	v6 =	vld [tilespmem:s12+$0xFFFFFF60];
	v1 =	vmul.f32 $8.000000000e+00, v1  }
0x2f: {  	[tilespmem:s12+$0xFFFFFF00] =	vst v0;
	v0 =	vmul.f32 $8.000000000e+00, v2;
	v2 =	vld [tilespmem:s12+$0xFFFFFF70]  }
0x30: {  	[tilespmem:s12+$0xFFFFFF10] =	vst v1;
	v1 =	vmul.f32 $8.000000000e+00, v3;
	v3 =	vld [tilespmem:s12+$0xFFFFFF80]  }
0x31: {  	[tilespmem:s12+$0xFFFFFF20] =	vst v0;
	v0 =	vmul.f32 $8.000000000e+00, v4;
	v4 =	vld [tilespmem:s12+$0xFFFFFF90]  }
0x32: {  	[tilespmem:s12+$0xFFFFFF30] =	vst v1;
	v1 =	vmul.f32 $8.000000000e+00, v5;
	v5 =	vld [tilespmem:s12+$0xFFFFFFA0]  }
0x33: {  	[tilespmem:s12+$0xFFFFFF40] =	vst v0;
	v0 =	vmul.f32 $8.000000000e+00, v6;
	v6 =	vld [tilespmem:s12+$0xFFFFFFB0]  }
0x34: {  	[tilespmem:s12+$0xFFFFFF50] =	vst v1;
	v1 =	vmul.f32 $8.000000000e+00, v2;
	v2 =	vld [tilespmem:s12+$0xFFFFFFC0]  }
0x35: {  	[tilespmem:s12+$0xFFFFFF60] =	vst v0;
	v0 =	vmul.f32 $8.000000000e+00, v3;
	v3 =	vld [tilespmem:s12+$0xFFFFFFD0]  }
0x36: {  	[tilespmem:s12+$0xFFFFFF70] =	vst v1;
	v1 =	vmul.f32 $8.000000000e+00, v4;
	v4 =	vld [tilespmem:s12+$0xFFFFFFE0]  }
0x37: {  	[tilespmem:s12+$0xFFFFFF80] =	vst v0;
	v0 =	vmul.f32 $8.000000000e+00, v5;
	v5 =	vld [tilespmem:s12+$0x0]  }
0x38: {  	[tilespmem:s12+$0xFFFFFF90] =	vst v1;
	v1 =	vmul.f32 $8.000000000e+00, v6;
	v6 =	vld [tilespmem:s12+$0x10]  }
0x39: {  	[tilespmem:s12+$0xFFFFFFA0] =	vst v0;
	v0 =	vmul.f32 $8.000000000e+00, v2;
	v2 =	vld [tilespmem:s12+$0x20]  }
0x3a: {  	[tilespmem:s12+$0xFFFFFFB0] =	vst v1;
	v1 =	vmul.f32 $8.000000000e+00, v3;
	v3 =	vld [tilespmem:s12+$0x30]  }
0x3b: {  	[tilespmem:s12+$0xFFFFFFC0] =	vst v0;
	v0 =	vmul.f32 $8.000000000e+00, v4;
	v4 =	vld [tilespmem:s12+$0x40]  }
0x3c: {  	[tilespmem:s12+$0xFFFFFFD0] =	vst v1;
	v1 =	vmul.f32 $8.000000000e+00, v5;
	v5 =	vld [tilespmem:s12+$0x50]  }
0x3d: {  	[tilespmem:s12+$0xFFFFFFE0] =	vst v0;
	v0 =	vmul.f32 $8.000000000e+00, v6;
	v6 =	vld [tilespmem:s12+$0x60]  }
0x3e: {  	[tilespmem:s12+$0x0] =	vst v1;
	v1 =	vmul.f32 $8.000000000e+00, v2;
	v2 =	vld [tilespmem:s12+$0x70]  }
0x3f: {  	[tilespmem:s12+$0x10] =	vst v0;
	v0 =	vmul.f32 $8.000000000e+00, v3;
	v3 =	vld [tilespmem:s12+$0x80]  }
0x40: {  	[tilespmem:s12+$0x20] =	vst v1;
	v1 =	vmul.f32 $8.000000000e+00, v4;
	v4 =	vld [tilespmem:s12+$0x90]  }
0x41: {  	[tilespmem:s12+$0x30] =	vst v0;
	v0 =	vmul.f32 $8.000000000e+00, v5;
	v5 =	vld [tilespmem:s12+$0xA0]  }
0x42: {  	[tilespmem:s12+$0x40] =	vst v1;
	v1 =	vmul.f32 $8.000000000e+00, v6;
	v6 =	vld [tilespmem:s12+$0xB0]  }
0x43: {  	[tilespmem:s12+$0x50] =	vst v0;
	v2 =	vmul.f32 $8.000000000e+00, v2;
	v0 =	vld [tilespmem:s12+$0xC0]  }
0x44: {  	[tilespmem:s12+$0x60] =	vst v1;
	v3 =	vmul.f32 $8.000000000e+00, v3;
	v1 =	vld [tilespmem:s12+$0xD0]  }
0x45: {  	[tilespmem:s12+$0x70] =	vst v2;
	v7 =	vmul.f32 $8.000000000e+00, v4;
	v2 =	vld [tilespmem:s12+$0xE0]  }
0x46: {  	[tilespmem:s12+$0x80] =	vst v3;
	v3 =	vld [tilespmem:s12+$0xF0];
	v5 =	vmul.f32 $8.000000000e+00, v5  }
0x47: {  	s15 =	simm.s32 $0x6700;
	s13 =	simm.s32 $0x0;
	v4 =	vld [tilespmem:s12+$0xFFFFFFF0];
	[tilespmem:s12+$0x90] =	vst v7;
	v6 =	vmul.f32 $8.000000000e+00, v6  }
.LBB2_3:
0x48: {  	v7 =	vld [tilespmem:s15+$0xFFFFFF00];
	[tilespmem:s12+$0xA0] =	vst v5;
	v0 =	vmul.f32 $8.000000000e+00, v0  }
0x49: {  	v5 =	vld [tilespmem:s15+$0xFFFFFF10];
	[tilespmem:s12+$0xB0] =	vst v6;
	v1 =	vmul.f32 $8.000000000e+00, v1  }
0x4a: {  	v6 =	vld [tilespmem:s15+$0xFFFFFF20];
	[tilespmem:s12+$0xC0] =	vst v0;
	v0 =	vmul.f32 $8.000000000e+00, v2  }
0x4b: {  	v2 =	vld [tilespmem:s15+$0xFFFFFF30];
	[tilespmem:s12+$0xD0] =	vst v1;
	v1 =	vmul.f32 $8.000000000e+00, v3  }
0x4c: {  	v3 =	vld [tilespmem:s15+$0xFFFFFF40];
	v4 =	vmul.f32 $8.000000000e+00, v4;
	[tilespmem:s12+$0xE0] =	vst v0  }
0x4d: {  	v0 =	vmul.f32 $8.000000000e+00, v7;
	v7 =	vld [tilespmem:s15+$0xFFFFFF50];
	[tilespmem:s12+$0xF0] =	vst v1  }
0x4e: {  	v1 =	vmul.f32 $8.000000000e+00, v5;
	v5 =	vld [tilespmem:s15+$0xFFFFFF60];
	[tilespmem:s12+$0xFFFFFFF0] =	vst v4;
	s12 =	smov.u32 s15  }
0x4f: {  	[tilespmem:s15+$0xFFFFFF00] =	vst v0;
	v0 =	vmul.f32 $8.000000000e+00, v6;
	v4 =	vld [tilespmem:s15+$0xFFFFFF70]  }
0x50: {  	[tilespmem:s15+$0xFFFFFF10] =	vst v1;
	v1 =	vmul.f32 $8.000000000e+00, v2;
	v2 =	vld [tilespmem:s15+$0xFFFFFF80]  }
0x51: {  	[tilespmem:s15+$0xFFFFFF20] =	vst v0;
	v0 =	vmul.f32 $8.000000000e+00, v3;
	v3 =	vld [tilespmem:s15+$0xFFFFFF90]  }
0x52: {  	[tilespmem:s15+$0xFFFFFF30] =	vst v1;
	v1 =	vmul.f32 $8.000000000e+00, v7;
	v6 =	vld [tilespmem:s15+$0xFFFFFFA0]  }
0x53: {  	[tilespmem:s15+$0xFFFFFF40] =	vst v0;
	v0 =	vmul.f32 $8.000000000e+00, v5;
	v5 =	vld [tilespmem:s15+$0xFFFFFFB0]  }
0x54: {  	[tilespmem:s15+$0xFFFFFF50] =	vst v1;
	v1 =	vmul.f32 $8.000000000e+00, v4;
	v4 =	vld [tilespmem:s15+$0xFFFFFFC0]  }
0x55: {  	[tilespmem:s15+$0xFFFFFF60] =	vst v0;
	v0 =	vmul.f32 $8.000000000e+00, v2;
	v2 =	vld [tilespmem:s15+$0xFFFFFFD0]  }
0x56: {  	[tilespmem:s15+$0xFFFFFF70] =	vst v1;
	v1 =	vmul.f32 $8.000000000e+00, v3;
	v3 =	vld [tilespmem:s15+$0xFFFFFFE0]  }
0x57: {  	[tilespmem:s15+$0xFFFFFF80] =	vst v0;
	v0 =	vmul.f32 $8.000000000e+00, v6;
	v6 =	vld [tilespmem:s15+$0x0]  }
0x58: {  	[tilespmem:s15+$0xFFFFFF90] =	vst v1;
	v1 =	vmul.f32 $8.000000000e+00, v5;
	v5 =	vld [tilespmem:s15+$0x10]  }
0x59: {  	[tilespmem:s15+$0xFFFFFFA0] =	vst v0;
	v0 =	vmul.f32 $8.000000000e+00, v4;
	v4 =	vld [tilespmem:s15+$0x20]  }
0x5a: {  	[tilespmem:s15+$0xFFFFFFB0] =	vst v1;
	v1 =	vmul.f32 $8.000000000e+00, v2;
	v2 =	vld [tilespmem:s15+$0x30]  }
0x5b: {  	[tilespmem:s15+$0xFFFFFFC0] =	vst v0;
	v0 =	vmul.f32 $8.000000000e+00, v3;
	v3 =	vld [tilespmem:s15+$0x40]  }
0x5c: {  	[tilespmem:s15+$0xFFFFFFD0] =	vst v1;
	v1 =	vmul.f32 $8.000000000e+00, v6;
	v6 =	vld [tilespmem:s15+$0x50]  }
0x5d: {  	[tilespmem:s15+$0xFFFFFFE0] =	vst v0;
	v0 =	vmul.f32 $8.000000000e+00, v5;
	v5 =	vld [tilespmem:s15+$0x60]  }
0x5e: {  	[tilespmem:s15+$0x0] =	vst v1;
	v1 =	vmul.f32 $8.000000000e+00, v4;
	v4 =	vld [tilespmem:s15+$0x70]  }
0x5f: {  	[tilespmem:s15+$0x10] =	vst v0;
	v0 =	vmul.f32 $8.000000000e+00, v2;
	v2 =	vld [tilespmem:s15+$0x80]  }
0x60: {  	[tilespmem:s15+$0x20] =	vst v1;
	v1 =	vmul.f32 $8.000000000e+00, v3;
	v3 =	vld [tilespmem:s15+$0x90]  }
0x61: {  	s13 =	sadd.s32 $0x8, s13;
	[tilespmem:s15+$0x30] =	vst v0;
	v0 =	vmul.f32 $8.000000000e+00, v6;
	v6 =	vld [tilespmem:s15+$0xA0]  }
0x62: {  	p1 =	slt.u32 s13, $0xF8;
	[tilespmem:s15+$0x40] =	vst v1;
	v1 =	vmul.f32 $8.000000000e+00, v5;
	v7 =	vld [tilespmem:s15+$0xB0]  }
.Ltmp0:
0x63: {  	[tilespmem:s15+$0x50] =	vst v0;
	v4 =	vmul.f32 $8.000000000e+00, v4;
	v0 =	vld [tilespmem:s15+$0xC0];
	(pc) =	sbr.rel @p1 .LBB2_3-.Ltmp0, $4  }
0x64: {  	[tilespmem:s15+$0x60] =	vst v1;
	v5 =	vmul.f32 $8.000000000e+00, v2;
	v1 =	vld [tilespmem:s15+$0xD0]  }
0x65: {  	[tilespmem:s15+$0x70] =	vst v4;
	v8 =	vmul.f32 $8.000000000e+00, v3;
	v2 =	vld [tilespmem:s15+$0xE0]  }
0x66: {  	[tilespmem:s15+$0x80] =	vst v5;
	v5 =	vmul.f32 $8.000000000e+00, v6;
	v3 =	vld [tilespmem:s15+$0xF0]  }
0x67: {  	s15 =	sadd.s32 $0x200, s15;
	v4 =	vld [tilespmem:s12+$0xFFFFFFF0];
	[tilespmem:s12+$0x90] =	vst v8;
	v6 =	vmul.f32 $8.000000000e+00, v7  }
0x68: {  	[tilespmem:s12+$0xA0] =	vst v5;
	v0 =	vmul.f32 $8.000000000e+00, v0  }
0x69: {  	[tilespmem:s12+$0xB0] =	vst v6;
	v1 =	vmul.f32 $8.000000000e+00, v1  }
0x6a: {  	[tilespmem:s12+$0xC0] =	vst v0;
	v0 =	vmul.f32 $8.000000000e+00, v2  }
0x6b: {  	s13 =	sshll.u32 s31, $0x10;
	[tilespmem:s12+$0xD0] =	vst v1;
	v1 =	vmul.f32 $8.000000000e+00, v3  }
0x6c: {  	s13 =	sadd.s32 s6, s13;
	v2 =	vmul.f32 $8.000000000e+00, v4;
	[tilespmem:s12+$0xE0] =	vst v0  }
0x6d: {  	s13 =	sshrl.u32 s13, $0x3;
	[tilespmem:s12+$0xF0] =	vst v1  }
0x6e: {  	s13 =	sadd.s32 s2, s13;
	[tilespmem:s12+$0xFFFFFFF0] =	vst v2;
	s12 =	simm.s32 @!p0 $0x8  }
0x6f: {  	[hbm4b:s13+s3] =	stream.linear.scatter [tilespmem:s11], [sflag:$0x5], $0x4000, $0x38;
	[tilespmem:$0x16400] =	vst v63  }
0x70: {  	s1 =	sor.u32 $0x3, s1;
	_ =	swait.ge @!p0 [sflag:s12], $0x4000  }
0x71: {  	s15 =	sshll.u32 s1, $0x8;
	[sflag:s12] =	ssyncset.done @!p0 $0x0  }
0x72: {  	s16 =	sand.u32 $0x3FFFFF00, s15;
	[sflag:s12] =	ssyncadd.s32 @!p0 $0xFFFFC000  }
0x73: {  	[tilespmem:s20], [sflag:$0x4] =	stream.indirect.gather [hbm4b:s4+s10], $0x40, s16, s10, $0xb8;
	[tilespmem:$0x16400] =	vst v63  }
0x74: {  	s12 =	sor.u32 $0x80, s16  }
0x75: {  	[tilespmem:s21], [sflag:$0x4] =	stream.indirect.gather [hbm4b:s4+s10], $0x40, s12, s10, $0xb8;
	[tilespmem:$0x16400] =	vst v63  }
0x76: {  	_ =	swait.ge [sflag:s22], $0x2000  }
0x77: {  	[sflag:s22] =	ssyncset.done $0x0  }
0x78: {  	[sflag:s22] =	ssyncadd.s32 $0xFFFFE000  }
0x79: {  	_ =	swait.ge [sflag:s22], $0x2000  }
0x7a: {  	[sflag:s22] =	ssyncset.done $0x0  }
0x7b: {  	s12 =	simm.s32 $0xA500;
	[sflag:s22] =	ssyncadd.s32 $0xFFFFE000  }
0x7c: {  	v0 =	vld [tilespmem:s12+$0xFFFFFF00]  }
0x7d: {  	v1 =	vld [tilespmem:s12+$0xFFFFFF10]  }
0x7e: {  	v2 =	vld [tilespmem:s12+$0xFFFFFF20]  }
0x7f: {  	v3 =	vld [tilespmem:s12+$0xFFFFFF30]  }
0x80: {  	v4 =	vld [tilespmem:s12+$0xFFFFFF40]  }
0x81: {  	v5 =	vld [tilespmem:s12+$0xFFFFFF50];
	v0 =	vmul.f32 $8.000000000e+00, v0  }
0x82: {  	v6 =	vld [tilespmem:s12+$0xFFFFFF60];
	v1 =	vmul.f32 $8.000000000e+00, v1  }
0x83: {  	[tilespmem:s12+$0xFFFFFF00] =	vst v0;
	v0 =	vmul.f32 $8.000000000e+00, v2;
	v2 =	vld [tilespmem:s12+$0xFFFFFF70]  }
0x84: {  	[tilespmem:s12+$0xFFFFFF10] =	vst v1;
	v1 =	vmul.f32 $8.000000000e+00, v3;
	v3 =	vld [tilespmem:s12+$0xFFFFFF80]  }
0x85: {  	[tilespmem:s12+$0xFFFFFF20] =	vst v0;
	v0 =	vmul.f32 $8.000000000e+00, v4;
	v4 =	vld [tilespmem:s12+$0xFFFFFF90]  }
0x86: {  	[tilespmem:s12+$0xFFFFFF30] =	vst v1;
	v1 =	vmul.f32 $8.000000000e+00, v5;
	v5 =	vld [tilespmem:s12+$0xFFFFFFA0]  }
0x87: {  	[tilespmem:s12+$0xFFFFFF40] =	vst v0;
	v0 =	vmul.f32 $8.000000000e+00, v6;
	v6 =	vld [tilespmem:s12+$0xFFFFFFB0]  }
0x88: {  	[tilespmem:s12+$0xFFFFFF50] =	vst v1;
	v1 =	vmul.f32 $8.000000000e+00, v2;
	v2 =	vld [tilespmem:s12+$0xFFFFFFC0]  }
0x89: {  	[tilespmem:s12+$0xFFFFFF60] =	vst v0;
	v0 =	vmul.f32 $8.000000000e+00, v3;
	v3 =	vld [tilespmem:s12+$0xFFFFFFD0]  }
0x8a: {  	[tilespmem:s12+$0xFFFFFF70] =	vst v1;
	v1 =	vmul.f32 $8.000000000e+00, v4;
	v4 =	vld [tilespmem:s12+$0xFFFFFFE0]  }
0x8b: {  	[tilespmem:s12+$0xFFFFFF80] =	vst v0;
	v0 =	vmul.f32 $8.000000000e+00, v5;
	v5 =	vld [tilespmem:s12+$0x0]  }
0x8c: {  	[tilespmem:s12+$0xFFFFFF90] =	vst v1;
	v1 =	vmul.f32 $8.000000000e+00, v6;
	v6 =	vld [tilespmem:s12+$0x10]  }
0x8d: {  	[tilespmem:s12+$0xFFFFFFA0] =	vst v0;
	v0 =	vmul.f32 $8.000000000e+00, v2;
	v2 =	vld [tilespmem:s12+$0x20]  }
0x8e: {  	[tilespmem:s12+$0xFFFFFFB0] =	vst v1;
	v1 =	vmul.f32 $8.000000000e+00, v3;
	v3 =	vld [tilespmem:s12+$0x30]  }
0x8f: {  	[tilespmem:s12+$0xFFFFFFC0] =	vst v0;
	v0 =	vmul.f32 $8.000000000e+00, v4;
	v4 =	vld [tilespmem:s12+$0x40]  }
0x90: {  	[tilespmem:s12+$0xFFFFFFD0] =	vst v1;
	v1 =	vmul.f32 $8.000000000e+00, v5;
	v5 =	vld [tilespmem:s12+$0x50]  }
0x91: {  	[tilespmem:s12+$0xFFFFFFE0] =	vst v0;
	v0 =	vmul.f32 $8.000000000e+00, v6;
	v6 =	vld [tilespmem:s12+$0x60]  }
0x92: {  	[tilespmem:s12+$0x0] =	vst v1;
	v1 =	vmul.f32 $8.000000000e+00, v2;
	v2 =	vld [tilespmem:s12+$0x70]  }
0x93: {  	[tilespmem:s12+$0x10] =	vst v0;
	v0 =	vmul.f32 $8.000000000e+00, v3;
	v3 =	vld [tilespmem:s12+$0x80]  }
0x94: {  	[tilespmem:s12+$0x20] =	vst v1;
	v1 =	vmul.f32 $8.000000000e+00, v4;
	v4 =	vld [tilespmem:s12+$0x90]  }
0x95: {  	[tilespmem:s12+$0x30] =	vst v0;
	v0 =	vmul.f32 $8.000000000e+00, v5;
	v5 =	vld [tilespmem:s12+$0xA0]  }
0x96: {  	[tilespmem:s12+$0x40] =	vst v1;
	v1 =	vmul.f32 $8.000000000e+00, v6;
	v6 =	vld [tilespmem:s12+$0xB0]  }
0x97: {  	[tilespmem:s12+$0x50] =	vst v0;
	v2 =	vmul.f32 $8.000000000e+00, v2;
	v0 =	vld [tilespmem:s12+$0xC0]  }
0x98: {  	[tilespmem:s12+$0x60] =	vst v1;
	v3 =	vmul.f32 $8.000000000e+00, v3;
	v1 =	vld [tilespmem:s12+$0xD0]  }
0x99: {  	[tilespmem:s12+$0x70] =	vst v2;
	v7 =	vmul.f32 $8.000000000e+00, v4;
	v2 =	vld [tilespmem:s12+$0xE0]  }
0x9a: {  	[tilespmem:s12+$0x80] =	vst v3;
	v3 =	vld [tilespmem:s12+$0xF0];
	v5 =	vmul.f32 $8.000000000e+00, v5  }
0x9b: {  	s15 =	simm.s32 $0xA700;
	s13 =	simm.s32 $0x0;
	v4 =	vld [tilespmem:s12+$0xFFFFFFF0];
	[tilespmem:s12+$0x90] =	vst v7;
	v6 =	vmul.f32 $8.000000000e+00, v6  }
.LBB2_5:
0x9c: {  	v7 =	vld [tilespmem:s15+$0xFFFFFF00];
	[tilespmem:s12+$0xA0] =	vst v5;
	v0 =	vmul.f32 $8.000000000e+00, v0  }
0x9d: {  	v5 =	vld [tilespmem:s15+$0xFFFFFF10];
	[tilespmem:s12+$0xB0] =	vst v6;
	v1 =	vmul.f32 $8.000000000e+00, v1  }
0x9e: {  	v6 =	vld [tilespmem:s15+$0xFFFFFF20];
	[tilespmem:s12+$0xC0] =	vst v0;
	v0 =	vmul.f32 $8.000000000e+00, v2  }
0x9f: {  	v2 =	vld [tilespmem:s15+$0xFFFFFF30];
	[tilespmem:s12+$0xD0] =	vst v1;
	v1 =	vmul.f32 $8.000000000e+00, v3  }
0xa0: {  	v3 =	vld [tilespmem:s15+$0xFFFFFF40];
	v4 =	vmul.f32 $8.000000000e+00, v4;
	[tilespmem:s12+$0xE0] =	vst v0  }
0xa1: {  	v0 =	vmul.f32 $8.000000000e+00, v7;
	v7 =	vld [tilespmem:s15+$0xFFFFFF50];
	[tilespmem:s12+$0xF0] =	vst v1  }
0xa2: {  	v1 =	vmul.f32 $8.000000000e+00, v5;
	v5 =	vld [tilespmem:s15+$0xFFFFFF60];
	[tilespmem:s12+$0xFFFFFFF0] =	vst v4;
	s12 =	smov.u32 s15  }
0xa3: {  	[tilespmem:s15+$0xFFFFFF00] =	vst v0;
	v0 =	vmul.f32 $8.000000000e+00, v6;
	v4 =	vld [tilespmem:s15+$0xFFFFFF70]  }
0xa4: {  	[tilespmem:s15+$0xFFFFFF10] =	vst v1;
	v1 =	vmul.f32 $8.000000000e+00, v2;
	v2 =	vld [tilespmem:s15+$0xFFFFFF80]  }
0xa5: {  	[tilespmem:s15+$0xFFFFFF20] =	vst v0;
	v0 =	vmul.f32 $8.000000000e+00, v3;
	v3 =	vld [tilespmem:s15+$0xFFFFFF90]  }
0xa6: {  	[tilespmem:s15+$0xFFFFFF30] =	vst v1;
	v1 =	vmul.f32 $8.000000000e+00, v7;
	v6 =	vld [tilespmem:s15+$0xFFFFFFA0]  }
0xa7: {  	[tilespmem:s15+$0xFFFFFF40] =	vst v0;
	v0 =	vmul.f32 $8.000000000e+00, v5;
	v5 =	vld [tilespmem:s15+$0xFFFFFFB0]  }
0xa8: {  	[tilespmem:s15+$0xFFFFFF50] =	vst v1;
	v1 =	vmul.f32 $8.000000000e+00, v4;
	v4 =	vld [tilespmem:s15+$0xFFFFFFC0]  }
0xa9: {  	[tilespmem:s15+$0xFFFFFF60] =	vst v0;
	v0 =	vmul.f32 $8.000000000e+00, v2;
	v2 =	vld [tilespmem:s15+$0xFFFFFFD0]  }
0xaa: {  	[tilespmem:s15+$0xFFFFFF70] =	vst v1;
	v1 =	vmul.f32 $8.000000000e+00, v3;
	v3 =	vld [tilespmem:s15+$0xFFFFFFE0]  }
0xab: {  	[tilespmem:s15+$0xFFFFFF80] =	vst v0;
	v0 =	vmul.f32 $8.000000000e+00, v6;
	v6 =	vld [tilespmem:s15+$0x0]  }
0xac: {  	[tilespmem:s15+$0xFFFFFF90] =	vst v1;
	v1 =	vmul.f32 $8.000000000e+00, v5;
	v5 =	vld [tilespmem:s15+$0x10]  }
0xad: {  	[tilespmem:s15+$0xFFFFFFA0] =	vst v0;
	v0 =	vmul.f32 $8.000000000e+00, v4;
	v4 =	vld [tilespmem:s15+$0x20]  }
0xae: {  	[tilespmem:s15+$0xFFFFFFB0] =	vst v1;
	v1 =	vmul.f32 $8.000000000e+00, v2;
	v2 =	vld [tilespmem:s15+$0x30]  }
0xaf: {  	[tilespmem:s15+$0xFFFFFFC0] =	vst v0;
	v0 =	vmul.f32 $8.000000000e+00, v3;
	v3 =	vld [tilespmem:s15+$0x40]  }
0xb0: {  	[tilespmem:s15+$0xFFFFFFD0] =	vst v1;
	v1 =	vmul.f32 $8.000000000e+00, v6;
	v6 =	vld [tilespmem:s15+$0x50]  }
0xb1: {  	[tilespmem:s15+$0xFFFFFFE0] =	vst v0;
	v0 =	vmul.f32 $8.000000000e+00, v5;
	v5 =	vld [tilespmem:s15+$0x60]  }
0xb2: {  	[tilespmem:s15+$0x0] =	vst v1;
	v1 =	vmul.f32 $8.000000000e+00, v4;
	v4 =	vld [tilespmem:s15+$0x70]  }
0xb3: {  	[tilespmem:s15+$0x10] =	vst v0;
	v0 =	vmul.f32 $8.000000000e+00, v2;
	v2 =	vld [tilespmem:s15+$0x80]  }
0xb4: {  	[tilespmem:s15+$0x20] =	vst v1;
	v1 =	vmul.f32 $8.000000000e+00, v3;
	v3 =	vld [tilespmem:s15+$0x90]  }
0xb5: {  	s13 =	sadd.s32 $0x8, s13;
	[tilespmem:s15+$0x30] =	vst v0;
	v0 =	vmul.f32 $8.000000000e+00, v6;
	v6 =	vld [tilespmem:s15+$0xA0]  }
0xb6: {  	p0 =	slt.u32 s13, $0xF8;
	[tilespmem:s15+$0x40] =	vst v1;
	v1 =	vmul.f32 $8.000000000e+00, v5;
	v7 =	vld [tilespmem:s15+$0xB0]  }
.Ltmp1:
0xb7: {  	[tilespmem:s15+$0x50] =	vst v0;
	v4 =	vmul.f32 $8.000000000e+00, v4;
	v0 =	vld [tilespmem:s15+$0xC0];
	(pc) =	sbr.rel @p0 .LBB2_5-.Ltmp1, $4  }
0xb8: {  	[tilespmem:s15+$0x60] =	vst v1;
	v5 =	vmul.f32 $8.000000000e+00, v2;
	v1 =	vld [tilespmem:s15+$0xD0]  }
0xb9: {  	[tilespmem:s15+$0x70] =	vst v4;
	v8 =	vmul.f32 $8.000000000e+00, v3;
	v2 =	vld [tilespmem:s15+$0xE0]  }
0xba: {  	[tilespmem:s15+$0x80] =	vst v5;
	v5 =	vmul.f32 $8.000000000e+00, v6;
	v3 =	vld [tilespmem:s15+$0xF0]  }
0xbb: {  	s15 =	sadd.s32 $0x200, s15;
	v4 =	vld [tilespmem:s12+$0xFFFFFFF0];
	[tilespmem:s12+$0x90] =	vst v8;
	v6 =	vmul.f32 $8.000000000e+00, v7  }
0xbc: {  	[tilespmem:s12+$0xA0] =	vst v5;
	v0 =	vmul.f32 $8.000000000e+00, v0  }
0xbd: {  	[tilespmem:s12+$0xB0] =	vst v6;
	v1 =	vmul.f32 $8.000000000e+00, v1  }
0xbe: {  	[tilespmem:s12+$0xC0] =	vst v0;
	v0 =	vmul.f32 $8.000000000e+00, v2  }
0xbf: {  	[tilespmem:s12+$0xD0] =	vst v1;
	v1 =	vmul.f32 $8.000000000e+00, v3  }
0xc0: {  	v2 =	vmul.f32 $8.000000000e+00, v4;
	[tilespmem:s12+$0xE0] =	vst v0  }
0xc1: {  	s13 =	sshll.u32 s31, $0xD;
	p0 =	seq.s32 s31, $0x18;
	[tilespmem:s12+$0xF0] =	vst v1  }
0xc2: {  	s16 =	sadd.s32 s8, s13;
	[tilespmem:s12+$0xFFFFFFF0] =	vst v2;
	s12 =	simm.s32 @!p0 $0x5  }
0xc3: {  	[hbm4b:s16+s3] =	stream.linear.scatter [tilespmem:s14], [sflag:$0x6], $0x4000, $0x38;
	[tilespmem:$0x16400] =	vst v63  }
0xc4: {  	_ =	swait.ge @!p0 [sflag:s12], $0x4000  }
0xc5: {  	s13 =	sshll.u32 @!p0 s31, $0xA;
	[sflag:s12] =	ssyncset.done @!p0 $0x0  }
0xc6: {  	[sflag:s12] =	ssyncadd.s32 @!p0 $0xFFFFC000;
	s12 =	sand.u32 @!p0 $0x3FFFFC00, s13  }
0xc7: {  	s15 =	simm.s32 @!p0 $0x80;
	s16 =	simm.s32 @!p0 $0x6400;
	s13 =	sadd.s32 @!p0 $0x400, s12  }
0xc8: {  	[tilespmem:s16], [sflag:$0x1] =	stream.indirect.gather @!p0 [hbm4b:s4+s15], $0x40, s13, s15, $0xb8;
	[tilespmem:$0x16400] =	vst v63  }
0xc9: {  	s13 =	sadd.s32 @!p0 $0x480, s12;
	s16 =	simm.s32 @!p0 $0x8400  }
0xca: {  	[tilespmem:s16], [sflag:$0x1] =	stream.indirect.gather @!p0 [hbm4b:s4+s15], $0x40, s13, s15, $0xb8;
	[tilespmem:$0x16400] =	vst v63  }
0xcb: {  	_ =	swait.ge [sflag:s23], $0x2000  }
0xcc: {  	[sflag:s23] =	ssyncset.done $0x0  }
0xcd: {  	[sflag:s23] =	ssyncadd.s32 $0xFFFFE000  }
0xce: {  	_ =	swait.ge [sflag:s23], $0x2000  }
0xcf: {  	[sflag:s23] =	ssyncset.done $0x0  }
0xd0: {  	s13 =	simm.s32 $0xE500;
	[sflag:s23] =	ssyncadd.s32 $0xFFFFE000  }
0xd1: {  	v0 =	vld [tilespmem:s13+$0xFFFFFF00]  }
0xd2: {  	v1 =	vld [tilespmem:s13+$0xFFFFFF10]  }
0xd3: {  	v2 =	vld [tilespmem:s13+$0xFFFFFF20]  }
0xd4: {  	v3 =	vld [tilespmem:s13+$0xFFFFFF30]  }
0xd5: {  	v4 =	vld [tilespmem:s13+$0xFFFFFF40]  }
0xd6: {  	v5 =	vld [tilespmem:s13+$0xFFFFFF50];
	v0 =	vmul.f32 $8.000000000e+00, v0  }
0xd7: {  	v6 =	vld [tilespmem:s13+$0xFFFFFF60];
	v1 =	vmul.f32 $8.000000000e+00, v1  }
0xd8: {  	[tilespmem:s13+$0xFFFFFF00] =	vst v0;
	v0 =	vmul.f32 $8.000000000e+00, v2;
	v2 =	vld [tilespmem:s13+$0xFFFFFF70]  }
0xd9: {  	[tilespmem:s13+$0xFFFFFF10] =	vst v1;
	v1 =	vmul.f32 $8.000000000e+00, v3;
	v3 =	vld [tilespmem:s13+$0xFFFFFF80]  }
0xda: {  	[tilespmem:s13+$0xFFFFFF20] =	vst v0;
	v0 =	vmul.f32 $8.000000000e+00, v4;
	v4 =	vld [tilespmem:s13+$0xFFFFFF90]  }
0xdb: {  	[tilespmem:s13+$0xFFFFFF30] =	vst v1;
	v1 =	vmul.f32 $8.000000000e+00, v5;
	v5 =	vld [tilespmem:s13+$0xFFFFFFA0]  }
0xdc: {  	[tilespmem:s13+$0xFFFFFF40] =	vst v0;
	v0 =	vmul.f32 $8.000000000e+00, v6;
	v6 =	vld [tilespmem:s13+$0xFFFFFFB0]  }
0xdd: {  	[tilespmem:s13+$0xFFFFFF50] =	vst v1;
	v1 =	vmul.f32 $8.000000000e+00, v2;
	v2 =	vld [tilespmem:s13+$0xFFFFFFC0]  }
0xde: {  	[tilespmem:s13+$0xFFFFFF60] =	vst v0;
	v0 =	vmul.f32 $8.000000000e+00, v3;
	v3 =	vld [tilespmem:s13+$0xFFFFFFD0]  }
0xdf: {  	[tilespmem:s13+$0xFFFFFF70] =	vst v1;
	v1 =	vmul.f32 $8.000000000e+00, v4;
	v4 =	vld [tilespmem:s13+$0xFFFFFFE0]  }
0xe0: {  	[tilespmem:s13+$0xFFFFFF80] =	vst v0;
	v0 =	vmul.f32 $8.000000000e+00, v5;
	v5 =	vld [tilespmem:s13+$0x0]  }
0xe1: {  	[tilespmem:s13+$0xFFFFFF90] =	vst v1;
	v1 =	vmul.f32 $8.000000000e+00, v6;
	v6 =	vld [tilespmem:s13+$0x10]  }
0xe2: {  	[tilespmem:s13+$0xFFFFFFA0] =	vst v0;
	v0 =	vmul.f32 $8.000000000e+00, v2;
	v2 =	vld [tilespmem:s13+$0x20]  }
0xe3: {  	[tilespmem:s13+$0xFFFFFFB0] =	vst v1;
	v1 =	vmul.f32 $8.000000000e+00, v3;
	v3 =	vld [tilespmem:s13+$0x30]  }
0xe4: {  	[tilespmem:s13+$0xFFFFFFC0] =	vst v0;
	v0 =	vmul.f32 $8.000000000e+00, v4;
	v4 =	vld [tilespmem:s13+$0x40]  }
0xe5: {  	[tilespmem:s13+$0xFFFFFFD0] =	vst v1;
	v1 =	vmul.f32 $8.000000000e+00, v5;
	v5 =	vld [tilespmem:s13+$0x50]  }
0xe6: {  	[tilespmem:s13+$0xFFFFFFE0] =	vst v0;
	v0 =	vmul.f32 $8.000000000e+00, v6;
	v6 =	vld [tilespmem:s13+$0x60]  }
0xe7: {  	[tilespmem:s13+$0x0] =	vst v1;
	v1 =	vmul.f32 $8.000000000e+00, v2;
	v2 =	vld [tilespmem:s13+$0x70]  }
0xe8: {  	[tilespmem:s13+$0x10] =	vst v0;
	v0 =	vmul.f32 $8.000000000e+00, v3;
	v3 =	vld [tilespmem:s13+$0x80]  }
0xe9: {  	[tilespmem:s13+$0x20] =	vst v1;
	v1 =	vmul.f32 $8.000000000e+00, v4;
	v4 =	vld [tilespmem:s13+$0x90]  }
0xea: {  	[tilespmem:s13+$0x30] =	vst v0;
	v0 =	vmul.f32 $8.000000000e+00, v5;
	v5 =	vld [tilespmem:s13+$0xA0]  }
0xeb: {  	[tilespmem:s13+$0x40] =	vst v1;
	v1 =	vmul.f32 $8.000000000e+00, v6;
	v6 =	vld [tilespmem:s13+$0xB0]  }
0xec: {  	[tilespmem:s13+$0x50] =	vst v0;
	v2 =	vmul.f32 $8.000000000e+00, v2;
	v0 =	vld [tilespmem:s13+$0xC0]  }
0xed: {  	[tilespmem:s13+$0x60] =	vst v1;
	v3 =	vmul.f32 $8.000000000e+00, v3;
	v1 =	vld [tilespmem:s13+$0xD0]  }
0xee: {  	[tilespmem:s13+$0x70] =	vst v2;
	v7 =	vmul.f32 $8.000000000e+00, v4;
	v2 =	vld [tilespmem:s13+$0xE0]  }
0xef: {  	[tilespmem:s13+$0x80] =	vst v3;
	v3 =	vld [tilespmem:s13+$0xF0];
	v5 =	vmul.f32 $8.000000000e+00, v5  }
0xf0: {  	s15 =	simm.s32 $0x0;
	s16 =	simm.s32 $0xE700;
	v4 =	vld [tilespmem:s13+$0xFFFFFFF0];
	[tilespmem:s13+$0x90] =	vst v7;
	v6 =	vmul.f32 $8.000000000e+00, v6  }
.LBB2_7:
0xf1: {  	v7 =	vld [tilespmem:s16+$0xFFFFFF00];
	[tilespmem:s13+$0xA0] =	vst v5;
	v0 =	vmul.f32 $8.000000000e+00, v0  }
0xf2: {  	v5 =	vld [tilespmem:s16+$0xFFFFFF10];
	[tilespmem:s13+$0xB0] =	vst v6;
	v1 =	vmul.f32 $8.000000000e+00, v1  }
0xf3: {  	v6 =	vld [tilespmem:s16+$0xFFFFFF20];
	[tilespmem:s13+$0xC0] =	vst v0;
	v0 =	vmul.f32 $8.000000000e+00, v2  }
0xf4: {  	v2 =	vld [tilespmem:s16+$0xFFFFFF30];
	[tilespmem:s13+$0xD0] =	vst v1;
	v1 =	vmul.f32 $8.000000000e+00, v3  }
0xf5: {  	v3 =	vld [tilespmem:s16+$0xFFFFFF40];
	v4 =	vmul.f32 $8.000000000e+00, v4;
	[tilespmem:s13+$0xE0] =	vst v0  }
0xf6: {  	v0 =	vmul.f32 $8.000000000e+00, v7;
	v7 =	vld [tilespmem:s16+$0xFFFFFF50];
	[tilespmem:s13+$0xF0] =	vst v1  }
0xf7: {  	v1 =	vmul.f32 $8.000000000e+00, v5;
	v5 =	vld [tilespmem:s16+$0xFFFFFF60];
	[tilespmem:s13+$0xFFFFFFF0] =	vst v4;
	s13 =	smov.u32 s16  }
0xf8: {  	[tilespmem:s16+$0xFFFFFF00] =	vst v0;
	v0 =	vmul.f32 $8.000000000e+00, v6;
	v4 =	vld [tilespmem:s16+$0xFFFFFF70]  }
0xf9: {  	[tilespmem:s16+$0xFFFFFF10] =	vst v1;
	v1 =	vmul.f32 $8.000000000e+00, v2;
	v2 =	vld [tilespmem:s16+$0xFFFFFF80]  }
0xfa: {  	[tilespmem:s16+$0xFFFFFF20] =	vst v0;
	v0 =	vmul.f32 $8.000000000e+00, v3;
	v3 =	vld [tilespmem:s16+$0xFFFFFF90]  }
0xfb: {  	[tilespmem:s16+$0xFFFFFF30] =	vst v1;
	v1 =	vmul.f32 $8.000000000e+00, v7;
	v6 =	vld [tilespmem:s16+$0xFFFFFFA0]  }
0xfc: {  	[tilespmem:s16+$0xFFFFFF40] =	vst v0;
	v0 =	vmul.f32 $8.000000000e+00, v5;
	v5 =	vld [tilespmem:s16+$0xFFFFFFB0]  }
0xfd: {  	[tilespmem:s16+$0xFFFFFF50] =	vst v1;
	v1 =	vmul.f32 $8.000000000e+00, v4;
	v4 =	vld [tilespmem:s16+$0xFFFFFFC0]  }
0xfe: {  	[tilespmem:s16+$0xFFFFFF60] =	vst v0;
	v0 =	vmul.f32 $8.000000000e+00, v2;
	v2 =	vld [tilespmem:s16+$0xFFFFFFD0]  }
0xff: {  	[tilespmem:s16+$0xFFFFFF70] =	vst v1;
	v1 =	vmul.f32 $8.000000000e+00, v3;
	v3 =	vld [tilespmem:s16+$0xFFFFFFE0]  }
0x100: {  	[tilespmem:s16+$0xFFFFFF80] =	vst v0;
	v0 =	vmul.f32 $8.000000000e+00, v6;
	v6 =	vld [tilespmem:s16+$0x0]  }
0x101: {  	[tilespmem:s16+$0xFFFFFF90] =	vst v1;
	v1 =	vmul.f32 $8.000000000e+00, v5;
	v5 =	vld [tilespmem:s16+$0x10]  }
0x102: {  	[tilespmem:s16+$0xFFFFFFA0] =	vst v0;
	v0 =	vmul.f32 $8.000000000e+00, v4;
	v4 =	vld [tilespmem:s16+$0x20]  }
0x103: {  	[tilespmem:s16+$0xFFFFFFB0] =	vst v1;
	v1 =	vmul.f32 $8.000000000e+00, v2;
	v2 =	vld [tilespmem:s16+$0x30]  }
0x104: {  	[tilespmem:s16+$0xFFFFFFC0] =	vst v0;
	v0 =	vmul.f32 $8.000000000e+00, v3;
	v3 =	vld [tilespmem:s16+$0x40]  }
0x105: {  	[tilespmem:s16+$0xFFFFFFD0] =	vst v1;
	v1 =	vmul.f32 $8.000000000e+00, v6;
	v6 =	vld [tilespmem:s16+$0x50]  }
0x106: {  	[tilespmem:s16+$0xFFFFFFE0] =	vst v0;
	v0 =	vmul.f32 $8.000000000e+00, v5;
	v5 =	vld [tilespmem:s16+$0x60]  }
0x107: {  	[tilespmem:s16+$0x0] =	vst v1;
	v1 =	vmul.f32 $8.000000000e+00, v4;
	v4 =	vld [tilespmem:s16+$0x70]  }
0x108: {  	[tilespmem:s16+$0x10] =	vst v0;
	v0 =	vmul.f32 $8.000000000e+00, v2;
	v2 =	vld [tilespmem:s16+$0x80]  }
0x109: {  	[tilespmem:s16+$0x20] =	vst v1;
	v1 =	vmul.f32 $8.000000000e+00, v3;
	v3 =	vld [tilespmem:s16+$0x90]  }
0x10a: {  	s15 =	sadd.s32 $0x8, s15;
	[tilespmem:s16+$0x30] =	vst v0;
	v0 =	vmul.f32 $8.000000000e+00, v6;
	v6 =	vld [tilespmem:s16+$0xA0]  }
0x10b: {  	p1 =	slt.u32 s15, $0xF8;
	[tilespmem:s16+$0x40] =	vst v1;
	v1 =	vmul.f32 $8.000000000e+00, v5;
	v7 =	vld [tilespmem:s16+$0xB0]  }
.Ltmp2:
0x10c: {  	[tilespmem:s16+$0x50] =	vst v0;
	v4 =	vmul.f32 $8.000000000e+00, v4;
	v0 =	vld [tilespmem:s16+$0xC0];
	(pc) =	sbr.rel @p1 .LBB2_7-.Ltmp2, $4  }
0x10d: {  	[tilespmem:s16+$0x60] =	vst v1;
	v5 =	vmul.f32 $8.000000000e+00, v2;
	v1 =	vld [tilespmem:s16+$0xD0]  }
0x10e: {  	[tilespmem:s16+$0x70] =	vst v4;
	v8 =	vmul.f32 $8.000000000e+00, v3;
	v2 =	vld [tilespmem:s16+$0xE0]  }
0x10f: {  	[tilespmem:s16+$0x80] =	vst v5;
	v5 =	vmul.f32 $8.000000000e+00, v6;
	v3 =	vld [tilespmem:s16+$0xF0]  }
0x110: {  	s16 =	sadd.s32 $0x200, s16;
	v4 =	vld [tilespmem:s13+$0xFFFFFFF0];
	[tilespmem:s13+$0x90] =	vst v8;
	v6 =	vmul.f32 $8.000000000e+00, v7  }
0x111: {  	[tilespmem:s13+$0xA0] =	vst v5;
	v0 =	vmul.f32 $8.000000000e+00, v0  }
0x112: {  	[tilespmem:s13+$0xB0] =	vst v6;
	v1 =	vmul.f32 $8.000000000e+00, v1  }
0x113: {  	[tilespmem:s13+$0xC0] =	vst v0;
	v0 =	vmul.f32 $8.000000000e+00, v2  }
0x114: {  	s0 =	sshll.u32 s0, $0xE;
	[tilespmem:s13+$0xD0] =	vst v1;
	v1 =	vmul.f32 $8.000000000e+00, v3  }
0x115: {  	s0 =	sadd.s32 s6, s0;
	v2 =	vmul.f32 $8.000000000e+00, v4;
	[tilespmem:s13+$0xE0] =	vst v0  }
0x116: {  	s0 =	sshrl.u32 s0, $0x3;
	[tilespmem:s13+$0xF0] =	vst v1  }
0x117: {  	s0 =	sadd.s32 s2, s0;
	[tilespmem:s13+$0xFFFFFFF0] =	vst v2  }
0x118: {  	[hbm4b:s0+s3] =	stream.linear.scatter [tilespmem:s17], [sflag:$0x7], $0x4000, $0x38;
	[tilespmem:$0x16400] =	vst v63  }
0x119: {  	s0 =	simm.s32 @!p0 $0x6  }
0x11a: {  	_ =	swait.ge @!p0 [sflag:s0], $0x4000  }
0x11b: {  	s15 =	simm.s32 @!p0 $0xA400;
	[sflag:s0] =	ssyncset.done @!p0 $0x0  }
0x11c: {  	s13 =	simm.s32 @!p0 $0x80;
	[sflag:s0] =	ssyncadd.s32 @!p0 $0xFFFFC000;
	s0 =	sadd.s32 @!p0 $0x500, s12  }
0x11d: {  	[tilespmem:s15], [sflag:$0x2] =	stream.indirect.gather @!p0 [hbm4b:s4+s13], $0x40, s0, s13, $0xb8;
	[tilespmem:$0x16400] =	vst v63  }
0x11e: {  	s0 =	sadd.s32 @!p0 $0x580, s12;
	s12 =	simm.s32 @!p0 $0xC400  }
0x11f: {  	[tilespmem:s12], [sflag:$0x2] =	stream.indirect.gather @!p0 [hbm4b:s4+s13], $0x40, s0, s13, $0xb8;
	[tilespmem:$0x16400] =	vst v63  }
0x120: {  	_ =	swait.ge [sflag:s24], $0x2000  }
0x121: {  	[sflag:s24] =	ssyncset.done $0x0  }
0x122: {  	[sflag:s24] =	ssyncadd.s32 $0xFFFFE000  }
0x123: {  	_ =	swait.ge [sflag:s24], $0x2000  }
0x124: {  	[sflag:s24] =	ssyncset.done $0x0  }
0x125: {  	s0 =	simm.s32 $0x12500;
	[sflag:s24] =	ssyncadd.s32 $0xFFFFE000  }
0x126: {  	v0 =	vld [tilespmem:s0+$0xFFFFFF00]  }
0x127: {  	v1 =	vld [tilespmem:s0+$0xFFFFFF10]  }
0x128: {  	v2 =	vld [tilespmem:s0+$0xFFFFFF20]  }
0x129: {  	v3 =	vld [tilespmem:s0+$0xFFFFFF30]  }
0x12a: {  	v4 =	vld [tilespmem:s0+$0xFFFFFF40]  }
0x12b: {  	v5 =	vld [tilespmem:s0+$0xFFFFFF50];
	v0 =	vmul.f32 $8.000000000e+00, v0  }
0x12c: {  	v6 =	vld [tilespmem:s0+$0xFFFFFF60];
	v1 =	vmul.f32 $8.000000000e+00, v1  }
0x12d: {  	[tilespmem:s0+$0xFFFFFF00] =	vst v0;
	v0 =	vmul.f32 $8.000000000e+00, v2;
	v2 =	vld [tilespmem:s0+$0xFFFFFF70]  }
0x12e: {  	[tilespmem:s0+$0xFFFFFF10] =	vst v1;
	v1 =	vmul.f32 $8.000000000e+00, v3;
	v3 =	vld [tilespmem:s0+$0xFFFFFF80]  }
0x12f: {  	[tilespmem:s0+$0xFFFFFF20] =	vst v0;
	v0 =	vmul.f32 $8.000000000e+00, v4;
	v4 =	vld [tilespmem:s0+$0xFFFFFF90]  }
0x130: {  	[tilespmem:s0+$0xFFFFFF30] =	vst v1;
	v1 =	vmul.f32 $8.000000000e+00, v5;
	v5 =	vld [tilespmem:s0+$0xFFFFFFA0]  }
0x131: {  	[tilespmem:s0+$0xFFFFFF40] =	vst v0;
	v0 =	vmul.f32 $8.000000000e+00, v6;
	v6 =	vld [tilespmem:s0+$0xFFFFFFB0]  }
0x132: {  	[tilespmem:s0+$0xFFFFFF50] =	vst v1;
	v1 =	vmul.f32 $8.000000000e+00, v2;
	v2 =	vld [tilespmem:s0+$0xFFFFFFC0]  }
0x133: {  	[tilespmem:s0+$0xFFFFFF60] =	vst v0;
	v0 =	vmul.f32 $8.000000000e+00, v3;
	v3 =	vld [tilespmem:s0+$0xFFFFFFD0]  }
0x134: {  	[tilespmem:s0+$0xFFFFFF70] =	vst v1;
	v1 =	vmul.f32 $8.000000000e+00, v4;
	v4 =	vld [tilespmem:s0+$0xFFFFFFE0]  }
0x135: {  	[tilespmem:s0+$0xFFFFFF80] =	vst v0;
	v0 =	vmul.f32 $8.000000000e+00, v5;
	v5 =	vld [tilespmem:s0+$0x0]  }
0x136: {  	[tilespmem:s0+$0xFFFFFF90] =	vst v1;
	v1 =	vmul.f32 $8.000000000e+00, v6;
	v6 =	vld [tilespmem:s0+$0x10]  }
0x137: {  	[tilespmem:s0+$0xFFFFFFA0] =	vst v0;
	v0 =	vmul.f32 $8.000000000e+00, v2;
	v2 =	vld [tilespmem:s0+$0x20]  }
0x138: {  	[tilespmem:s0+$0xFFFFFFB0] =	vst v1;
	v1 =	vmul.f32 $8.000000000e+00, v3;
	v3 =	vld [tilespmem:s0+$0x30]  }
0x139: {  	[tilespmem:s0+$0xFFFFFFC0] =	vst v0;
	v0 =	vmul.f32 $8.000000000e+00, v4;
	v4 =	vld [tilespmem:s0+$0x40]  }
0x13a: {  	[tilespmem:s0+$0xFFFFFFD0] =	vst v1;
	v1 =	vmul.f32 $8.000000000e+00, v5;
	v5 =	vld [tilespmem:s0+$0x50]  }
0x13b: {  	[tilespmem:s0+$0xFFFFFFE0] =	vst v0;
	v0 =	vmul.f32 $8.000000000e+00, v6;
	v6 =	vld [tilespmem:s0+$0x60]  }
0x13c: {  	[tilespmem:s0+$0x0] =	vst v1;
	v1 =	vmul.f32 $8.000000000e+00, v2;
	v2 =	vld [tilespmem:s0+$0x70]  }
0x13d: {  	[tilespmem:s0+$0x10] =	vst v0;
	v0 =	vmul.f32 $8.000000000e+00, v3;
	v3 =	vld [tilespmem:s0+$0x80]  }
0x13e: {  	[tilespmem:s0+$0x20] =	vst v1;
	v1 =	vmul.f32 $8.000000000e+00, v4;
	v4 =	vld [tilespmem:s0+$0x90]  }
0x13f: {  	[tilespmem:s0+$0x30] =	vst v0;
	v0 =	vmul.f32 $8.000000000e+00, v5;
	v5 =	vld [tilespmem:s0+$0xA0]  }
0x140: {  	[tilespmem:s0+$0x40] =	vst v1;
	v1 =	vmul.f32 $8.000000000e+00, v6;
	v6 =	vld [tilespmem:s0+$0xB0]  }
0x141: {  	[tilespmem:s0+$0x50] =	vst v0;
	v2 =	vmul.f32 $8.000000000e+00, v2;
	v0 =	vld [tilespmem:s0+$0xC0]  }
0x142: {  	[tilespmem:s0+$0x60] =	vst v1;
	v3 =	vmul.f32 $8.000000000e+00, v3;
	v1 =	vld [tilespmem:s0+$0xD0]  }
0x143: {  	[tilespmem:s0+$0x70] =	vst v2;
	v7 =	vmul.f32 $8.000000000e+00, v4;
	v2 =	vld [tilespmem:s0+$0xE0]  }
0x144: {  	[tilespmem:s0+$0x80] =	vst v3;
	v3 =	vld [tilespmem:s0+$0xF0];
	v5 =	vmul.f32 $8.000000000e+00, v5  }
0x145: {  	s12 =	simm.s32 $0x0;
	s13 =	simm.s32 $0x12700;
	v4 =	vld [tilespmem:s0+$0xFFFFFFF0];
	[tilespmem:s0+$0x90] =	vst v7;
	v6 =	vmul.f32 $8.000000000e+00, v6  }
.LBB2_9:
0x146: {  	v7 =	vld [tilespmem:s13+$0xFFFFFF00];
	[tilespmem:s0+$0xA0] =	vst v5;
	v0 =	vmul.f32 $8.000000000e+00, v0  }
0x147: {  	v5 =	vld [tilespmem:s13+$0xFFFFFF10];
	[tilespmem:s0+$0xB0] =	vst v6;
	v1 =	vmul.f32 $8.000000000e+00, v1  }
0x148: {  	v6 =	vld [tilespmem:s13+$0xFFFFFF20];
	[tilespmem:s0+$0xC0] =	vst v0;
	v0 =	vmul.f32 $8.000000000e+00, v2  }
0x149: {  	v2 =	vld [tilespmem:s13+$0xFFFFFF30];
	[tilespmem:s0+$0xD0] =	vst v1;
	v1 =	vmul.f32 $8.000000000e+00, v3  }
0x14a: {  	v3 =	vld [tilespmem:s13+$0xFFFFFF40];
	v4 =	vmul.f32 $8.000000000e+00, v4;
	[tilespmem:s0+$0xE0] =	vst v0  }
0x14b: {  	v0 =	vmul.f32 $8.000000000e+00, v7;
	v7 =	vld [tilespmem:s13+$0xFFFFFF50];
	[tilespmem:s0+$0xF0] =	vst v1  }
0x14c: {  	v1 =	vmul.f32 $8.000000000e+00, v5;
	v5 =	vld [tilespmem:s13+$0xFFFFFF60];
	[tilespmem:s0+$0xFFFFFFF0] =	vst v4;
	s0 =	smov.u32 s13  }
0x14d: {  	[tilespmem:s13+$0xFFFFFF00] =	vst v0;
	v0 =	vmul.f32 $8.000000000e+00, v6;
	v4 =	vld [tilespmem:s13+$0xFFFFFF70]  }
0x14e: {  	[tilespmem:s13+$0xFFFFFF10] =	vst v1;
	v1 =	vmul.f32 $8.000000000e+00, v2;
	v2 =	vld [tilespmem:s13+$0xFFFFFF80]  }
0x14f: {  	[tilespmem:s13+$0xFFFFFF20] =	vst v0;
	v0 =	vmul.f32 $8.000000000e+00, v3;
	v3 =	vld [tilespmem:s13+$0xFFFFFF90]  }
0x150: {  	[tilespmem:s13+$0xFFFFFF30] =	vst v1;
	v1 =	vmul.f32 $8.000000000e+00, v7;
	v6 =	vld [tilespmem:s13+$0xFFFFFFA0]  }
0x151: {  	[tilespmem:s13+$0xFFFFFF40] =	vst v0;
	v0 =	vmul.f32 $8.000000000e+00, v5;
	v5 =	vld [tilespmem:s13+$0xFFFFFFB0]  }
0x152: {  	[tilespmem:s13+$0xFFFFFF50] =	vst v1;
	v1 =	vmul.f32 $8.000000000e+00, v4;
	v4 =	vld [tilespmem:s13+$0xFFFFFFC0]  }
0x153: {  	[tilespmem:s13+$0xFFFFFF60] =	vst v0;
	v0 =	vmul.f32 $8.000000000e+00, v2;
	v2 =	vld [tilespmem:s13+$0xFFFFFFD0]  }
0x154: {  	[tilespmem:s13+$0xFFFFFF70] =	vst v1;
	v1 =	vmul.f32 $8.000000000e+00, v3;
	v3 =	vld [tilespmem:s13+$0xFFFFFFE0]  }
0x155: {  	[tilespmem:s13+$0xFFFFFF80] =	vst v0;
	v0 =	vmul.f32 $8.000000000e+00, v6;
	v6 =	vld [tilespmem:s13+$0x0]  }
0x156: {  	[tilespmem:s13+$0xFFFFFF90] =	vst v1;
	v1 =	vmul.f32 $8.000000000e+00, v5;
	v5 =	vld [tilespmem:s13+$0x10]  }
0x157: {  	[tilespmem:s13+$0xFFFFFFA0] =	vst v0;
	v0 =	vmul.f32 $8.000000000e+00, v4;
	v4 =	vld [tilespmem:s13+$0x20]  }
0x158: {  	[tilespmem:s13+$0xFFFFFFB0] =	vst v1;
	v1 =	vmul.f32 $8.000000000e+00, v2;
	v2 =	vld [tilespmem:s13+$0x30]  }
0x159: {  	[tilespmem:s13+$0xFFFFFFC0] =	vst v0;
	v0 =	vmul.f32 $8.000000000e+00, v3;
	v3 =	vld [tilespmem:s13+$0x40]  }
0x15a: {  	[tilespmem:s13+$0xFFFFFFD0] =	vst v1;
	v1 =	vmul.f32 $8.000000000e+00, v6;
	v6 =	vld [tilespmem:s13+$0x50]  }
0x15b: {  	[tilespmem:s13+$0xFFFFFFE0] =	vst v0;
	v0 =	vmul.f32 $8.000000000e+00, v5;
	v5 =	vld [tilespmem:s13+$0x60]  }
0x15c: {  	[tilespmem:s13+$0x0] =	vst v1;
	v1 =	vmul.f32 $8.000000000e+00, v4;
	v4 =	vld [tilespmem:s13+$0x70]  }
0x15d: {  	[tilespmem:s13+$0x10] =	vst v0;
	v0 =	vmul.f32 $8.000000000e+00, v2;
	v2 =	vld [tilespmem:s13+$0x80]  }
0x15e: {  	[tilespmem:s13+$0x20] =	vst v1;
	v1 =	vmul.f32 $8.000000000e+00, v3;
	v3 =	vld [tilespmem:s13+$0x90]  }
0x15f: {  	s12 =	sadd.s32 $0x8, s12;
	[tilespmem:s13+$0x30] =	vst v0;
	v0 =	vmul.f32 $8.000000000e+00, v6;
	v6 =	vld [tilespmem:s13+$0xA0]  }
0x160: {  	p0 =	slt.u32 s12, $0xF8;
	[tilespmem:s13+$0x40] =	vst v1;
	v1 =	vmul.f32 $8.000000000e+00, v5;
	v7 =	vld [tilespmem:s13+$0xB0]  }
.Ltmp3:
0x161: {  	[tilespmem:s13+$0x50] =	vst v0;
	v4 =	vmul.f32 $8.000000000e+00, v4;
	v0 =	vld [tilespmem:s13+$0xC0];
	(pc) =	sbr.rel @p0 .LBB2_9-.Ltmp3, $4  }
0x162: {  	[tilespmem:s13+$0x60] =	vst v1;
	v5 =	vmul.f32 $8.000000000e+00, v2;
	v1 =	vld [tilespmem:s13+$0xD0]  }
0x163: {  	[tilespmem:s13+$0x70] =	vst v4;
	v8 =	vmul.f32 $8.000000000e+00, v3;
	v2 =	vld [tilespmem:s13+$0xE0]  }
0x164: {  	[tilespmem:s13+$0x80] =	vst v5;
	v5 =	vmul.f32 $8.000000000e+00, v6;
	v3 =	vld [tilespmem:s13+$0xF0]  }
0x165: {  	s13 =	sadd.s32 $0x200, s13;
	v4 =	vld [tilespmem:s0+$0xFFFFFFF0];
	[tilespmem:s0+$0x90] =	vst v8;
	v6 =	vmul.f32 $8.000000000e+00, v7  }
0x166: {  	[tilespmem:s0+$0xA0] =	vst v5;
	v0 =	vmul.f32 $8.000000000e+00, v0  }
0x167: {  	s31 =	sadd.s32 $0x1, s31;
	[tilespmem:s0+$0xB0] =	vst v6;
	v1 =	vmul.f32 $8.000000000e+00, v1  }
0x168: {  	p0 =	sne.s32 s31, $0x19;
	[tilespmem:s0+$0xC0] =	vst v0;
	v61 =	vmul.f32 $8.000000000e+00, v2  }
.Ltmp4:
0x169: {  	s1 =	sshll.u32 s1, $0xE;
	[tilespmem:s0+$0xD0] =	vst v1;
	v62 =	vmul.f32 $8.000000000e+00, v3;
	(pc) =	sbr.rel @p0 .LBB2_2-.Ltmp4, $4  }
0x16a: {  	s1 =	sadd.s32 s6, s1;
	v63 =	vmul.f32 $8.000000000e+00, v4;
	[tilespmem:s0+$0xE0] =	vst v61  }
0x16b: {  	s1 =	sshrl.u32 s1, $0x3;
	[tilespmem:s0+$0xF0] =	vst v62  }
0x16c: {  	s16 =	sadd.s32 s2, s1;
	[tilespmem:s0+$0xFFFFFFF0] =	vst v63  }
0x16d: {  	[hbm4b:s16+s3] =	stream.linear.scatter [tilespmem:s20], [sflag:$0x8], $0x4000, $0x38;
	[tilespmem:$0x16400] =	vst v63  }
0x16e: {  	_ =	swait.ge [sflag:s25], $0x4000  }
0x16f: {  	[sflag:s25] =	ssyncset.done $0x0  }
0x170: {  	[sflag:s25] =	ssyncadd.s32 $0xFFFFC000  }
0x171: {  	_ =	swait.ge [sflag:s26], $0x4000  }
0x172: {  	[sflag:s26] =	ssyncset.done $0x0  }
0x173: {  	s30 =	sadd.s32 $0x1, s30;
	[sflag:s26] =	ssyncadd.s32 $0xFFFFC000  }
0x174: {  	p0 =	sne.s32 s30, s7;
	_ =	swait.ge [sflag:s28], $0x4000  }
.Ltmp5:
0x175: {  	[sflag:s28] =	ssyncset.done $0x0;
	(pc) =	sbr.rel @p0 .LBB2_1-.Ltmp5, $4  }
0x176: {  	[sflag:s28] =	ssyncadd.s32 $0xFFFFC000  }
0x177: {  	_ =	swait.ge [sflag:s29], $0x4000  }
0x178: {  	[sflag:s29] =	ssyncset.done $0x0  }
0x179: {  	[sflag:s29] =	ssyncadd.s32 $0xFFFFC000  }
0x17a: {  	_ =	sfence.sel $0x180000  }
0x17b: {  	[bflag:$0x0] =	sbarrier.arrive $0xFFFF  }
0x17c: {  	_ =	strace $0x90000047  }
0x17d: {  	s0 =	stileid.u32;
	[bflag:$0x2] =	sbarrier.arrive $0xFFFF  }
0x17e: {  	p0 =	sne.s32 s0, $0x0;
	s0 =	rddreg [dreg:$0x2]  }
0x17f: {  	s0 =	sadd.s32 @!p0 $0x100000, s0  }
0x180: {  	[sflag:s0] =	ssyncadd.tile.s32 @!p0 $0x1;
	_ =	shalt  }
.Lfunc_end2:
_tile_overlayer_lowered:
.L_overlay_start_2:
0x181: {  	(tag) =	ssettag $0x2  }
0x182: {  	s0 =	rddreg [dreg:$0x0];
	s2 =	stileid.u32  }
0x183: {  	s1 =	rddreg [dreg:$0x1];
	p0 =	sne.s32 s2, $0x0  }
0x184: {  	s3 =	rddreg [dreg:$0x2];
	[bflag:$0x3] =	sbarrier.arrive $0xFFFF;
	s2 =	simm.s32 @!p0 $0x1C09  }
0x185: {  	[timem:s3], [sflag:s2] =	dma.local @!p0 [hbm:s0], s1  }
0x186: {  	s0 =	simm.s32 @!p0 $0x9  }
0x187: {  	_ =	swait.ge @!p0 [sflag:s0], s1  }
0x188: {  	s1 =	ssub.s32 @!p0 $0x0, s1;
	[sflag:s0] =	ssyncset.done @!p0 $0x0  }
0x189: {  	[sflag:s0] =	ssyncadd.s32 @!p0 s1  }
0x18a: {  	[bflag:$0x3] =	sbarrier.arrive $0xFFFF  }
0x18b: {  	_ =	shalt  }

// kernel: sparse-core-data-format-call.cloned.1.call-start
scs
called_computation_lowered:
.L_overlay_start_0:
0x0: {  	s2 =	sld [smem:$0x3FD9]  }
0x1: {  	s3 =	sld [smem:$0x3FFE];
	_ =	sdelay $0x1  }
0x2: {  	s1 =	srdreg.scid  }
0x3: {  	s0 =	sand.u32 $0x1, s1  }
0x4: {  	s18 =	sshll.u32 s0, $0xA;
	s2 =	sadd.s32 s3, s2  }
0x5: {  	s2 =	sadd.s32 s2, s18  }
0x6: {  	[smem:$0x3FC6] =	sst s2  }
0x7: {  	_ = 	snop  }
0x8: {  	s2 =	sld [smem:$0x3FD0];
	(tm) =	ssettm $0x1  }
0x9: {  	s19 =	sld [smem:$0x3FFB];
	_ =	sdelay $0x3  }
0xa: {  	_ =	strace s19  }
0xb: {  	s3 =	sld [smem:$0x3FFC];
	_ =	sdelay $0x3  }
0xc: {  	_ =	strace s3  }
0xd: {  	s3 =	sld [smem:$0x3FFD];
	_ =	sdelay $0x3  }
0xe: {  	_ =	strace s3  }
0xf: {  	_ =	strace $0x8FFFFFFF  }
0x10: {  	s20 =	sld [smem:$0x3FDB];
	_ =	sdelay $0x1  }
0x11: {  	s4 =	simm.s32 $_scs_section_size  }
0x12: {  	s5 =	simm.s32 $_size__tile_overlayer_lowered;
	s6 =	simm.s32 $_tile_overlayer_lowered  }
0x13: {  	s23 =	simm.s32 $0x1BFF;
	s22 =	sshll.u32 s6, $0x1;
	s3 =	sadd.s32 s4, s20  }
0x14: {  	s7 =	simm.s32 $0x0;
	s21 =	sshll.u32 s5, $0x1;
	s5 =	sadd.s32 s22, s3  }
0x15: {  	[timem:s7], [sflag:s23] =	dma.local [hbm:s5], s21  }
0x16: {  	_ =	swait.ge [sflag:s23], s21  }
0x17: {  	s4 =	ssub.s32 $0x0, s21;
	[sflag:s23] =	ssyncset.done $0x0  }
0x18: {  	[sflag:s23] =	ssyncadd.s32 s4;
	_ =	sdelay $0x1  }
0x19: {  	s24 =	simm.s32 $0x1B8B  }
0x1a: {  	_ =	swait.ge [sflag:s24], $0x1  }
0x1b: {  	[sflag:s24] =	ssyncset.done $0x0  }
0x1c: {  	s26 =	simm.s32 $0x1B8E;
	s25 =	sld [smem:$0x3FFE];
	[sflag:s24] =	ssyncadd.s32 $0xFFFFFFFF  }
0x1d: {  	s27 =	simm.s32 $execute0_lowered;
	[smem:$0x3FD2] =	sst s26  }
0x1e: {  	s5 =	sshll.u32 s27, $0x1;
	_ =	strace $0x80000049;
	[dreg:$0x1] =	wrdreg $0xFFFFFFFF  }
0x1f: {  	s28 =	simm.s32 $_size_execute0_lowered;
	s3 =	sadd.s32 s3, s5;
	[dreg:$0x0] =	wrdreg $0x0  }
0x20: {  	s5 =	sshll.u32 s28, $0x1;
	[dreg:$0x2] =	wrdreg s3  }
0x21: {  	[dreg:$0x3] =	wrdreg s5  }
0x22: {  	[dreg:$0x4] =	wrdreg $0xC0  }
0x23: {  	_ =	task [dreg:s7], $0x5FFFF  }
0x24: {  	[dreg:$0x1] =	wrdreg $0xFFFFFFFF  }
0x25: {  	[dreg:$0x0] =	wrdreg $0x60  }
0x26: {  	[dreg:$0x2] =	wrdreg s25  }
0x27: {  	[dreg:$0x3] =	wrdreg s2  }
0x28: {  	[dreg:$0x4] =	wrdreg $0x9  }
0x29: {  	_ =	task.clear_ibuf [dreg:s7], $0x5FFFF;
	_ =	strace $0x90000049  }
0x2a: {  	s29 =	simm.s32 $0x9;
	_ =	strace $0x8000004B  }
0x2b: {  	_ =	swait.ge [sflag:s29], $0x1  }
0x2c: {  	[sflag:s29] =	ssyncadd.s32 $0xFFFFFFFF  }
0x2d: {  	_ =	strace $0x9000004B  }
0x2e: {  	_ =	sfence  }
0x2f: {  	s30 =	sld [smem:$0x0];
	_ =	sdelay $0x2  }
0x30: {  	s31 =	sshll.u32 s1, $0xD;
	s1 =	sshrl.u32 s1, $0x2  }
0x31: {  	s3 =	sand.u32 $0x4000, s31;
	s1 =	sadd.s32 s1, s30  }
0x32: {  	s0 =	sor.u32 s3, s0;
	s1 =	sshll.u32 s1, $0x11  }
0x33: {  	s0 =	sor.u32 s1, s0  }
0x34: {  	s0 =	sadd.s32 $0x8F2B, s0  }
0x35: {  	[sflag:s0] =	ssyncadd.remote.s32 $0x1  }
0x36: {  	_ =	sfence.sel $0xFFFF  }
0x37: {  	[dreg:$0x0] =	wrdreg $0xFFFFFFFF;
	(pc) =	sbr.abs _section_cstart, $3  }
0x38: {  	[dreg:$0x1] =	wrdreg $0xFFFFFFFF  }
0x39: {  	_ =	task.clear_ibuf [dreg:s7], $0x2FFFF;
	_ =	strace $0x9FFFFFFF  }
0x3a: {  	(tm) =	ssettm $0x7FFFFFFF  }
0x3b: {  	_ =	shalt  }
tec
execute0_lowered:
.L_overlay_start_1:
0x0: {  	(tag) =	ssettag $0x1  }
0x1: {  	s0 =	srdreg.scid  }
0x2: {  	s1 =	sshll.u32 s0, $0x4  }
0x3: {  	s0 =	stileid.u32;
	s1 =	sand.u32 $0x10, s1  }
0x4: {  	s1 =	sor.u32 s0, s1  }
0x5: {  	s6 =	rddreg [dreg:$0x0];
	s4 =	simm.s32 $0x1;
	s2 =	sshll.u32 s1, $0x7  }
0x6: {  	s7 =	simm.s32 $0x2;
	s12 =	simm.s32 $0x0;
	s1 =	ssub.s32 $0x1000, s2  }
0x7: {  	s8 =	simm.s32 $0x8000;
	s13 =	simm.s32 $0x0;
	s3 =	sand.u32 $0xF80, s1  }
0x8: {  	s9 =	simm.s32 $0x0;
	s5 =	sshrl.u32 s1, $0xC;
	p0 =	sne.s32 s3, $0x0  }
.Ltmp0:
0x9: {  	s1 =	rddreg [dreg:$0x2];
	s4 =	simm.s32 @!p0 $0x0;
	(pc) =	sbr.rel .LBB1_1-.Ltmp0, $4  }
0xa: {  	s11 =	simm.s32 $0x0;
	s3 =	rddreg [dreg:$0x1];
	s5 =	sadd.s32 s4, s5  }
0xb: {  	_ =	strace $0x8000004A;
	s4 =	simm.s32 $0x1;
	s5 =	smul.u32 $0xC8, s5  }
0xc: {  	s6 =	sadd.s32 $0xA00, s6;
	s10 =	smov.u32 s2;
	[sflag:s4] =	ssyncpa.u1 $0x0  }
0xd: {  	p0 =	por $0x0, $0x0;
	[sflag:s7] =	ssyncpa.u1 $0x0;
	s7 =	sor.u32 $0x1, s5  }
.LBB1_4:
0xe: {  	s16 =	sshll.u32 s13, $0x3;
	s17 =	sand.u32 $0x78, s13  }
0xf: {  	s30 =	sand.u32 $0x7E00, s13;
	s12 =	sshll.u32 s12, $0xF;
	s16 =	sand.u32 $0xC00, s16  }
0x10: {  	[tilespmem:s15+$0x810 ss:$0x81] =	vst.msk $0xffff, v2;
	s31 =	sand.u32 $0x7, s13;
	s16 =	sor.u32 s17, s16;
	s17 =	sadd.s32 s3, s30  }
0x11: {  	[tilespmem:s15+$0x1020 ss:$0x81] =	vst.msk $0xffff, v0;
	s13 =	sshll.u32 s31, $0x12;
	s12 =	sadd.s32 s12, s17;
	s16 =	sshrl.u32 s16, $0x3  }
0x12: {  	[tilespmem:s15+$0x0 ss:$0x81] =	vst.msk $0xffff, v1;
	s13 =	sor.u32 $0x400, s13;
	s12 =	sadd.s32 s16, s12  }
0x13: {  	[hbm4b:s12+s13] =	stream.strided.scatter [tilespmem:s14], [sflag:$0x2], $0x2000, s8, s13, $0x20;
	[tilespmem:$0x8080] =	vst v63  }
.LBB1_5:
0x14: {  	s14 =	sadd.s32 $0x1, s9  }
0x15: {  	s12 =	sadd.s32 $0x1000, s10;
	s16 =	smov.u32 s10;
	p2 =	sgt.s32 s14, $0xC7  }
0x16: {  	s16 =	smov.u32 @p2 s12  }
0x17: {  	s14 =	simm.s32 @p2 $0x0;
	p2 =	sgt.s32 s16, $0xFFF  }
0x18: {  	s16 =	smov.u32 @p2 s2;
	p2 =	sne.s32 s11, s7  }
.Ltmp1:
0x19: {  	p1 =	slt.u32 s11, $0x2;
	(pc) =	sbr.rel @!p2 .LBB1_6-.Ltmp1, $4  }
0x1a: {  	s15 =	simm.s32 @!p1 $0x2  }
0x1b: {  	s13 =	smov.u32 s10;
	p0 =	por !p0, !p0;
	_ =	swait.ge @!p1 [sflag:s15], $0x2000  }
0x1c: {  	s12 =	smov.u32 s9;
	[sflag:s15] =	ssyncset.done @!p1 $0x0;
	s9 =	smov.u32 s14  }
0x1d: {  	s11 =	sadd.s32 $0x1, s11;
	[sflag:s15] =	ssyncadd.s32 @!p1 $0xFFFFE000;
	s10 =	smov.u32 s16  }
.LBB1_1:
0x1e: {  	p1 =	sge.u32 s11, s5  }
0x1f: {  	s14 =	sand.u32 @!p1 $0x1FFFFFF, s9  }
0x20: {  	s15 =	smulhi.u32 @!p1 $0x147AE15, s14;
	_ =	sdelay $0x1  }
0x21: {  	s15 =	smul.u32 @!p1 $0xC8, s15  }
0x22: {  	s16 =	sxor.u32 @!p1 $0xFFFFFFFF, s11;
	s17 =	smul.u32 @!p1 $0xC80, s10  }
0x23: {  	s31 =	sadd.s32 $0xFFFFFFFF, s11;
	s16 =	sshll.u32 @!p1 s16, $0xD;
	s14 =	ssub.s32 @!p1 s14, s15  }
0x24: {  	s15 =	sand.u32 @!p1 $0x2000, s16;
	s16 =	sadd.s32 @!p1 s6, s17;
	s14 =	sshll.u32 @!p1 s14, $0x4  }
0x25: {  	s17 =	simm.s32 @!p1 $0x6400;
	s14 =	sadd.s32 @!p1 s14, s16;
	s16 =	simm.s32 @!p1 $0x40  }
0x26: {  	[tilespmem:s15], [sflag:$0x1] =	stream.strided.gather @!p1 [hbm4b:s14+s16], $0x2000, s17, s16, $0x38;
	[tilespmem:$0x8080] =	vst v63  }
0x27: {  	p1 =	sge.u32 s31, s5  }
.Ltmp2:
0x28: {  	_ = 	snop;
	(pc) =	sbr.rel @p1 .LBB1_5-.Ltmp2, $1  }
0x29: {  	_ =	sdelay $0x3  }
0x2a: {  	s14 =	simm.s32 $0x1  }
0x2b: {  	_ =	swait.ge [sflag:s4], $0x2000;
	s14 =	simm.s32 @!p0 $0x0  }
0x2c: {  	[sflag:s4] =	ssyncset.done $0x0;
	s15 =	sshll.u32 s14, $0xD  }
0x2d: {  	[sflag:s4] =	ssyncadd.s32 $0xFFFFE000;
	s18 =	sor.u32 $0x20, s15  }
0x2e: {  	s14 =	smul.u32 $0x8100, s14;
	v3 =	vld [tilespmem:s18+$0x10]  }
0x2f: {  	s30 =	sand.u32 $0x1, s11;
	v2 =	vld [tilespmem:s18+$0xFFFFFFF0]  }
0x30: {  	s15 =	smul.u32 $0x8100, s30;
	s14 =	sshrl.u32 s14, $0x2;
	v0 =	vld [tilespmem:s18+$0x0]  }
0x31: {  	v1 =	vld [tilespmem:s18+$0xFFFFFFE0];
	s16 =	sor.u32 $0x4000, s14  }
0x32: {  	s31 =	sshrl.u32 s15, $0x2;
	s15 =	sadd.s32 $0x0, s16  }
0x33: {  	s17 =	simm.s32 $0x4;
	s18 =	sadd.s32 $0x40, s18;
	s14 =	sor.u32 $0x4000, s31;
	[tilespmem:s15+$0x1830 ss:$0x81] =	vst.msk $0xffff, v3  }
.LBB1_3:
0x34: {  	v3 =	vld [tilespmem:s18+$0x10];
	p1 =	sne.s32 s17, $0x1FC;
	[tilespmem:s15+$0x810 ss:$0x81] =	vst.msk $0xffff, v2;
	s19 =	smov.u32 s17;
	s17 =	sadd.s32 $0x4, s17  }
.Ltmp3:
0x35: {  	v2 =	vld [tilespmem:s18+$0xFFFFFFF0];
	[tilespmem:s15+$0x1020 ss:$0x81] =	vst.msk $0xffff, v0;
	(pc) =	sbr.rel @p1 .LBB1_3-.Ltmp3, $4  }
0x36: {  	v0 =	vld [tilespmem:s18+$0x0];
	[tilespmem:s15+$0x0 ss:$0x81] =	vst.msk $0xffff, v1  }
0x37: {  	s15 =	sshra.s32 s19, $0x2;
	v1 =	vld [tilespmem:s18+$0xFFFFFFE0]  }
0x38: {  	s15 =	sadd.s32 s15, s16  }
0x39: {  	s18 =	sadd.s32 $0x40, s18;
	[tilespmem:s15+$0x1830 ss:$0x81] =	vst.msk $0xffff, v3  }
.Ltmp4:
0x3a: {  	_ = 	snop;
	(pc) =	sbr.rel .LBB1_4-.Ltmp4, $1  }
0x3b: {  	_ =	sdelay $0x3  }
.LBB1_6:
0x3c: {  	_ =	sfence.sel $0x180000  }
0x3d: {  	s2 =	simm.s32 $0x1;
	[bflag:$0x0] =	sbarrier.arrive $0xFFFF  }
0x3e: {  	s31 =	simm.s32 $0x2;
	[sflag:s2] =	ssyncpa.u1 $0x1  }
0x3f: {  	[sflag:s31] =	ssyncpa.u1 $0x1  }
0x40: {  	p0 =	sne.s32 s0, $0x0;
	_ =	strace $0x9000004A  }
0x41: {  	s0 =	sadd.s32 @!p0 $0x100000, s1;
	[bflag:$0x2] =	sbarrier.arrive $0xFFFF  }
0x42: {  	[sflag:s0] =	ssyncadd.tile.s32 @!p0 $0x1;
	_ =	shalt  }
.Lfunc_end1:
_tile_overlayer_lowered:
.L_overlay_start_2:
0x43: {  	(tag) =	ssettag $0x2  }
0x44: {  	s0 =	rddreg [dreg:$0x0];
	s2 =	stileid.u32  }
0x45: {  	s1 =	rddreg [dreg:$0x1];
	p0 =	sne.s32 s2, $0x0  }
0x46: {  	s3 =	rddreg [dreg:$0x2];
	[bflag:$0x3] =	sbarrier.arrive $0xFFFF;
	s2 =	simm.s32 @!p0 $0x1C01  }
0x47: {  	[timem:s3], [sflag:s2] =	dma.local @!p0 [hbm:s0], s1  }
0x48: {  	s0 =	simm.s32 @!p0 $0x1  }
0x49: {  	_ =	swait.ge @!p0 [sflag:s0], s1  }
0x4a: {  	s1 =	ssub.s32 @!p0 $0x0, s1;
	[sflag:s0] =	ssyncset.done @!p0 $0x0  }
0x4b: {  	[sflag:s0] =	ssyncadd.s32 @!p0 s1  }
0x4c: {  	[bflag:$0x3] =	sbarrier.arrive $0xFFFF  }
0x4d: {  	_ =	shalt  }

</sc_bundles>
